<compile_context>
chip_gen: v7x
topology: tpu7x:2x2x1
jax: 0.10.2.dev20260603
libtpu: 0.0.44.dev20260713+nightly
codegen_flags: <defaults>
</compile_context>

<pallas_src>
import functools
import jax
import jax.numpy as jnp
from jax import lax
from jax.experimental import pallas as pl
from jax.experimental.pallas import tpu as pltpu
from jax.experimental.pallas import tpu_sc as plsc

LENGTH = 1024
EMBED_DIM = 1024
DIM = EMBED_DIM // 2
HALF = DIM
NVAL = 32

_NC = 2
_NS = 16
_NW = _NC * _NS

_B_TOTAL = 64 * 1024
_B_PER_W = _B_TOTAL // _NW
_CHUNK = 32
_NCHUNK = _B_PER_W // _CHUNK


def _table2_body(fa_ref, fb_ref, out_ref):
    v = lax.broadcasted_iota(jnp.int32, (2 * NVAL, HALF), 0)
    d = lax.broadcasted_iota(jnp.int32, (2 * NVAL, HALF), 1)
    coord = jnp.where(v < NVAL, v, v - NVAL).astype(jnp.float32)
    freq = jnp.where(v < NVAL, fa_ref[...], fb_ref[...])
    ang = coord * freq
    out_ref[...] = jnp.where(d % 2 == 0, jnp.sin(ang), jnp.cos(ang))


def _build_table2(fa, fb):
    return pl.pallas_call(
        _table2_body,
        out_shape=jax.ShapeDtypeStruct((2 * NVAL, HALF), jnp.float32),
    )(fa, fb)


def _make_sc_expand():
    mesh = plsc.VectorSubcoreMesh(core_axis_name="c", subcore_axis_name="s")

    @functools.partial(
        pl.kernel,
        mesh=mesh,
        out_type=jax.ShapeDtypeStruct((_B_TOTAL, EMBED_DIM), jnp.float32),
        scratch_types=[
            pltpu.VMEM((2 * NVAL, HALF), jnp.float32),
            pltpu.VMEM((_B_PER_W,), jnp.int32),
            pltpu.VMEM_SHARED((_NS, _B_PER_W), jnp.int32),
            pltpu.SMEM((_CHUNK,), jnp.int32),
            pltpu.VMEM((_CHUNK, EMBED_DIM), jnp.float32),
            pltpu.VMEM((_CHUNK, EMBED_DIM), jnp.float32),
            pltpu.SemaphoreType.DMA,
            pltpu.SemaphoreType.DMA,
        ],
    )
    def sc_expand(table2_hbm, idx_hbm, out_hbm,
                  table2_v, x_v, x_sp, x_sm, stag0, stag1, ssem0, ssem1):
        sid = lax.axis_index("s")
        wid = sid * _NC + lax.axis_index("c")
        base = wid * _B_PER_W
        stag = (stag0, stag1)
        ssems = (ssem0, ssem1)
        pltpu.sync_copy(table2_hbm, table2_v)
        pltpu.sync_copy(idx_hbm.at[wid], x_v)
        pltpu.sync_copy(x_v, x_sp.at[sid])

        def out_slab(c):
            return out_hbm.at[pl.ds(base + c * _CHUNK, _CHUNK)]

        def drain_scatter(c, b):
            pltpu.make_async_copy(stag[b], out_slab(c), ssems[b]).wait()

        def do_chunk(c, b):
            pltpu.sync_copy(x_sp.at[sid, pl.ds(c * _CHUNK, _CHUNK)], x_sm)

            @plsc.parallel_loop(0, _CHUNK, 1, unroll=4)
            def pos_body(p):
                xi = x_sm[p]
                sw = jnp.bitwise_and(xi, NVAL - 1)
                sh = jnp.right_shift(xi, 5) + NVAL
                _BB = 4

                def load_block(j0):
                    vw = [table2_v[sw, pl.ds(16 * (j0 + t), 16)]
                          for t in range(_BB)]
                    vh = [table2_v[sh, pl.ds(16 * (j0 + t), 16)]
                          for t in range(_BB)]
                    return vw, vh

                def store_block(j0, blk):
                    vw, vh = blk
                    for t in range(_BB):
                        stag[b][p, pl.ds(16 * (j0 + t), 16)] = vw[t]
                        stag[b][p, pl.ds(HALF + 16 * (j0 + t), 16)] = vh[t]

                nblk = HALF // 16 // _BB
                prev = load_block(0)
                for k in range(1, nblk):
                    cur = load_block(_BB * k)
                    store_block(_BB * (k - 1), prev)
                    prev = cur
                store_block(_BB * (nblk - 1), prev)

            pltpu.async_copy(stag[b], out_slab(c), ssems[b])

        def body(i, _):
            for b in range(2):
                c = 2 * i + b

                @pl.when(i > 0)
                def _():
                    drain_scatter(c - 2, b)

                do_chunk(c, b)
            return 0

        lax.fori_loop(0, _NCHUNK // 2, body, 0)
        for b in range(2):
            drain_scatter(_NCHUNK - 2 + b, b)

    return sc_expand


def kernel(x, div, hw_idx):
    Bc, Lc = x.shape
    fa = jnp.repeat(div[:DIM // 2], 2).reshape(1, HALF)
    fb = jnp.repeat(div[DIM // 2:], 2).reshape(1, HALF)
    table2 = _build_table2(fa, fb)
    idx = x.reshape(_NW, _B_PER_W).astype(jnp.int32)
    out = _make_sc_expand()(table2, idx)
    return out.reshape(Bc, Lc, EMBED_DIM)

# --- scband reference (transcript-rebuilt; emitter-appended) ---
"""Pipeline reference for scband-sinusoidal2-dpositional-embed-85255100826116 (READ-ONLY COPY).

The authoritative reference and input builder live on the scoring server;
editing this copy changes nothing except your own understanding.
"""

import jax, jax.numpy as jnp
import numpy as np
import math

LENGTH = 1024
HW = 32  # int(LENGTH ** 0.5)
EMBED_DIM = 1024
DIM = EMBED_DIM // 2  # 512
B = 64
L = 1024


def setup_inputs(seed: int = 0) -> dict:
    key = jax.random.key(seed)
    x = jax.random.randint(key, (B, L), 0, LENGTH)
    # learnable div parameter, initialized as in torch __init__
    div = jnp.exp(jnp.arange(0.0, DIM, 2, dtype=jnp.float32) * -(math.log(10000.0) / DIM))
    div = jnp.concatenate([div, div])  # repeat([2]) -> shape [DIM]
    # hw_idx buffer: [[h, w] for h in range(HW) for w in range(HW)] -> [LENGTH, 2]
    hh, ww = jnp.meshgrid(jnp.arange(HW), jnp.arange(HW), indexing='ij')
    hw_idx = jnp.stack([hh, ww], axis=-1).reshape(LENGTH, 2).astype(jnp.float32)
    return {"x": x, "div": div, "hw_idx": hw_idx}


def reference(x, div, hw_idx):
    Bc, Lc = x.shape
    dim = DIM
    # gather per-position (h, w) coordinates
    pos_w = hw_idx[x, 1][..., None]  # [B, L, 1]
    pos_h = hw_idx[x, 0][..., None]  # [B, L, 1]
    pos_embed = jnp.zeros((Bc, Lc, EMBED_DIM), dtype=jnp.float32)
    pos_embed = pos_embed.at[:, :, 0:dim:2].add(jnp.sin(pos_w * div[:dim // 2]).reshape(Bc, Lc, -1))
    pos_embed = pos_embed.at[:, :, 1:dim:2].add(jnp.cos(pos_w * div[:dim // 2]).reshape(Bc, Lc, -1))
    pos_embed = pos_embed.at[:, :, dim::2].add(jnp.sin(pos_h * div[dim // 2:]).reshape(Bc, Lc, -1))
    pos_embed = pos_embed.at[:, :, dim + 1::2].add(jnp.cos(pos_h * div[dim // 2:]).reshape(Bc, Lc, -1))
    return pos_embed

if __name__ == "__main__":
    import jax
    _d = setup_inputs()
    print(jax.jit(kernel)(*tuple(_d.values())))

</pallas_src>

<mosaic_0001>
#map = affine_map<(d0, d1) -> (0, 0)>
module attributes {stable_mosaic.version = 14 : i64} {
  func.func @sc_expand(%arg0: i32, %arg1: i32, %arg2: memref<64x512xf32, #tpu.memory_space<hbm>>, %arg3: memref<32x2048xi32, #tpu.memory_space<hbm>>, %arg4: memref<65536x1024xf32, #tpu.memory_space<hbm>>, %arg5: memref<64x512xf32, #tpu.memory_space<vmem>>, %arg6: memref<2048xi32, #tpu.memory_space<vmem>>, %arg7: memref<16x2048xi32, #tpu.memory_space<vmem_shared>>, %arg8: memref<32xi32, #tpu.memory_space<smem>>, %arg9: memref<32x1024xf32, #tpu.memory_space<vmem>>, %arg10: memref<32x1024xf32, #tpu.memory_space<vmem>>, %arg11: memref<!tpu.dma_semaphore, #tpu.memory_space<semaphore_mem>>, %arg12: memref<!tpu.dma_semaphore, #tpu.memory_space<semaphore_mem>>) attributes {dimension_semantics = [#tpu.dimension_semantics<core_parallel>, #tpu.dimension_semantics<subcore_parallel>], iteration_bounds = array<i64: 2, 16>, scalar_prefetch = 0 : i64, scratch_operands = 8 : i64, tpu.core_type = #tpu.core_type<sc_vector_subcore>, window_params = [{transform_indices = #map}, {transform_indices = #map}, {transform_indices = #map}]} {
    %mul3A = arith.constant 2 : i32
    %mul3A_0 = arith.muli %arg1, %mul3A : i32
    %add3A = arith.addi %mul3A_0, %arg0 : i32
    %mul3A_1 = arith.constant 2048 : i32
    %mul3A_2 = arith.muli %add3A, %mul3A_1 : i32
    "tpu.region"() ({
      %run_scoped3A = tpu.sem_alloc : memref<!tpu.dma_semaphore, #tpu.memory_space<semaphore_mem>>
      tpu.enqueue_dma source(%arg2 : memref<64x512xf32, #tpu.memory_space<hbm>>) target(%arg5 : memref<64x512xf32, #tpu.memory_space<vmem>>) target_semaphore(%run_scoped3A : memref<!tpu.dma_semaphore, #tpu.memory_space<semaphore_mem>>)
      tpu.wait_dma2 semaphore(%run_scoped3A : memref<!tpu.dma_semaphore, #tpu.memory_space<semaphore_mem>>) src(%arg2 : memref<64x512xf32, #tpu.memory_space<hbm>>) dst(%arg5 : memref<64x512xf32, #tpu.memory_space<vmem>>)
      tpu.yield
    }) : () -> ()
    "tpu.region"() ({
      %run_scoped3A = tpu.sem_alloc : memref<!tpu.dma_semaphore, #tpu.memory_space<semaphore_mem>>
      %dma_start3A = arith.constant 0 : i32
      %dma_start3A_20 = tpu.memref_slice %arg3[%add3A, %dma_start3A] : memref<32x2048xi32, #tpu.memory_space<hbm>> -> memref<1x2048xi32, #tpu.memory_space<hbm>>
      %dma_start3A_21 = tpu.memref_squeeze %dma_start3A_20 : memref<1x2048xi32, #tpu.memory_space<hbm>> -> memref<2048xi32, #tpu.memory_space<hbm>>
      %dma_start3A_22 = arith.constant 0 : i32
      %dma_start3A_23 = tpu.memref_slice %arg3[%add3A, %dma_start3A_22] : memref<32x2048xi32, #tpu.memory_space<hbm>> -> memref<1x2048xi32, #tpu.memory_space<hbm>>
      %dma_start3A_24 = tpu.memref_squeeze %dma_start3A_23 : memref<1x2048xi32, #tpu.memory_space<hbm>> -> memref<2048xi32, #tpu.memory_space<hbm>>
      tpu.enqueue_dma source(%dma_start3A_24 : memref<2048xi32, #tpu.memory_space<hbm>>) target(%arg6 : memref<2048xi32, #tpu.memory_space<vmem>>) target_semaphore(%run_scoped3A : memref<!tpu.dma_semaphore, #tpu.memory_space<semaphore_mem>>)
      %dma_wait3A_25 = arith.constant 0 : i32
      %dma_wait3A_26 = tpu.memref_slice %arg3[%add3A, %dma_wait3A_25] : memref<32x2048xi32, #tpu.memory_space<hbm>> -> memref<1x2048xi32, #tpu.memory_space<hbm>>
      %dma_wait3A_27 = tpu.memref_squeeze %dma_wait3A_26 : memref<1x2048xi32, #tpu.memory_space<hbm>> -> memref<2048xi32, #tpu.memory_space<hbm>>
      %dma_wait3A_28 = arith.constant 0 : i32
      %dma_wait3A_29 = tpu.memref_slice %arg3[%add3A, %dma_wait3A_28] : memref<32x2048xi32, #tpu.memory_space<hbm>> -> memref<1x2048xi32, #tpu.memory_space<hbm>>
      %dma_wait3A_30 = tpu.memref_squeeze %dma_wait3A_29 : memref<1x2048xi32, #tpu.memory_space<hbm>> -> memref<2048xi32, #tpu.memory_space<hbm>>
      tpu.wait_dma2 semaphore(%run_scoped3A : memref<!tpu.dma_semaphore, #tpu.memory_space<semaphore_mem>>) src(%dma_wait3A_30 : memref<2048xi32, #tpu.memory_space<hbm>>) dst(%arg6 : memref<2048xi32, #tpu.memory_space<vmem>>)
      tpu.yield
    }) : () -> ()
    "tpu.region"() ({
      %run_scoped3A = tpu.sem_alloc : memref<!tpu.dma_semaphore, #tpu.memory_space<semaphore_mem>>
      %dma_start3A = arith.constant 0 : i32
      %dma_start3A_20 = tpu.memref_slice %arg7[%arg1, %dma_start3A] : memref<16x2048xi32, #tpu.memory_space<vmem_shared>> -> memref<1x2048xi32, #tpu.memory_space<vmem_shared>>
      %dma_start3A_21 = tpu.memref_squeeze %dma_start3A_20 : memref<1x2048xi32, #tpu.memory_space<vmem_shared>> -> memref<2048xi32, #tpu.memory_space<vmem_shared>>
      %dma_start3A_22 = arith.constant 0 : i32
      %dma_start3A_23 = tpu.memref_slice %arg7[%arg1, %dma_start3A_22] : memref<16x2048xi32, #tpu.memory_space<vmem_shared>> -> memref<1x2048xi32, #tpu.memory_space<vmem_shared>>
      %dma_start3A_24 = tpu.memref_squeeze %dma_start3A_23 : memref<1x2048xi32, #tpu.memory_space<vmem_shared>> -> memref<2048xi32, #tpu.memory_space<vmem_shared>>
      tpu.enqueue_dma source(%arg6 : memref<2048xi32, #tpu.memory_space<vmem>>) target(%dma_start3A_24 : memref<2048xi32, #tpu.memory_space<vmem_shared>>) target_semaphore(%run_scoped3A : memref<!tpu.dma_semaphore, #tpu.memory_space<semaphore_mem>>)
      %dma_wait3A_25 = arith.constant 0 : i32
      %dma_wait3A_26 = tpu.memref_slice %arg7[%arg1, %dma_wait3A_25] : memref<16x2048xi32, #tpu.memory_space<vmem_shared>> -> memref<1x2048xi32, #tpu.memory_space<vmem_shared>>
      %dma_wait3A_27 = tpu.memref_squeeze %dma_wait3A_26 : memref<1x2048xi32, #tpu.memory_space<vmem_shared>> -> memref<2048xi32, #tpu.memory_space<vmem_shared>>
      %dma_wait3A_28 = arith.constant 0 : i32
      %dma_wait3A_29 = tpu.memref_slice %arg7[%arg1, %dma_wait3A_28] : memref<16x2048xi32, #tpu.memory_space<vmem_shared>> -> memref<1x2048xi32, #tpu.memory_space<vmem_shared>>
      %dma_wait3A_30 = tpu.memref_squeeze %dma_wait3A_29 : memref<1x2048xi32, #tpu.memory_space<vmem_shared>> -> memref<2048xi32, #tpu.memory_space<vmem_shared>>
      tpu.wait_dma2 semaphore(%run_scoped3A : memref<!tpu.dma_semaphore, #tpu.memory_space<semaphore_mem>>) src(%arg6 : memref<2048xi32, #tpu.memory_space<vmem>>) dst(%dma_wait3A_30 : memref<2048xi32, #tpu.memory_space<vmem_shared>>)
      tpu.yield
    }) : () -> ()
    %scan3A = arith.constant 0 : i32
    %scan3A_3 = arith.constant 0 : i32
    %scan3A_4 = arith.constant 32 : i32
    %scan3A_5 = arith.addi %scan3A_3, %scan3A_4 : i32
    %scan3A_6 = arith.constant 1 : i32
    %scan3A_7 = scf.for %scan3A_20 = %scan3A_3 to %scan3A_5 step %scan3A_6 iter_args(%scan3A_21 = %scan3A) -> (i32)  : i32 {
      %mul3A_22 = arith.constant 2 : i32
      %mul3A_23 = arith.muli %mul3A_22, %scan3A_20 : i32
      %add3A_24 = arith.constant 0 : i32
      %add3A_25 = arith.addi %mul3A_23, %add3A_24 : i32
      %gt3A = arith.constant 0 : i32
      %gt3A_26 = arith.cmpi sgt, %scan3A_20, %gt3A : i32
      %convert_element_type3A = arith.extui %gt3A_26 : i1 to i32
      %cond3A = arith.constant 0 : i32
      %cond3A_27 = arith.cmpi ne, %convert_element_type3A, %cond3A : i32
      scf.if %cond3A_27 {
        %sub3A = arith.constant 2 : i32
        %sub3A_60 = arith.subi %add3A_25, %sub3A : i32
        %mul3A_61 = arith.constant 32 : i32
        %mul3A_62 = arith.muli %sub3A_60, %mul3A_61 : i32
        %add3A_63 = arith.addi %mul3A_2, %mul3A_62 : i32
        %dma_wait3A_64 = arith.constant 0 : i32
        %dma_wait3A_65 = tpu.memref_slice %arg4[%add3A_63, %dma_wait3A_64] : memref<65536x1024xf32, #tpu.memory_space<hbm>> -> memref<32x1024xf32, #tpu.memory_space<hbm>>
        %dma_wait3A_66 = arith.constant 0 : i32
        %dma_wait3A_67 = tpu.memref_slice %arg4[%add3A_63, %dma_wait3A_66] : memref<65536x1024xf32, #tpu.memory_space<hbm>> -> memref<32x1024xf32, #tpu.memory_space<hbm>>
        tpu.wait_dma2 semaphore(%arg11 : memref<!tpu.dma_semaphore, #tpu.memory_space<semaphore_mem>>) src(%arg9 : memref<32x1024xf32, #tpu.memory_space<vmem>>) dst(%dma_wait3A_67 : memref<32x1024xf32, #tpu.memory_space<hbm>>)
      } else {
      }
      %mul3A_28 = arith.constant 32 : i32
      %mul3A_29 = arith.muli %add3A_25, %mul3A_28 : i32
      "tpu.region"() ({
        %run_scoped3A = tpu.sem_alloc : memref<!tpu.dma_semaphore, #tpu.memory_space<semaphore_mem>>
        %dma_start3A_60 = tpu.memref_slice %arg7[%arg1, %mul3A_29] : memref<16x2048xi32, #tpu.memory_space<vmem_shared>> -> memref<1x32xi32, #tpu.memory_space<vmem_shared>>
        %dma_start3A_61 = tpu.memref_squeeze %dma_start3A_60 : memref<1x32xi32, #tpu.memory_space<vmem_shared>> -> memref<32xi32, #tpu.memory_space<vmem_shared>>
        tpu.enqueue_dma source(%dma_start3A_61 : memref<32xi32, #tpu.memory_space<vmem_shared>>) target(%arg8 : memref<32xi32, #tpu.memory_space<smem>>) target_semaphore(%run_scoped3A : memref<!tpu.dma_semaphore, #tpu.memory_space<semaphore_mem>>)
        %dma_wait3A_62 = tpu.memref_slice %arg7[%arg1, %mul3A_29] : memref<16x2048xi32, #tpu.memory_space<vmem_shared>> -> memref<1x32xi32, #tpu.memory_space<vmem_shared>>
        %dma_wait3A_63 = tpu.memref_squeeze %dma_wait3A_62 : memref<1x32xi32, #tpu.memory_space<vmem_shared>> -> memref<32xi32, #tpu.memory_space<vmem_shared>>
        tpu.wait_dma2 semaphore(%run_scoped3A : memref<!tpu.dma_semaphore, #tpu.memory_space<semaphore_mem>>) src(%dma_wait3A_63 : memref<32xi32, #tpu.memory_space<vmem_shared>>) dst(%arg8 : memref<32xi32, #tpu.memory_space<smem>>)
        tpu.yield
      }) : () -> ()
      %parallel_loop3A = arith.constant 0 : i32
      %parallel_loop3A_30 = arith.constant 32 : i32
      %parallel_loop3A_31 = arith.constant 1 : i32
      scf.for %parallel_loop3A_60 = %parallel_loop3A to %parallel_loop3A_30 step %parallel_loop3A_31  : i32 {
        %parallel_loop3A_61 = arith.index_cast %parallel_loop3A_60 : i32 to index
        %parallel_loop3A_62 = memref.load %arg8[%parallel_loop3A_61] : memref<32xi32, #tpu.memory_space<smem>>
        %parallel_loop3A_63 = arith.constant 31 : i32
        %parallel_loop3A_64 = arith.andi %parallel_loop3A_62, %parallel_loop3A_63 : i32
        %parallel_loop3A_65 = arith.constant 5 : i32
        %parallel_loop3A_66 = arith.shrsi %parallel_loop3A_62, %parallel_loop3A_65 : i32
        %parallel_loop3A_67 = arith.constant 32 : i32
        %parallel_loop3A_68 = arith.addi %parallel_loop3A_66, %parallel_loop3A_67 : i32
        %parallel_loop3A_69 = arith.index_cast %parallel_loop3A_64 : i32 to index
        %parallel_loop3A_70 = arith.constant 0 : index
        %parallel_loop3A_71 = tpu.vector_load %arg5[%parallel_loop3A_69, %parallel_loop3A_70] {strides = array<i32>} : memref<64x512xf32, #tpu.memory_space<vmem>>, vector<1x16xf32>,
        %parallel_loop3A_72 = vector.shape_cast %parallel_loop3A_71 : vector<1x16xf32> to vector<16xf32>
        %parallel_loop3A_73 = arith.index_cast %parallel_loop3A_64 : i32 to index
        %parallel_loop3A_74 = arith.constant 16 : index
        %parallel_loop3A_75 = tpu.vector_load %arg5[%parallel_loop3A_73, %parallel_loop3A_74] {strides = array<i32>} : memref<64x512xf32, #tpu.memory_space<vmem>>, vector<1x16xf32>,
        %parallel_loop3A_76 = vector.shape_cast %parallel_loop3A_75 : vector<1x16xf32> to vector<16xf32>
        %parallel_loop3A_77 = arith.index_cast %parallel_loop3A_64 : i32 to index
        %parallel_loop3A_78 = arith.constant 32 : index
        %parallel_loop3A_79 = tpu.vector_load %arg5[%parallel_loop3A_77, %parallel_loop3A_78] {strides = array<i32>} : memref<64x512xf32, #tpu.memory_space<vmem>>, vector<1x16xf32>,
        %parallel_loop3A_80 = vector.shape_cast %parallel_loop3A_79 : vector<1x16xf32> to vector<16xf32>
        %parallel_loop3A_81 = arith.index_cast %parallel_loop3A_64 : i32 to index
        %parallel_loop3A_82 = arith.constant 48 : index
        %parallel_loop3A_83 = tpu.vector_load %arg5[%parallel_loop3A_81, %parallel_loop3A_82] {strides = array<i32>} : memref<64x512xf32, #tpu.memory_space<vmem>>, vector<1x16xf32>,
        %parallel_loop3A_84 = vector.shape_cast %parallel_loop3A_83 : vector<1x16xf32> to vector<16xf32>
        %parallel_loop3A_85 = arith.index_cast %parallel_loop3A_68 : i32 to index
        %parallel_loop3A_86 = arith.constant 0 : index
        %parallel_loop3A_87 = tpu.vector_load %arg5[%parallel_loop3A_85, %parallel_loop3A_86] {strides = array<i32>} : memref<64x512xf32, #tpu.memory_space<vmem>>, vector<1x16xf32>,
        %parallel_loop3A_88 = vector.shape_cast %parallel_loop3A_87 : vector<1x16xf32> to vector<16xf32>
        %parallel_loop3A_89 = arith.index_cast %parallel_loop3A_68 : i32 to index
        %parallel_loop3A_90 = arith.constant 16 : index
        %parallel_loop3A_91 = tpu.vector_load %arg5[%parallel_loop3A_89, %parallel_loop3A_90] {strides = array<i32>} : memref<64x512xf32, #tpu.memory_space<vmem>>, vector<1x16xf32>,
        %parallel_loop3A_92 = vector.shape_cast %parallel_loop3A_91 : vector<1x16xf32> to vector<16xf32>
        %parallel_loop3A_93 = arith.index_cast %parallel_loop3A_68 : i32 to index
        %parallel_loop3A_94 = arith.constant 32 : index
        %parallel_loop3A_95 = tpu.vector_load %arg5[%parallel_loop3A_93, %parallel_loop3A_94] {strides = array<i32>} : memref<64x512xf32, #tpu.memory_space<vmem>>, vector<1x16xf32>,
        %parallel_loop3A_96 = vector.shape_cast %parallel_loop3A_95 : vector<1x16xf32> to vector<16xf32>
        %parallel_loop3A_97 = arith.index_cast %parallel_loop3A_68 : i32 to index
        %parallel_loop3A_98 = arith.constant 48 : index
        %parallel_loop3A_99 = tpu.vector_load %arg5[%parallel_loop3A_97, %parallel_loop3A_98] {strides = array<i32>} : memref<64x512xf32, #tpu.memory_space<vmem>>, vector<1x16xf32>,
        %parallel_loop3A_100 = vector.shape_cast %parallel_loop3A_99 : vector<1x16xf32> to vector<16xf32>
        %parallel_loop3A_101 = arith.index_cast %parallel_loop3A_64 : i32 to index
        %parallel_loop3A_102 = arith.constant 64 : index
        %parallel_loop3A_103 = tpu.vector_load %arg5[%parallel_loop3A_101, %parallel_loop3A_102] {strides = array<i32>} : memref<64x512xf32, #tpu.memory_space<vmem>>, vector<1x16xf32>,
        %parallel_loop3A_104 = vector.shape_cast %parallel_loop3A_103 : vector<1x16xf32> to vector<16xf32>
        %parallel_loop3A_105 = arith.index_cast %parallel_loop3A_64 : i32 to index
        %parallel_loop3A_106 = arith.constant 80 : index
        %parallel_loop3A_107 = tpu.vector_load %arg5[%parallel_loop3A_105, %parallel_loop3A_106] {strides = array<i32>} : memref<64x512xf32, #tpu.memory_space<vmem>>, vector<1x16xf32>,
        %parallel_loop3A_108 = vector.shape_cast %parallel_loop3A_107 : vector<1x16xf32> to vector<16xf32>
        %parallel_loop3A_109 = arith.index_cast %parallel_loop3A_64 : i32 to index
        %parallel_loop3A_110 = arith.constant 96 : index
        %parallel_loop3A_111 = tpu.vector_load %arg5[%parallel_loop3A_109, %parallel_loop3A_110] {strides = array<i32>} : memref<64x512xf32, #tpu.memory_space<vmem>>, vector<1x16xf32>,
        %parallel_loop3A_112 = vector.shape_cast %parallel_loop3A_111 : vector<1x16xf32> to vector<16xf32>
        %parallel_loop3A_113 = arith.index_cast %parallel_loop3A_64 : i32 to index
        %parallel_loop3A_114 = arith.constant 112 : index
        %parallel_loop3A_115 = tpu.vector_load %arg5[%parallel_loop3A_113, %parallel_loop3A_114] {strides = array<i32>} : memref<64x512xf32, #tpu.memory_space<vmem>>, vector<1x16xf32>,
        %parallel_loop3A_116 = vector.shape_cast %parallel_loop3A_115 : vector<1x16xf32> to vector<16xf32>
        %parallel_loop3A_117 = arith.index_cast %parallel_loop3A_68 : i32 to index
        %parallel_loop3A_118 = arith.constant 64 : index
        %parallel_loop3A_119 = tpu.vector_load %arg5[%parallel_loop3A_117, %parallel_loop3A_118] {strides = array<i32>} : memref<64x512xf32, #tpu.memory_space<vmem>>, vector<1x16xf32>,
        %parallel_loop3A_120 = vector.shape_cast %parallel_loop3A_119 : vector<1x16xf32> to vector<16xf32>
        %parallel_loop3A_121 = arith.index_cast %parallel_loop3A_68 : i32 to index
        %parallel_loop3A_122 = arith.constant 80 : index
        %parallel_loop3A_123 = tpu.vector_load %arg5[%parallel_loop3A_121, %parallel_loop3A_122] {strides = array<i32>} : memref<64x512xf32, #tpu.memory_space<vmem>>, vector<1x16xf32>,
        %parallel_loop3A_124 = vector.shape_cast %parallel_loop3A_123 : vector<1x16xf32> to vector<16xf32>
        %parallel_loop3A_125 = arith.index_cast %parallel_loop3A_68 : i32 to index
        %parallel_loop3A_126 = arith.constant 96 : index
        %parallel_loop3A_127 = tpu.vector_load %arg5[%parallel_loop3A_125, %parallel_loop3A_126] {strides = array<i32>} : memref<64x512xf32, #tpu.memory_space<vmem>>, vector<1x16xf32>,
        %parallel_loop3A_128 = vector.shape_cast %parallel_loop3A_127 : vector<1x16xf32> to vector<16xf32>
        %parallel_loop3A_129 = arith.index_cast %parallel_loop3A_68 : i32 to index
        %parallel_loop3A_130 = arith.constant 112 : index
        %parallel_loop3A_131 = tpu.vector_load %arg5[%parallel_loop3A_129, %parallel_loop3A_130] {strides = array<i32>} : memref<64x512xf32, #tpu.memory_space<vmem>>, vector<1x16xf32>,
        %parallel_loop3A_132 = vector.shape_cast %parallel_loop3A_131 : vector<1x16xf32> to vector<16xf32>
        %parallel_loop3A_133 = arith.index_cast %parallel_loop3A_60 : i32 to index
        %parallel_loop3A_134 = arith.constant 0 : index
        %parallel_loop3A_135 = tpu.vector_load %arg9[%parallel_loop3A_133, %parallel_loop3A_134] {strides = array<i32>} : memref<32x1024xf32, #tpu.memory_space<vmem>>, vector<1x16xf32>,
        %parallel_loop3A_136 = vector.shape_cast %parallel_loop3A_135 : vector<1x16xf32> to vector<16xf32>
        %parallel_loop3A_137 = vector.shape_cast %parallel_loop3A_72 : vector<16xf32> to vector<1x16xf32>
        tpu.vector_store %arg9[%parallel_loop3A_133, %parallel_loop3A_134], %parallel_loop3A_137 {strides = array<i32>} : memref<32x1024xf32, #tpu.memory_space<vmem>>, vector<1x16xf32>,
        %parallel_loop3A_138 = arith.index_cast %parallel_loop3A_60 : i32 to index
        %parallel_loop3A_139 = arith.constant 512 : index
        %parallel_loop3A_140 = tpu.vector_load %arg9[%parallel_loop3A_138, %parallel_loop3A_139] {strides = array<i32>} : memref<32x1024xf32, #tpu.memory_space<vmem>>, vector<1x16xf32>,
        %parallel_loop3A_141 = vector.shape_cast %parallel_loop3A_140 : vector<1x16xf32> to vector<16xf32>
        %parallel_loop3A_142 = vector.shape_cast %parallel_loop3A_88 : vector<16xf32> to vector<1x16xf32>
        tpu.vector_store %arg9[%parallel_loop3A_138, %parallel_loop3A_139], %parallel_loop3A_142 {strides = array<i32>} : memref<32x1024xf32, #tpu.memory_space<vmem>>, vector<1x16xf32>,
        %parallel_loop3A_143 = arith.index_cast %parallel_loop3A_60 : i32 to index
        %parallel_loop3A_144 = arith.constant 16 : index
        %parallel_loop3A_145 = tpu.vector_load %arg9[%parallel_loop3A_143, %parallel_loop3A_144] {strides = array<i32>} : memref<32x1024xf32, #tpu.memory_space<vmem>>, vector<1x16xf32>,
        %parallel_loop3A_146 = vector.shape_cast %parallel_loop3A_145 : vector<1x16xf32> to vector<16xf32>
        %parallel_loop3A_147 = vector.shape_cast %parallel_loop3A_76 : vector<16xf32> to vector<1x16xf32>
        tpu.vector_store %arg9[%parallel_loop3A_143, %parallel_loop3A_144], %parallel_loop3A_147 {strides = array<i32>} : memref<32x1024xf32, #tpu.memory_space<vmem>>, vector<1x16xf32>,
        %parallel_loop3A_148 = arith.index_cast %parallel_loop3A_60 : i32 to index
        %parallel_loop3A_149 = arith.constant 528 : index
        %parallel_loop3A_150 = tpu.vector_load %arg9[%parallel_loop3A_148, %parallel_loop3A_149] {strides = array<i32>} : memref<32x1024xf32, #tpu.memory_space<vmem>>, vector<1x16xf32>,
        %parallel_loop3A_151 = vector.shape_cast %parallel_loop3A_150 : vector<1x16xf32> to vector<16xf32>
        %parallel_loop3A_152 = vector.shape_cast %parallel_loop3A_92 : vector<16xf32> to vector<1x16xf32>
        tpu.vector_store %arg9[%parallel_loop3A_148, %parallel_loop3A_149], %parallel_loop3A_152 {strides = array<i32>} : memref<32x1024xf32, #tpu.memory_space<vmem>>, vector<1x16xf32>,
        %parallel_loop3A_153 = arith.index_cast %parallel_loop3A_60 : i32 to index
        %parallel_loop3A_154 = arith.constant 32 : index
        %parallel_loop3A_155 = tpu.vector_load %arg9[%parallel_loop3A_153, %parallel_loop3A_154] {strides = array<i32>} : memref<32x1024xf32, #tpu.memory_space<vmem>>, vector<1x16xf32>,
        %parallel_loop3A_156 = vector.shape_cast %parallel_loop3A_155 : vector<1x16xf32> to vector<16xf32>
        %parallel_loop3A_157 = vector.shape_cast %parallel_loop3A_80 : vector<16xf32> to vector<1x16xf32>
        tpu.vector_store %arg9[%parallel_loop3A_153, %parallel_loop3A_154], %parallel_loop3A_157 {strides = array<i32>} : memref<32x1024xf32, #tpu.memory_space<vmem>>, vector<1x16xf32>,
        %parallel_loop3A_158 = arith.index_cast %parallel_loop3A_60 : i32 to index
        %parallel_loop3A_159 = arith.constant 544 : index
        %parallel_loop3A_160 = tpu.vector_load %arg9[%parallel_loop3A_158, %parallel_loop3A_159] {strides = array<i32>} : memref<32x1024xf32, #tpu.memory_space<vmem>>, vector<1x16xf32>,
        %parallel_loop3A_161 = vector.shape_cast %parallel_loop3A_160 : vector<1x16xf32> to vector<16xf32>
        %parallel_loop3A_162 = vector.shape_cast %parallel_loop3A_96 : vector<16xf32> to vector<1x16xf32>
        tpu.vector_store %arg9[%parallel_loop3A_158, %parallel_loop3A_159], %parallel_loop3A_162 {strides = array<i32>} : memref<32x1024xf32, #tpu.memory_space<vmem>>, vector<1x16xf32>,
        %parallel_loop3A_163 = arith.index_cast %parallel_loop3A_60 : i32 to index
        %parallel_loop3A_164 = arith.constant 48 : index
        %parallel_loop3A_165 = tpu.vector_load %arg9[%parallel_loop3A_163, %parallel_loop3A_164] {strides = array<i32>} : memref<32x1024xf32, #tpu.memory_space<vmem>>, vector<1x16xf32>,
        %parallel_loop3A_166 = vector.shape_cast %parallel_loop3A_165 : vector<1x16xf32> to vector<16xf32>
        %parallel_loop3A_167 = vector.shape_cast %parallel_loop3A_84 : vector<16xf32> to vector<1x16xf32>
        tpu.vector_store %arg9[%parallel_loop3A_163, %parallel_loop3A_164], %parallel_loop3A_167 {strides = array<i32>} : memref<32x1024xf32, #tpu.memory_space<vmem>>, vector<1x16xf32>,
        %parallel_loop3A_168 = arith.index_cast %parallel_loop3A_60 : i32 to index
        %parallel_loop3A_169 = arith.constant 560 : index
        %parallel_loop3A_170 = tpu.vector_load %arg9[%parallel_loop3A_168, %parallel_loop3A_169] {strides = array<i32>} : memref<32x1024xf32, #tpu.memory_space<vmem>>, vector<1x16xf32>,
        %parallel_loop3A_171 = vector.shape_cast %parallel_loop3A_170 : vector<1x16xf32> to vector<16xf32>
        %parallel_loop3A_172 = vector.shape_cast %parallel_loop3A_100 : vector<16xf32> to vector<1x16xf32>
        tpu.vector_store %arg9[%parallel_loop3A_168, %parallel_loop3A_169], %parallel_loop3A_172 {strides = array<i32>} : memref<32x1024xf32, #tpu.memory_space<vmem>>, vector<1x16xf32>,
        %parallel_loop3A_173 = arith.index_cast %parallel_loop3A_64 : i32 to index
        %parallel_loop3A_174 = arith.constant 128 : index
        %parallel_loop3A_175 = tpu.vector_load %arg5[%parallel_loop3A_173, %parallel_loop3A_174] {strides = array<i32>} : memref<64x512xf32, #tpu.memory_space<vmem>>, vector<1x16xf32>,
        %parallel_loop3A_176 = vector.shape_cast %parallel_loop3A_175 : vector<1x16xf32> to vector<16xf32>
        %parallel_loop3A_177 = arith.index_cast %parallel_loop3A_64 : i32 to index
        %parallel_loop3A_178 = arith.constant 144 : index
        %parallel_loop3A_179 = tpu.vector_load %arg5[%parallel_loop3A_177, %parallel_loop3A_178] {strides = array<i32>} : memref<64x512xf32, #tpu.memory_space<vmem>>, vector<1x16xf32>,
        %parallel_loop3A_180 = vector.shape_cast %parallel_loop3A_179 : vector<1x16xf32> to vector<16xf32>
        %parallel_loop3A_181 = arith.index_cast %parallel_loop3A_64 : i32 to index
        %parallel_loop3A_182 = arith.constant 160 : index
        %parallel_loop3A_183 = tpu.vector_load %arg5[%parallel_loop3A_181, %parallel_loop3A_182] {strides = array<i32>} : memref<64x512xf32, #tpu.memory_space<vmem>>, vector<1x16xf32>,
        %parallel_loop3A_184 = vector.shape_cast %parallel_loop3A_183 : vector<1x16xf32> to vector<16xf32>
        %parallel_loop3A_185 = arith.index_cast %parallel_loop3A_64 : i32 to index
        %parallel_loop3A_186 = arith.constant 176 : index
        %parallel_loop3A_187 = tpu.vector_load %arg5[%parallel_loop3A_185, %parallel_loop3A_186] {strides = array<i32>} : memref<64x512xf32, #tpu.memory_space<vmem>>, vector<1x16xf32>,
        %parallel_loop3A_188 = vector.shape_cast %parallel_loop3A_187 : vector<1x16xf32> to vector<16xf32>
        %parallel_loop3A_189 = arith.index_cast %parallel_loop3A_68 : i32 to index
        %parallel_loop3A_190 = arith.constant 128 : index
        %parallel_loop3A_191 = tpu.vector_load %arg5[%parallel_loop3A_189, %parallel_loop3A_190] {strides = array<i32>} : memref<64x512xf32, #tpu.memory_space<vmem>>, vector<1x16xf32>,
        %parallel_loop3A_192 = vector.shape_cast %parallel_loop3A_191 : vector<1x16xf32> to vector<16xf32>
        %parallel_loop3A_193 = arith.index_cast %parallel_loop3A_68 : i32 to index
        %parallel_loop3A_194 = arith.constant 144 : index
        %parallel_loop3A_195 = tpu.vector_load %arg5[%parallel_loop3A_193, %parallel_loop3A_194] {strides = array<i32>} : memref<64x512xf32, #tpu.memory_space<vmem>>, vector<1x16xf32>,
        %parallel_loop3A_196 = vector.shape_cast %parallel_loop3A_195 : vector<1x16xf32> to vector<16xf32>
        %parallel_loop3A_197 = arith.index_cast %parallel_loop3A_68 : i32 to index
        %parallel_loop3A_198 = arith.constant 160 : index
        %parallel_loop3A_199 = tpu.vector_load %arg5[%parallel_loop3A_197, %parallel_loop3A_198] {strides = array<i32>} : memref<64x512xf32, #tpu.memory_space<vmem>>, vector<1x16xf32>,
        %parallel_loop3A_200 = vector.shape_cast %parallel_loop3A_199 : vector<1x16xf32> to vector<16xf32>
        %parallel_loop3A_201 = arith.index_cast %parallel_loop3A_68 : i32 to index
        %parallel_loop3A_202 = arith.constant 176 : index
        %parallel_loop3A_203 = tpu.vector_load %arg5[%parallel_loop3A_201, %parallel_loop3A_202] {strides = array<i32>} : memref<64x512xf32, #tpu.memory_space<vmem>>, vector<1x16xf32>,
        %parallel_loop3A_204 = vector.shape_cast %parallel_loop3A_203 : vector<1x16xf32> to vector<16xf32>
        %parallel_loop3A_205 = arith.index_cast %parallel_loop3A_60 : i32 to index
        %parallel_loop3A_206 = arith.constant 64 : index
        %parallel_loop3A_207 = tpu.vector_load %arg9[%parallel_loop3A_205, %parallel_loop3A_206] {strides = array<i32>} : memref<32x1024xf32, #tpu.memory_space<vmem>>, vector<1x16xf32>,
        %parallel_loop3A_208 = vector.shape_cast %parallel_loop3A_207 : vector<1x16xf32> to vector<16xf32>
        %parallel_loop3A_209 = vector.shape_cast %parallel_loop3A_104 : vector<16xf32> to vector<1x16xf32>
        tpu.vector_store %arg9[%parallel_loop3A_205, %parallel_loop3A_206], %parallel_loop3A_209 {strides = array<i32>} : memref<32x1024xf32, #tpu.memory_space<vmem>>, vector<1x16xf32>,
        %parallel_loop3A_210 = arith.index_cast %parallel_loop3A_60 : i32 to index
        %parallel_loop3A_211 = arith.constant 576 : index
        %parallel_loop3A_212 = tpu.vector_load %arg9[%parallel_loop3A_210, %parallel_loop3A_211] {strides = array<i32>} : memref<32x1024xf32, #tpu.memory_space<vmem>>, vector<1x16xf32>,
        %parallel_loop3A_213 = vector.shape_cast %parallel_loop3A_212 : vector<1x16xf32> to vector<16xf32>
        %parallel_loop3A_214 = vector.shape_cast %parallel_loop3A_120 : vector<16xf32> to vector<1x16xf32>
        tpu.vector_store %arg9[%parallel_loop3A_210, %parallel_loop3A_211], %parallel_loop3A_214 {strides = array<i32>} : memref<32x1024xf32, #tpu.memory_space<vmem>>, vector<1x16xf32>,
        %parallel_loop3A_215 = arith.index_cast %parallel_loop3A_60 : i32 to index
        %parallel_loop3A_216 = arith.constant 80 : index
        %parallel_loop3A_217 = tpu.vector_load %arg9[%parallel_loop3A_215, %parallel_loop3A_216] {strides = array<i32>} : memref<32x1024xf32, #tpu.memory_space<vmem>>, vector<1x16xf32>,
        %parallel_loop3A_218 = vector.shape_cast %parallel_loop3A_217 : vector<1x16xf32> to vector<16xf32>
        %parallel_loop3A_219 = vector.shape_cast %parallel_loop3A_108 : vector<16xf32> to vector<1x16xf32>
        tpu.vector_store %arg9[%parallel_loop3A_215, %parallel_loop3A_216], %parallel_loop3A_219 {strides = array<i32>} : memref<32x1024xf32, #tpu.memory_space<vmem>>, vector<1x16xf32>,
        %parallel_loop3A_220 = arith.index_cast %parallel_loop3A_60 : i32 to index
        %parallel_loop3A_221 = arith.constant 592 : index
        %parallel_loop3A_222 = tpu.vector_load %arg9[%parallel_loop3A_220, %parallel_loop3A_221] {strides = array<i32>} : memref<32x1024xf32, #tpu.memory_space<vmem>>, vector<1x16xf32>,
        %parallel_loop3A_223 = vector.shape_cast %parallel_loop3A_222 : vector<1x16xf32> to vector<16xf32>
        %parallel_loop3A_224 = vector.shape_cast %parallel_loop3A_124 : vector<16xf32> to vector<1x16xf32>
        tpu.vector_store %arg9[%parallel_loop3A_220, %parallel_loop3A_221], %parallel_loop3A_224 {strides = array<i32>} : memref<32x1024xf32, #tpu.memory_space<vmem>>, vector<1x16xf32>,
        %parallel_loop3A_225 = arith.index_cast %parallel_loop3A_60 : i32 to index
        %parallel_loop3A_226 = arith.constant 96 : index
        %parallel_loop3A_227 = tpu.vector_load %arg9[%parallel_loop3A_225, %parallel_loop3A_226] {strides = array<i32>} : memref<32x1024xf32, #tpu.memory_space<vmem>>, vector<1x16xf32>,
        %parallel_loop3A_228 = vector.shape_cast %parallel_loop3A_227 : vector<1x16xf32> to vector<16xf32>
        %parallel_loop3A_229 = vector.shape_cast %parallel_loop3A_112 : vector<16xf32> to vector<1x16xf32>
        tpu.vector_store %arg9[%parallel_loop3A_225, %parallel_loop3A_226], %parallel_loop3A_229 {strides = array<i32>} : memref<32x1024xf32, #tpu.memory_space<vmem>>, vector<1x16xf32>,
        %parallel_loop3A_230 = arith.index_cast %parallel_loop3A_60 : i32 to index
        %parallel_loop3A_231 = arith.constant 608 : index
        %parallel_loop3A_232 = tpu.vector_load %arg9[%parallel_loop3A_230, %parallel_loop3A_231] {strides = array<i32>} : memref<32x1024xf32, #tpu.memory_space<vmem>>, vector<1x16xf32>,
        %parallel_loop3A_233 = vector.shape_cast %parallel_loop3A_232 : vector<1x16xf32> to vector<16xf32>
        %parallel_loop3A_234 = vector.shape_cast %parallel_loop3A_128 : vector<16xf32> to vector<1x16xf32>
        tpu.vector_store %arg9[%parallel_loop3A_230, %parallel_loop3A_231], %parallel_loop3A_234 {strides = array<i32>} : memref<32x1024xf32, #tpu.memory_space<vmem>>, vector<1x16xf32>,
        %parallel_loop3A_235 = arith.index_cast %parallel_loop3A_60 : i32 to index
        %parallel_loop3A_236 = arith.constant 112 : index
        %parallel_loop3A_237 = tpu.vector_load %arg9[%parallel_loop3A_235, %parallel_loop3A_236] {strides = array<i32>} : memref<32x1024xf32, #tpu.memory_space<vmem>>, vector<1x16xf32>,
        %parallel_loop3A_238 = vector.shape_cast %parallel_loop3A_237 : vector<1x16xf32> to vector<16xf32>
        %parallel_loop3A_239 = vector.shape_cast %parallel_loop3A_116 : vector<16xf32> to vector<1x16xf32>
        tpu.vector_store %arg9[%parallel_loop3A_235, %parallel_loop3A_236], %parallel_loop3A_239 {strides = array<i32>} : memref<32x1024xf32, #tpu.memory_space<vmem>>, vector<1x16xf32>,
        %parallel_loop3A_240 = arith.index_cast %parallel_loop3A_60 : i32 to index
        %parallel_loop3A_241 = arith.constant 624 : index
        %parallel_loop3A_242 = tpu.vector_load %arg9[%parallel_loop3A_240, %parallel_loop3A_241] {strides = array<i32>} : memref<32x1024xf32, #tpu.memory_space<vmem>>, vector<1x16xf32>,
        %parallel_loop3A_243 = vector.shape_cast %parallel_loop3A_242 : vector<1x16xf32> to vector<16xf32>
        %parallel_loop3A_244 = vector.shape_cast %parallel_loop3A_132 : vector<16xf32> to vector<1x16xf32>
        tpu.vector_store %arg9[%parallel_loop3A_240, %parallel_loop3A_241], %parallel_loop3A_244 {strides = array<i32>} : memref<32x1024xf32, #tpu.memory_space<vmem>>, vector<1x16xf32>,
        %parallel_loop3A_245 = arith.index_cast %parallel_loop3A_64 : i32 to index
        %parallel_loop3A_246 = arith.constant 192 : index
        %parallel_loop3A_247 = tpu.vector_load %arg5[%parallel_loop3A_245, %parallel_loop3A_246] {strides = array<i32>} : memref<64x512xf32, #tpu.memory_space<vmem>>, vector<1x16xf32>,
        %parallel_loop3A_248 = vector.shape_cast %parallel_loop3A_247 : vector<1x16xf32> to vector<16xf32>
        %parallel_loop3A_249 = arith.index_cast %parallel_loop3A_64 : i32 to index
        %parallel_loop3A_250 = arith.constant 208 : index
        %parallel_loop3A_251 = tpu.vector_load %arg5[%parallel_loop3A_249, %parallel_loop3A_250] {strides = array<i32>} : memref<64x512xf32, #tpu.memory_space<vmem>>, vector<1x16xf32>,
        %parallel_loop3A_252 = vector.shape_cast %parallel_loop3A_251 : vector<1x16xf32> to vector<16xf32>
        %parallel_loop3A_253 = arith.index_cast %parallel_loop3A_64 : i32 to index
        %parallel_loop3A_254 = arith.constant 224 : index
        %parallel_loop3A_255 = tpu.vector_load %arg5[%parallel_loop3A_253, %parallel_loop3A_254] {strides = array<i32>} : memref<64x512xf32, #tpu.memory_space<vmem>>, vector<1x16xf32>,
        %parallel_loop3A_256 = vector.shape_cast %parallel_loop3A_255 : vector<1x16xf32> to vector<16xf32>
        %parallel_loop3A_257 = arith.index_cast %parallel_loop3A_64 : i32 to index
        %parallel_loop3A_258 = arith.constant 240 : index
        %parallel_loop3A_259 = tpu.vector_load %arg5[%parallel_loop3A_257, %parallel_loop3A_258] {strides = array<i32>} : memref<64x512xf32, #tpu.memory_space<vmem>>, vector<1x16xf32>,
        %parallel_loop3A_260 = vector.shape_cast %parallel_loop3A_259 : vector<1x16xf32> to vector<16xf32>
        %parallel_loop3A_261 = arith.index_cast %parallel_loop3A_68 : i32 to index
        %parallel_loop3A_262 = arith.constant 192 : index
        %parallel_loop3A_263 = tpu.vector_load %arg5[%parallel_loop3A_261, %parallel_loop3A_262] {strides = array<i32>} : memref<64x512xf32, #tpu.memory_space<vmem>>, vector<1x16xf32>,
        %parallel_loop3A_264 = vector.shape_cast %parallel_loop3A_263 : vector<1x16xf32> to vector<16xf32>
        %parallel_loop3A_265 = arith.index_cast %parallel_loop3A_68 : i32 to index
        %parallel_loop3A_266 = arith.constant 208 : index
        %parallel_loop3A_267 = tpu.vector_load %arg5[%parallel_loop3A_265, %parallel_loop3A_266] {strides = array<i32>} : memref<64x512xf32, #tpu.memory_space<vmem>>, vector<1x16xf32>,
        %parallel_loop3A_268 = vector.shape_cast %parallel_loop3A_267 : vector<1x16xf32> to vector<16xf32>
        %parallel_loop3A_269 = arith.index_cast %parallel_loop3A_68 : i32 to index
        %parallel_loop3A_270 = arith.constant 224 : index
        %parallel_loop3A_271 = tpu.vector_load %arg5[%parallel_loop3A_269, %parallel_loop3A_270] {strides = array<i32>} : memref<64x512xf32, #tpu.memory_space<vmem>>, vector<1x16xf32>,
        %parallel_loop3A_272 = vector.shape_cast %parallel_loop3A_271 : vector<1x16xf32> to vector<16xf32>
        %parallel_loop3A_273 = arith.index_cast %parallel_loop3A_68 : i32 to index
        %parallel_loop3A_274 = arith.constant 240 : index
        %parallel_loop3A_275 = tpu.vector_load %arg5[%parallel_loop3A_273, %parallel_loop3A_274] {strides = array<i32>} : memref<64x512xf32, #tpu.memory_space<vmem>>, vector<1x16xf32>,
        %parallel_loop3A_276 = vector.shape_cast %parallel_loop3A_275 : vector<1x16xf32> to vector<16xf32>
        %parallel_loop3A_277 = arith.index_cast %parallel_loop3A_60 : i32 to index
        %parallel_loop3A_278 = arith.constant 128 : index
        %parallel_loop3A_279 = tpu.vector_load %arg9[%parallel_loop3A_277, %parallel_loop3A_278] {strides = array<i32>} : memref<32x1024xf32, #tpu.memory_space<vmem>>, vector<1x16xf32>,
        %parallel_loop3A_280 = vector.shape_cast %parallel_loop3A_279 : vector<1x16xf32> to vector<16xf32>
        %parallel_loop3A_281 = vector.shape_cast %parallel_loop3A_176 : vector<16xf32> to vector<1x16xf32>
        tpu.vector_store %arg9[%parallel_loop3A_277, %parallel_loop3A_278], %parallel_loop3A_281 {strides = array<i32>} : memref<32x1024xf32, #tpu.memory_space<vmem>>, vector<1x16xf32>,
        %parallel_loop3A_282 = arith.index_cast %parallel_loop3A_60 : i32 to index
        %parallel_loop3A_283 = arith.constant 640 : index
        %parallel_loop3A_284 = tpu.vector_load %arg9[%parallel_loop3A_282, %parallel_loop3A_283] {strides = array<i32>} : memref<32x1024xf32, #tpu.memory_space<vmem>>, vector<1x16xf32>,
        %parallel_loop3A_285 = vector.shape_cast %parallel_loop3A_284 : vector<1x16xf32> to vector<16xf32>
        %parallel_loop3A_286 = vector.shape_cast %parallel_loop3A_192 : vector<16xf32> to vector<1x16xf32>
        tpu.vector_store %arg9[%parallel_loop3A_282, %parallel_loop3A_283], %parallel_loop3A_286 {strides = array<i32>} : memref<32x1024xf32, #tpu.memory_space<vmem>>, vector<1x16xf32>,
        %parallel_loop3A_287 = arith.index_cast %parallel_loop3A_60 : i32 to index
        %parallel_loop3A_288 = arith.constant 144 : index
        %parallel_loop3A_289 = tpu.vector_load %arg9[%parallel_loop3A_287, %parallel_loop3A_288] {strides = array<i32>} : memref<32x1024xf32, #tpu.memory_space<vmem>>, vector<1x16xf32>,
        %parallel_loop3A_290 = vector.shape_cast %parallel_loop3A_289 : vector<1x16xf32> to vector<16xf32>
        %parallel_loop3A_291 = vector.shape_cast %parallel_loop3A_180 : vector<16xf32> to vector<1x16xf32>
        tpu.vector_store %arg9[%parallel_loop3A_287, %parallel_loop3A_288], %parallel_loop3A_291 {strides = array<i32>} : memref<32x1024xf32, #tpu.memory_space<vmem>>, vector<1x16xf32>,
        %parallel_loop3A_292 = arith.index_cast %parallel_loop3A_60 : i32 to index
        %parallel_loop3A_293 = arith.constant 656 : index
        %parallel_loop3A_294 = tpu.vector_load %arg9[%parallel_loop3A_292, %parallel_loop3A_293] {strides = array<i32>} : memref<32x1024xf32, #tpu.memory_space<vmem>>, vector<1x16xf32>,
        %parallel_loop3A_295 = vector.shape_cast %parallel_loop3A_294 : vector<1x16xf32> to vector<16xf32>
        %parallel_loop3A_296 = vector.shape_cast %parallel_loop3A_196 : vector<16xf32> to vector<1x16xf32>
        tpu.vector_store %arg9[%parallel_loop3A_292, %parallel_loop3A_293], %parallel_loop3A_296 {strides = array<i32>} : memref<32x1024xf32, #tpu.memory_space<vmem>>, vector<1x16xf32>,
        %parallel_loop3A_297 = arith.index_cast %parallel_loop3A_60 : i32 to index
        %parallel_loop3A_298 = arith.constant 160 : index
        %parallel_loop3A_299 = tpu.vector_load %arg9[%parallel_loop3A_297, %parallel_loop3A_298] {strides = array<i32>} : memref<32x1024xf32, #tpu.memory_space<vmem>>, vector<1x16xf32>,
        %parallel_loop3A_300 = vector.shape_cast %parallel_loop3A_299 : vector<1x16xf32> to vector<16xf32>
        %parallel_loop3A_301 = vector.shape_cast %parallel_loop3A_184 : vector<16xf32> to vector<1x16xf32>
        tpu.vector_store %arg9[%parallel_loop3A_297, %parallel_loop3A_298], %parallel_loop3A_301 {strides = array<i32>} : memref<32x1024xf32, #tpu.memory_space<vmem>>, vector<1x16xf32>,
        %parallel_loop3A_302 = arith.index_cast %parallel_loop3A_60 : i32 to index
        %parallel_loop3A_303 = arith.constant 672 : index
        %parallel_loop3A_304 = tpu.vector_load %arg9[%parallel_loop3A_302, %parallel_loop3A_303] {strides = array<i32>} : memref<32x1024xf32, #tpu.memory_space<vmem>>, vector<1x16xf32>,
        %parallel_loop3A_305 = vector.shape_cast %parallel_loop3A_304 : vector<1x16xf32> to vector<16xf32>
        %parallel_loop3A_306 = vector.shape_cast %parallel_loop3A_200 : vector<16xf32> to vector<1x16xf32>
        tpu.vector_store %arg9[%parallel_loop3A_302, %parallel_loop3A_303], %parallel_loop3A_306 {strides = array<i32>} : memref<32x1024xf32, #tpu.memory_space<vmem>>, vector<1x16xf32>,
        %parallel_loop3A_307 = arith.index_cast %parallel_loop3A_60 : i32 to index
        %parallel_loop3A_308 = arith.constant 176 : index
        %parallel_loop3A_309 = tpu.vector_load %arg9[%parallel_loop3A_307, %parallel_loop3A_308] {strides = array<i32>} : memref<32x1024xf32, #tpu.memory_space<vmem>>, vector<1x16xf32>,
        %parallel_loop3A_310 = vector.shape_cast %parallel_loop3A_309 : vector<1x16xf32> to vector<16xf32>
        %parallel_loop3A_311 = vector.shape_cast %parallel_loop3A_188 : vector<16xf32> to vector<1x16xf32>
        tpu.vector_store %arg9[%parallel_loop3A_307, %parallel_loop3A_308], %parallel_loop3A_311 {strides = array<i32>} : memref<32x1024xf32, #tpu.memory_space<vmem>>, vector<1x16xf32>,
        %parallel_loop3A_312 = arith.index_cast %parallel_loop3A_60 : i32 to index
        %parallel_loop3A_313 = arith.constant 688 : index
        %parallel_loop3A_314 = tpu.vector_load %arg9[%parallel_loop3A_312, %parallel_loop3A_313] {strides = array<i32>} : memref<32x1024xf32, #tpu.memory_space<vmem>>, vector<1x16xf32>,
        %parallel_loop3A_315 = vector.shape_cast %parallel_loop3A_314 : vector<1x16xf32> to vector<16xf32>
        %parallel_loop3A_316 = vector.shape_cast %parallel_loop3A_204 : vector<16xf32> to vector<1x16xf32>
        tpu.vector_store %arg9[%parallel_loop3A_312, %parallel_loop3A_313], %parallel_loop3A_316 {strides = array<i32>} : memref<32x1024xf32, #tpu.memory_space<vmem>>, vector<1x16xf32>,
        %parallel_loop3A_317 = arith.index_cast %parallel_loop3A_64 : i32 to index
        %parallel_loop3A_318 = arith.constant 256 : index
        %parallel_loop3A_319 = tpu.vector_load %arg5[%parallel_loop3A_317, %parallel_loop3A_318] {strides = array<i32>} : memref<64x512xf32, #tpu.memory_space<vmem>>, vector<1x16xf32>,
        %parallel_loop3A_320 = vector.shape_cast %parallel_loop3A_319 : vector<1x16xf32> to vector<16xf32>
        %parallel_loop3A_321 = arith.index_cast %parallel_loop3A_64 : i32 to index
        %parallel_loop3A_322 = arith.constant 272 : index
        %parallel_loop3A_323 = tpu.vector_load %arg5[%parallel_loop3A_321, %parallel_loop3A_322] {strides = array<i32>} : memref<64x512xf32, #tpu.memory_space<vmem>>, vector<1x16xf32>,
        %parallel_loop3A_324 = vector.shape_cast %parallel_loop3A_323 : vector<1x16xf32> to vector<16xf32>
        %parallel_loop3A_325 = arith.index_cast %parallel_loop3A_64 : i32 to index
        %parallel_loop3A_326 = arith.constant 288 : index
        %parallel_loop3A_327 = tpu.vector_load %arg5[%parallel_loop3A_325, %parallel_loop3A_326] {strides = array<i32>} : memref<64x512xf32, #tpu.memory_space<vmem>>, vector<1x16xf32>,
        %parallel_loop3A_328 = vector.shape_cast %parallel_loop3A_327 : vector<1x16xf32> to vector<16xf32>
        %parallel_loop3A_329 = arith.index_cast %parallel_loop3A_64 : i32 to index
        %parallel_loop3A_330 = arith.constant 304 : index
        %parallel_loop3A_331 = tpu.vector_load %arg5[%parallel_loop3A_329, %parallel_loop3A_330] {strides = array<i32>} : memref<64x512xf32, #tpu.memory_space<vmem>>, vector<1x16xf32>,
        %parallel_loop3A_332 = vector.shape_cast %parallel_loop3A_331 : vector<1x16xf32> to vector<16xf32>
        %parallel_loop3A_333 = arith.index_cast %parallel_loop3A_68 : i32 to index
        %parallel_loop3A_334 = arith.constant 256 : index
        %parallel_loop3A_335 = tpu.vector_load %arg5[%parallel_loop3A_333, %parallel_loop3A_334] {strides = array<i32>} : memref<64x512xf32, #tpu.memory_space<vmem>>, vector<1x16xf32>,
        %parallel_loop3A_336 = vector.shape_cast %parallel_loop3A_335 : vector<1x16xf32> to vector<16xf32>
        %parallel_loop3A_337 = arith.index_cast %parallel_loop3A_68 : i32 to index
        %parallel_loop3A_338 = arith.constant 272 : index
        %parallel_loop3A_339 = tpu.vector_load %arg5[%parallel_loop3A_337, %parallel_loop3A_338] {strides = array<i32>} : memref<64x512xf32, #tpu.memory_space<vmem>>, vector<1x16xf32>,
        %parallel_loop3A_340 = vector.shape_cast %parallel_loop3A_339 : vector<1x16xf32> to vector<16xf32>
        %parallel_loop3A_341 = arith.index_cast %parallel_loop3A_68 : i32 to index
        %parallel_loop3A_342 = arith.constant 288 : index
        %parallel_loop3A_343 = tpu.vector_load %arg5[%parallel_loop3A_341, %parallel_loop3A_342] {strides = array<i32>} : memref<64x512xf32, #tpu.memory_space<vmem>>, vector<1x16xf32>,
        %parallel_loop3A_344 = vector.shape_cast %parallel_loop3A_343 : vector<1x16xf32> to vector<16xf32>
        %parallel_loop3A_345 = arith.index_cast %parallel_loop3A_68 : i32 to index
        %parallel_loop3A_346 = arith.constant 304 : index
        %parallel_loop3A_347 = tpu.vector_load %arg5[%parallel_loop3A_345, %parallel_loop3A_346] {strides = array<i32>} : memref<64x512xf32, #tpu.memory_space<vmem>>, vector<1x16xf32>,
        %parallel_loop3A_348 = vector.shape_cast %parallel_loop3A_347 : vector<1x16xf32> to vector<16xf32>
        %parallel_loop3A_349 = arith.index_cast %parallel_loop3A_60 : i32 to index
        %parallel_loop3A_350 = arith.constant 192 : index
        %parallel_loop3A_351 = tpu.vector_load %arg9[%parallel_loop3A_349, %parallel_loop3A_350] {strides = array<i32>} : memref<32x1024xf32, #tpu.memory_space<vmem>>, vector<1x16xf32>,
        %parallel_loop3A_352 = vector.shape_cast %parallel_loop3A_351 : vector<1x16xf32> to vector<16xf32>
        %parallel_loop3A_353 = vector.shape_cast %parallel_loop3A_248 : vector<16xf32> to vector<1x16xf32>
        tpu.vector_store %arg9[%parallel_loop3A_349, %parallel_loop3A_350], %parallel_loop3A_353 {strides = array<i32>} : memref<32x1024xf32, #tpu.memory_space<vmem>>, vector<1x16xf32>,
        %parallel_loop3A_354 = arith.index_cast %parallel_loop3A_60 : i32 to index
        %parallel_loop3A_355 = arith.constant 704 : index
        %parallel_loop3A_356 = tpu.vector_load %arg9[%parallel_loop3A_354, %parallel_loop3A_355] {strides = array<i32>} : memref<32x1024xf32, #tpu.memory_space<vmem>>, vector<1x16xf32>,
        %parallel_loop3A_357 = vector.shape_cast %parallel_loop3A_356 : vector<1x16xf32> to vector<16xf32>
        %parallel_loop3A_358 = vector.shape_cast %parallel_loop3A_264 : vector<16xf32> to vector<1x16xf32>
        tpu.vector_store %arg9[%parallel_loop3A_354, %parallel_loop3A_355], %parallel_loop3A_358 {strides = array<i32>} : memref<32x1024xf32, #tpu.memory_space<vmem>>, vector<1x16xf32>,
        %parallel_loop3A_359 = arith.index_cast %parallel_loop3A_60 : i32 to index
        %parallel_loop3A_360 = arith.constant 208 : index
        %parallel_loop3A_361 = tpu.vector_load %arg9[%parallel_loop3A_359, %parallel_loop3A_360] {strides = array<i32>} : memref<32x1024xf32, #tpu.memory_space<vmem>>, vector<1x16xf32>,
        %parallel_loop3A_362 = vector.shape_cast %parallel_loop3A_361 : vector<1x16xf32> to vector<16xf32>
        %parallel_loop3A_363 = vector.shape_cast %parallel_loop3A_252 : vector<16xf32> to vector<1x16xf32>
        tpu.vector_store %arg9[%parallel_loop3A_359, %parallel_loop3A_360], %parallel_loop3A_363 {strides = array<i32>} : memref<32x1024xf32, #tpu.memory_space<vmem>>, vector<1x16xf32>,
        %parallel_loop3A_364 = arith.index_cast %parallel_loop3A_60 : i32 to index
        %parallel_loop3A_365 = arith.constant 720 : index
        %parallel_loop3A_366 = tpu.vector_load %arg9[%parallel_loop3A_364, %parallel_loop3A_365] {strides = array<i32>} : memref<32x1024xf32, #tpu.memory_space<vmem>>, vector<1x16xf32>,
        %parallel_loop3A_367 = vector.shape_cast %parallel_loop3A_366 : vector<1x16xf32> to vector<16xf32>
        %parallel_loop3A_368 = vector.shape_cast %parallel_loop3A_268 : vector<16xf32> to vector<1x16xf32>
        tpu.vector_store %arg9[%parallel_loop3A_364, %parallel_loop3A_365], %parallel_loop3A_368 {strides = array<i32>} : memref<32x1024xf32, #tpu.memory_space<vmem>>, vector<1x16xf32>,
        %parallel_loop3A_369 = arith.index_cast %parallel_loop3A_60 : i32 to index
        %parallel_loop3A_370 = arith.constant 224 : index
        %parallel_loop3A_371 = tpu.vector_load %arg9[%parallel_loop3A_369, %parallel_loop3A_370] {strides = array<i32>} : memref<32x1024xf32, #tpu.memory_space<vmem>>, vector<1x16xf32>,
        %parallel_loop3A_372 = vector.shape_cast %parallel_loop3A_371 : vector<1x16xf32> to vector<16xf32>
        %parallel_loop3A_373 = vector.shape_cast %parallel_loop3A_256 : vector<16xf32> to vector<1x16xf32>
        tpu.vector_store %arg9[%parallel_loop3A_369, %parallel_loop3A_370], %parallel_loop3A_373 {strides = array<i32>} : memref<32x1024xf32, #tpu.memory_space<vmem>>, vector<1x16xf32>,
        %parallel_loop3A_374 = arith.index_cast %parallel_loop3A_60 : i32 to index
        %parallel_loop3A_375 = arith.constant 736 : index
        %parallel_loop3A_376 = tpu.vector_load %arg9[%parallel_loop3A_374, %parallel_loop3A_375] {strides = array<i32>} : memref<32x1024xf32, #tpu.memory_space<vmem>>, vector<1x16xf32>,
        %parallel_loop3A_377 = vector.shape_cast %parallel_loop3A_376 : vector<1x16xf32> to vector<16xf32>
        %parallel_loop3A_378 = vector.shape_cast %parallel_loop3A_272 : vector<16xf32> to vector<1x16xf32>
        tpu.vector_store %arg9[%parallel_loop3A_374, %parallel_loop3A_375], %parallel_loop3A_378 {strides = array<i32>} : memref<32x1024xf32, #tpu.memory_space<vmem>>, vector<1x16xf32>,
        %parallel_loop3A_379 = arith.index_cast %parallel_loop3A_60 : i32 to index
        %parallel_loop3A_380 = arith.constant 240 : index
        %parallel_loop3A_381 = tpu.vector_load %arg9[%parallel_loop3A_379, %parallel_loop3A_380] {strides = array<i32>} : memref<32x1024xf32, #tpu.memory_space<vmem>>, vector<1x16xf32>,
        %parallel_loop3A_382 = vector.shape_cast %parallel_loop3A_381 : vector<1x16xf32> to vector<16xf32>
        %parallel_loop3A_383 = vector.shape_cast %parallel_loop3A_260 : vector<16xf32> to vector<1x16xf32>
        tpu.vector_store %arg9[%parallel_loop3A_379, %parallel_loop3A_380], %parallel_loop3A_383 {strides = array<i32>} : memref<32x1024xf32, #tpu.memory_space<vmem>>, vector<1x16xf32>,
        %parallel_loop3A_384 = arith.index_cast %parallel_loop3A_60 : i32 to index
        %parallel_loop3A_385 = arith.constant 752 : index
        %parallel_loop3A_386 = tpu.vector_load %arg9[%parallel_loop3A_384, %parallel_loop3A_385] {strides = array<i32>} : memref<32x1024xf32, #tpu.memory_space<vmem>>, vector<1x16xf32>,
        %parallel_loop3A_387 = vector.shape_cast %parallel_loop3A_386 : vector<1x16xf32> to vector<16xf32>
        %parallel_loop3A_388 = vector.shape_cast %parallel_loop3A_276 : vector<16xf32> to vector<1x16xf32>
        tpu.vector_store %arg9[%parallel_loop3A_384, %parallel_loop3A_385], %parallel_loop3A_388 {strides = array<i32>} : memref<32x1024xf32, #tpu.memory_space<vmem>>, vector<1x16xf32>,
        %parallel_loop3A_389 = arith.index_cast %parallel_loop3A_64 : i32 to index
        %parallel_loop3A_390 = arith.constant 320 : index
        %parallel_loop3A_391 = tpu.vector_load %arg5[%parallel_loop3A_389, %parallel_loop3A_390] {strides = array<i32>} : memref<64x512xf32, #tpu.memory_space<vmem>>, vector<1x16xf32>,
        %parallel_loop3A_392 = vector.shape_cast %parallel_loop3A_391 : vector<1x16xf32> to vector<16xf32>
        %parallel_loop3A_393 = arith.index_cast %parallel_loop3A_64 : i32 to index
        %parallel_loop3A_394 = arith.constant 336 : index
        %parallel_loop3A_395 = tpu.vector_load %arg5[%parallel_loop3A_393, %parallel_loop3A_394] {strides = array<i32>} : memref<64x512xf32, #tpu.memory_space<vmem>>, vector<1x16xf32>,
        %parallel_loop3A_396 = vector.shape_cast %parallel_loop3A_395 : vector<1x16xf32> to vector<16xf32>
        %parallel_loop3A_397 = arith.index_cast %parallel_loop3A_64 : i32 to index
        %parallel_loop3A_398 = arith.constant 352 : index
        %parallel_loop3A_399 = tpu.vector_load %arg5[%parallel_loop3A_397, %parallel_loop3A_398] {strides = array<i32>} : memref<64x512xf32, #tpu.memory_space<vmem>>, vector<1x16xf32>,
        %parallel_loop3A_400 = vector.shape_cast %parallel_loop3A_399 : vector<1x16xf32> to vector<16xf32>
        %parallel_loop3A_401 = arith.index_cast %parallel_loop3A_64 : i32 to index
        %parallel_loop3A_402 = arith.constant 368 : index
        %parallel_loop3A_403 = tpu.vector_load %arg5[%parallel_loop3A_401, %parallel_loop3A_402] {strides = array<i32>} : memref<64x512xf32, #tpu.memory_space<vmem>>, vector<1x16xf32>,
        %parallel_loop3A_404 = vector.shape_cast %parallel_loop3A_403 : vector<1x16xf32> to vector<16xf32>
        %parallel_loop3A_405 = arith.index_cast %parallel_loop3A_68 : i32 to index
        %parallel_loop3A_406 = arith.constant 320 : index
        %parallel_loop3A_407 = tpu.vector_load %arg5[%parallel_loop3A_405, %parallel_loop3A_406] {strides = array<i32>} : memref<64x512xf32, #tpu.memory_space<vmem>>, vector<1x16xf32>,
        %parallel_loop3A_408 = vector.shape_cast %parallel_loop3A_407 : vector<1x16xf32> to vector<16xf32>
        %parallel_loop3A_409 = arith.index_cast %parallel_loop3A_68 : i32 to index
        %parallel_loop3A_410 = arith.constant 336 : index
        %parallel_loop3A_411 = tpu.vector_load %arg5[%parallel_loop3A_409, %parallel_loop3A_410] {strides = array<i32>} : memref<64x512xf32, #tpu.memory_space<vmem>>, vector<1x16xf32>,
        %parallel_loop3A_412 = vector.shape_cast %parallel_loop3A_411 : vector<1x16xf32> to vector<16xf32>
        %parallel_loop3A_413 = arith.index_cast %parallel_loop3A_68 : i32 to index
        %parallel_loop3A_414 = arith.constant 352 : index
        %parallel_loop3A_415 = tpu.vector_load %arg5[%parallel_loop3A_413, %parallel_loop3A_414] {strides = array<i32>} : memref<64x512xf32, #tpu.memory_space<vmem>>, vector<1x16xf32>,
        %parallel_loop3A_416 = vector.shape_cast %parallel_loop3A_415 : vector<1x16xf32> to vector<16xf32>
        %parallel_loop3A_417 = arith.index_cast %parallel_loop3A_68 : i32 to index
        %parallel_loop3A_418 = arith.constant 368 : index
        %parallel_loop3A_419 = tpu.vector_load %arg5[%parallel_loop3A_417, %parallel_loop3A_418] {strides = array<i32>} : memref<64x512xf32, #tpu.memory_space<vmem>>, vector<1x16xf32>,
        %parallel_loop3A_420 = vector.shape_cast %parallel_loop3A_419 : vector<1x16xf32> to vector<16xf32>
        %parallel_loop3A_421 = arith.index_cast %parallel_loop3A_60 : i32 to index
        %parallel_loop3A_422 = arith.constant 256 : index
        %parallel_loop3A_423 = tpu.vector_load %arg9[%parallel_loop3A_421, %parallel_loop3A_422] {strides = array<i32>} : memref<32x1024xf32, #tpu.memory_space<vmem>>, vector<1x16xf32>,
        %parallel_loop3A_424 = vector.shape_cast %parallel_loop3A_423 : vector<1x16xf32> to vector<16xf32>
        %parallel_loop3A_425 = vector.shape_cast %parallel_loop3A_320 : vector<16xf32> to vector<1x16xf32>
        tpu.vector_store %arg9[%parallel_loop3A_421, %parallel_loop3A_422], %parallel_loop3A_425 {strides = array<i32>} : memref<32x1024xf32, #tpu.memory_space<vmem>>, vector<1x16xf32>,
        %parallel_loop3A_426 = arith.index_cast %parallel_loop3A_60 : i32 to index
        %parallel_loop3A_427 = arith.constant 768 : index
        %parallel_loop3A_428 = tpu.vector_load %arg9[%parallel_loop3A_426, %parallel_loop3A_427] {strides = array<i32>} : memref<32x1024xf32, #tpu.memory_space<vmem>>, vector<1x16xf32>,
        %parallel_loop3A_429 = vector.shape_cast %parallel_loop3A_428 : vector<1x16xf32> to vector<16xf32>
        %parallel_loop3A_430 = vector.shape_cast %parallel_loop3A_336 : vector<16xf32> to vector<1x16xf32>
        tpu.vector_store %arg9[%parallel_loop3A_426, %parallel_loop3A_427], %parallel_loop3A_430 {strides = array<i32>} : memref<32x1024xf32, #tpu.memory_space<vmem>>, vector<1x16xf32>,
        %parallel_loop3A_431 = arith.index_cast %parallel_loop3A_60 : i32 to index
        %parallel_loop3A_432 = arith.constant 272 : index
        %parallel_loop3A_433 = tpu.vector_load %arg9[%parallel_loop3A_431, %parallel_loop3A_432] {strides = array<i32>} : memref<32x1024xf32, #tpu.memory_space<vmem>>, vector<1x16xf32>,
        %parallel_loop3A_434 = vector.shape_cast %parallel_loop3A_433 : vector<1x16xf32> to vector<16xf32>
        %parallel_loop3A_435 = vector.shape_cast %parallel_loop3A_324 : vector<16xf32> to vector<1x16xf32>
        tpu.vector_store %arg9[%parallel_loop3A_431, %parallel_loop3A_432], %parallel_loop3A_435 {strides = array<i32>} : memref<32x1024xf32, #tpu.memory_space<vmem>>, vector<1x16xf32>,
        %parallel_loop3A_436 = arith.index_cast %parallel_loop3A_60 : i32 to index
        %parallel_loop3A_437 = arith.constant 784 : index
        %parallel_loop3A_438 = tpu.vector_load %arg9[%parallel_loop3A_436, %parallel_loop3A_437] {strides = array<i32>} : memref<32x1024xf32, #tpu.memory_space<vmem>>, vector<1x16xf32>,
        %parallel_loop3A_439 = vector.shape_cast %parallel_loop3A_438 : vector<1x16xf32> to vector<16xf32>
        %parallel_loop3A_440 = vector.shape_cast %parallel_loop3A_340 : vector<16xf32> to vector<1x16xf32>
        tpu.vector_store %arg9[%parallel_loop3A_436, %parallel_loop3A_437], %parallel_loop3A_440 {strides = array<i32>} : memref<32x1024xf32, #tpu.memory_space<vmem>>, vector<1x16xf32>,
        %parallel_loop3A_441 = arith.index_cast %parallel_loop3A_60 : i32 to index
        %parallel_loop3A_442 = arith.constant 288 : index
        %parallel_loop3A_443 = tpu.vector_load %arg9[%parallel_loop3A_441, %parallel_loop3A_442] {strides = array<i32>} : memref<32x1024xf32, #tpu.memory_space<vmem>>, vector<1x16xf32>,
        %parallel_loop3A_444 = vector.shape_cast %parallel_loop3A_443 : vector<1x16xf32> to vector<16xf32>
        %parallel_loop3A_445 = vector.shape_cast %parallel_loop3A_328 : vector<16xf32> to vector<1x16xf32>
        tpu.vector_store %arg9[%parallel_loop3A_441, %parallel_loop3A_442], %parallel_loop3A_445 {strides = array<i32>} : memref<32x1024xf32, #tpu.memory_space<vmem>>, vector<1x16xf32>,
        %parallel_loop3A_446 = arith.index_cast %parallel_loop3A_60 : i32 to index
        %parallel_loop3A_447 = arith.constant 800 : index
        %parallel_loop3A_448 = tpu.vector_load %arg9[%parallel_loop3A_446, %parallel_loop3A_447] {strides = array<i32>} : memref<32x1024xf32, #tpu.memory_space<vmem>>, vector<1x16xf32>,
        %parallel_loop3A_449 = vector.shape_cast %parallel_loop3A_448 : vector<1x16xf32> to vector<16xf32>
        %parallel_loop3A_450 = vector.shape_cast %parallel_loop3A_344 : vector<16xf32> to vector<1x16xf32>
        tpu.vector_store %arg9[%parallel_loop3A_446, %parallel_loop3A_447], %parallel_loop3A_450 {strides = array<i32>} : memref<32x1024xf32, #tpu.memory_space<vmem>>, vector<1x16xf32>,
        %parallel_loop3A_451 = arith.index_cast %parallel_loop3A_60 : i32 to index
        %parallel_loop3A_452 = arith.constant 304 : index
        %parallel_loop3A_453 = tpu.vector_load %arg9[%parallel_loop3A_451, %parallel_loop3A_452] {strides = array<i32>} : memref<32x1024xf32, #tpu.memory_space<vmem>>, vector<1x16xf32>,
        %parallel_loop3A_454 = vector.shape_cast %parallel_loop3A_453 : vector<1x16xf32> to vector<16xf32>
        %parallel_loop3A_455 = vector.shape_cast %parallel_loop3A_332 : vector<16xf32> to vector<1x16xf32>
        tpu.vector_store %arg9[%parallel_loop3A_451, %parallel_loop3A_452], %parallel_loop3A_455 {strides = array<i32>} : memref<32x1024xf32, #tpu.memory_space<vmem>>, vector<1x16xf32>,
        %parallel_loop3A_456 = arith.index_cast %parallel_loop3A_60 : i32 to index
        %parallel_loop3A_457 = arith.constant 816 : index
        %parallel_loop3A_458 = tpu.vector_load %arg9[%parallel_loop3A_456, %parallel_loop3A_457] {strides = array<i32>} : memref<32x1024xf32, #tpu.memory_space<vmem>>, vector<1x16xf32>,
        %parallel_loop3A_459 = vector.shape_cast %parallel_loop3A_458 : vector<1x16xf32> to vector<16xf32>
        %parallel_loop3A_460 = vector.shape_cast %parallel_loop3A_348 : vector<16xf32> to vector<1x16xf32>
        tpu.vector_store %arg9[%parallel_loop3A_456, %parallel_loop3A_457], %parallel_loop3A_460 {strides = array<i32>} : memref<32x1024xf32, #tpu.memory_space<vmem>>, vector<1x16xf32>,
        %parallel_loop3A_461 = arith.index_cast %parallel_loop3A_64 : i32 to index
        %parallel_loop3A_462 = arith.constant 384 : index
        %parallel_loop3A_463 = tpu.vector_load %arg5[%parallel_loop3A_461, %parallel_loop3A_462] {strides = array<i32>} : memref<64x512xf32, #tpu.memory_space<vmem>>, vector<1x16xf32>,
        %parallel_loop3A_464 = vector.shape_cast %parallel_loop3A_463 : vector<1x16xf32> to vector<16xf32>
        %parallel_loop3A_465 = arith.index_cast %parallel_loop3A_64 : i32 to index
        %parallel_loop3A_466 = arith.constant 400 : index
        %parallel_loop3A_467 = tpu.vector_load %arg5[%parallel_loop3A_465, %parallel_loop3A_466] {strides = array<i32>} : memref<64x512xf32, #tpu.memory_space<vmem>>, vector<1x16xf32>,
        %parallel_loop3A_468 = vector.shape_cast %parallel_loop3A_467 : vector<1x16xf32> to vector<16xf32>
        %parallel_loop3A_469 = arith.index_cast %parallel_loop3A_64 : i32 to index
        %parallel_loop3A_470 = arith.constant 416 : index
        %parallel_loop3A_471 = tpu.vector_load %arg5[%parallel_loop3A_469, %parallel_loop3A_470] {strides = array<i32>} : memref<64x512xf32, #tpu.memory_space<vmem>>, vector<1x16xf32>,
        %parallel_loop3A_472 = vector.shape_cast %parallel_loop3A_471 : vector<1x16xf32> to vector<16xf32>
        %parallel_loop3A_473 = arith.index_cast %parallel_loop3A_64 : i32 to index
        %parallel_loop3A_474 = arith.constant 432 : index
        %parallel_loop3A_475 = tpu.vector_load %arg5[%parallel_loop3A_473, %parallel_loop3A_474] {strides = array<i32>} : memref<64x512xf32, #tpu.memory_space<vmem>>, vector<1x16xf32>,
        %parallel_loop3A_476 = vector.shape_cast %parallel_loop3A_475 : vector<1x16xf32> to vector<16xf32>
        %parallel_loop3A_477 = arith.index_cast %parallel_loop3A_68 : i32 to index
        %parallel_loop3A_478 = arith.constant 384 : index
        %parallel_loop3A_479 = tpu.vector_load %arg5[%parallel_loop3A_477, %parallel_loop3A_478] {strides = array<i32>} : memref<64x512xf32, #tpu.memory_space<vmem>>, vector<1x16xf32>,
        %parallel_loop3A_480 = vector.shape_cast %parallel_loop3A_479 : vector<1x16xf32> to vector<16xf32>
        %parallel_loop3A_481 = arith.index_cast %parallel_loop3A_68 : i32 to index
        %parallel_loop3A_482 = arith.constant 400 : index
        %parallel_loop3A_483 = tpu.vector_load %arg5[%parallel_loop3A_481, %parallel_loop3A_482] {strides = array<i32>} : memref<64x512xf32, #tpu.memory_space<vmem>>, vector<1x16xf32>,
        %parallel_loop3A_484 = vector.shape_cast %parallel_loop3A_483 : vector<1x16xf32> to vector<16xf32>
        %parallel_loop3A_485 = arith.index_cast %parallel_loop3A_68 : i32 to index
        %parallel_loop3A_486 = arith.constant 416 : index
        %parallel_loop3A_487 = tpu.vector_load %arg5[%parallel_loop3A_485, %parallel_loop3A_486] {strides = array<i32>} : memref<64x512xf32, #tpu.memory_space<vmem>>, vector<1x16xf32>,
        %parallel_loop3A_488 = vector.shape_cast %parallel_loop3A_487 : vector<1x16xf32> to vector<16xf32>
        %parallel_loop3A_489 = arith.index_cast %parallel_loop3A_68 : i32 to index
        %parallel_loop3A_490 = arith.constant 432 : index
        %parallel_loop3A_491 = tpu.vector_load %arg5[%parallel_loop3A_489, %parallel_loop3A_490] {strides = array<i32>} : memref<64x512xf32, #tpu.memory_space<vmem>>, vector<1x16xf32>,
        %parallel_loop3A_492 = vector.shape_cast %parallel_loop3A_491 : vector<1x16xf32> to vector<16xf32>
        %parallel_loop3A_493 = arith.index_cast %parallel_loop3A_60 : i32 to index
        %parallel_loop3A_494 = arith.constant 320 : index
        %parallel_loop3A_495 = tpu.vector_load %arg9[%parallel_loop3A_493, %parallel_loop3A_494] {strides = array<i32>} : memref<32x1024xf32, #tpu.memory_space<vmem>>, vector<1x16xf32>,
        %parallel_loop3A_496 = vector.shape_cast %parallel_loop3A_495 : vector<1x16xf32> to vector<16xf32>
        %parallel_loop3A_497 = vector.shape_cast %parallel_loop3A_392 : vector<16xf32> to vector<1x16xf32>
        tpu.vector_store %arg9[%parallel_loop3A_493, %parallel_loop3A_494], %parallel_loop3A_497 {strides = array<i32>} : memref<32x1024xf32, #tpu.memory_space<vmem>>, vector<1x16xf32>,
        %parallel_loop3A_498 = arith.index_cast %parallel_loop3A_60 : i32 to index
        %parallel_loop3A_499 = arith.constant 832 : index
        %parallel_loop3A_500 = tpu.vector_load %arg9[%parallel_loop3A_498, %parallel_loop3A_499] {strides = array<i32>} : memref<32x1024xf32, #tpu.memory_space<vmem>>, vector<1x16xf32>,
        %parallel_loop3A_501 = vector.shape_cast %parallel_loop3A_500 : vector<1x16xf32> to vector<16xf32>
        %parallel_loop3A_502 = vector.shape_cast %parallel_loop3A_408 : vector<16xf32> to vector<1x16xf32>
        tpu.vector_store %arg9[%parallel_loop3A_498, %parallel_loop3A_499], %parallel_loop3A_502 {strides = array<i32>} : memref<32x1024xf32, #tpu.memory_space<vmem>>, vector<1x16xf32>,
        %parallel_loop3A_503 = arith.index_cast %parallel_loop3A_60 : i32 to index
        %parallel_loop3A_504 = arith.constant 336 : index
        %parallel_loop3A_505 = tpu.vector_load %arg9[%parallel_loop3A_503, %parallel_loop3A_504] {strides = array<i32>} : memref<32x1024xf32, #tpu.memory_space<vmem>>, vector<1x16xf32>,
        %parallel_loop3A_506 = vector.shape_cast %parallel_loop3A_505 : vector<1x16xf32> to vector<16xf32>
        %parallel_loop3A_507 = vector.shape_cast %parallel_loop3A_396 : vector<16xf32> to vector<1x16xf32>
        tpu.vector_store %arg9[%parallel_loop3A_503, %parallel_loop3A_504], %parallel_loop3A_507 {strides = array<i32>} : memref<32x1024xf32, #tpu.memory_space<vmem>>, vector<1x16xf32>,
        %parallel_loop3A_508 = arith.index_cast %parallel_loop3A_60 : i32 to index
        %parallel_loop3A_509 = arith.constant 848 : index
        %parallel_loop3A_510 = tpu.vector_load %arg9[%parallel_loop3A_508, %parallel_loop3A_509] {strides = array<i32>} : memref<32x1024xf32, #tpu.memory_space<vmem>>, vector<1x16xf32>,
        %parallel_loop3A_511 = vector.shape_cast %parallel_loop3A_510 : vector<1x16xf32> to vector<16xf32>
        %parallel_loop3A_512 = vector.shape_cast %parallel_loop3A_412 : vector<16xf32> to vector<1x16xf32>
        tpu.vector_store %arg9[%parallel_loop3A_508, %parallel_loop3A_509], %parallel_loop3A_512 {strides = array<i32>} : memref<32x1024xf32, #tpu.memory_space<vmem>>, vector<1x16xf32>,
        %parallel_loop3A_513 = arith.index_cast %parallel_loop3A_60 : i32 to index
        %parallel_loop3A_514 = arith.constant 352 : index
        %parallel_loop3A_515 = tpu.vector_load %arg9[%parallel_loop3A_513, %parallel_loop3A_514] {strides = array<i32>} : memref<32x1024xf32, #tpu.memory_space<vmem>>, vector<1x16xf32>,
        %parallel_loop3A_516 = vector.shape_cast %parallel_loop3A_515 : vector<1x16xf32> to vector<16xf32>
        %parallel_loop3A_517 = vector.shape_cast %parallel_loop3A_400 : vector<16xf32> to vector<1x16xf32>
        tpu.vector_store %arg9[%parallel_loop3A_513, %parallel_loop3A_514], %parallel_loop3A_517 {strides = array<i32>} : memref<32x1024xf32, #tpu.memory_space<vmem>>, vector<1x16xf32>,
        %parallel_loop3A_518 = arith.index_cast %parallel_loop3A_60 : i32 to index
        %parallel_loop3A_519 = arith.constant 864 : index
        %parallel_loop3A_520 = tpu.vector_load %arg9[%parallel_loop3A_518, %parallel_loop3A_519] {strides = array<i32>} : memref<32x1024xf32, #tpu.memory_space<vmem>>, vector<1x16xf32>,
        %parallel_loop3A_521 = vector.shape_cast %parallel_loop3A_520 : vector<1x16xf32> to vector<16xf32>
        %parallel_loop3A_522 = vector.shape_cast %parallel_loop3A_416 : vector<16xf32> to vector<1x16xf32>
        tpu.vector_store %arg9[%parallel_loop3A_518, %parallel_loop3A_519], %parallel_loop3A_522 {strides = array<i32>} : memref<32x1024xf32, #tpu.memory_space<vmem>>, vector<1x16xf32>,
        %parallel_loop3A_523 = arith.index_cast %parallel_loop3A_60 : i32 to index
        %parallel_loop3A_524 = arith.constant 368 : index
        %parallel_loop3A_525 = tpu.vector_load %arg9[%parallel_loop3A_523, %parallel_loop3A_524] {strides = array<i32>} : memref<32x1024xf32, #tpu.memory_space<vmem>>, vector<1x16xf32>,
        %parallel_loop3A_526 = vector.shape_cast %parallel_loop3A_525 : vector<1x16xf32> to vector<16xf32>
        %parallel_loop3A_527 = vector.shape_cast %parallel_loop3A_404 : vector<16xf32> to vector<1x16xf32>
        tpu.vector_store %arg9[%parallel_loop3A_523, %parallel_loop3A_524], %parallel_loop3A_527 {strides = array<i32>} : memref<32x1024xf32, #tpu.memory_space<vmem>>, vector<1x16xf32>,
        %parallel_loop3A_528 = arith.index_cast %parallel_loop3A_60 : i32 to index
        %parallel_loop3A_529 = arith.constant 880 : index
        %parallel_loop3A_530 = tpu.vector_load %arg9[%parallel_loop3A_528, %parallel_loop3A_529] {strides = array<i32>} : memref<32x1024xf32, #tpu.memory_space<vmem>>, vector<1x16xf32>,
        %parallel_loop3A_531 = vector.shape_cast %parallel_loop3A_530 : vector<1x16xf32> to vector<16xf32>
        %parallel_loop3A_532 = vector.shape_cast %parallel_loop3A_420 : vector<16xf32> to vector<1x16xf32>
        tpu.vector_store %arg9[%parallel_loop3A_528, %parallel_loop3A_529], %parallel_loop3A_532 {strides = array<i32>} : memref<32x1024xf32, #tpu.memory_space<vmem>>, vector<1x16xf32>,
        %parallel_loop3A_533 = arith.index_cast %parallel_loop3A_64 : i32 to index
        %parallel_loop3A_534 = arith.constant 448 : index
        %parallel_loop3A_535 = tpu.vector_load %arg5[%parallel_loop3A_533, %parallel_loop3A_534] {strides = array<i32>} : memref<64x512xf32, #tpu.memory_space<vmem>>, vector<1x16xf32>,
        %parallel_loop3A_536 = vector.shape_cast %parallel_loop3A_535 : vector<1x16xf32> to vector<16xf32>
        %parallel_loop3A_537 = arith.index_cast %parallel_loop3A_64 : i32 to index
        %parallel_loop3A_538 = arith.constant 464 : index
        %parallel_loop3A_539 = tpu.vector_load %arg5[%parallel_loop3A_537, %parallel_loop3A_538] {strides = array<i32>} : memref<64x512xf32, #tpu.memory_space<vmem>>, vector<1x16xf32>,
        %parallel_loop3A_540 = vector.shape_cast %parallel_loop3A_539 : vector<1x16xf32> to vector<16xf32>
        %parallel_loop3A_541 = arith.index_cast %parallel_loop3A_64 : i32 to index
        %parallel_loop3A_542 = arith.constant 480 : index
        %parallel_loop3A_543 = tpu.vector_load %arg5[%parallel_loop3A_541, %parallel_loop3A_542] {strides = array<i32>} : memref<64x512xf32, #tpu.memory_space<vmem>>, vector<1x16xf32>,
        %parallel_loop3A_544 = vector.shape_cast %parallel_loop3A_543 : vector<1x16xf32> to vector<16xf32>
        %parallel_loop3A_545 = arith.index_cast %parallel_loop3A_64 : i32 to index
        %parallel_loop3A_546 = arith.constant 496 : index
        %parallel_loop3A_547 = tpu.vector_load %arg5[%parallel_loop3A_545, %parallel_loop3A_546] {strides = array<i32>} : memref<64x512xf32, #tpu.memory_space<vmem>>, vector<1x16xf32>,
        %parallel_loop3A_548 = vector.shape_cast %parallel_loop3A_547 : vector<1x16xf32> to vector<16xf32>
        %parallel_loop3A_549 = arith.index_cast %parallel_loop3A_68 : i32 to index
        %parallel_loop3A_550 = arith.constant 448 : index
        %parallel_loop3A_551 = tpu.vector_load %arg5[%parallel_loop3A_549, %parallel_loop3A_550] {strides = array<i32>} : memref<64x512xf32, #tpu.memory_space<vmem>>, vector<1x16xf32>,
        %parallel_loop3A_552 = vector.shape_cast %parallel_loop3A_551 : vector<1x16xf32> to vector<16xf32>
        %parallel_loop3A_553 = arith.index_cast %parallel_loop3A_68 : i32 to index
        %parallel_loop3A_554 = arith.constant 464 : index
        %parallel_loop3A_555 = tpu.vector_load %arg5[%parallel_loop3A_553, %parallel_loop3A_554] {strides = array<i32>} : memref<64x512xf32, #tpu.memory_space<vmem>>, vector<1x16xf32>,
        %parallel_loop3A_556 = vector.shape_cast %parallel_loop3A_555 : vector<1x16xf32> to vector<16xf32>
        %parallel_loop3A_557 = arith.index_cast %parallel_loop3A_68 : i32 to index
        %parallel_loop3A_558 = arith.constant 480 : index
        %parallel_loop3A_559 = tpu.vector_load %arg5[%parallel_loop3A_557, %parallel_loop3A_558] {strides = array<i32>} : memref<64x512xf32, #tpu.memory_space<vmem>>, vector<1x16xf32>,
        %parallel_loop3A_560 = vector.shape_cast %parallel_loop3A_559 : vector<1x16xf32> to vector<16xf32>
        %parallel_loop3A_561 = arith.index_cast %parallel_loop3A_68 : i32 to index
        %parallel_loop3A_562 = arith.constant 496 : index
        %parallel_loop3A_563 = tpu.vector_load %arg5[%parallel_loop3A_561, %parallel_loop3A_562] {strides = array<i32>} : memref<64x512xf32, #tpu.memory_space<vmem>>, vector<1x16xf32>,
        %parallel_loop3A_564 = vector.shape_cast %parallel_loop3A_563 : vector<1x16xf32> to vector<16xf32>
        %parallel_loop3A_565 = arith.index_cast %parallel_loop3A_60 : i32 to index
        %parallel_loop3A_566 = arith.constant 384 : index
        %parallel_loop3A_567 = tpu.vector_load %arg9[%parallel_loop3A_565, %parallel_loop3A_566] {strides = array<i32>} : memref<32x1024xf32, #tpu.memory_space<vmem>>, vector<1x16xf32>,
        %parallel_loop3A_568 = vector.shape_cast %parallel_loop3A_567 : vector<1x16xf32> to vector<16xf32>
        %parallel_loop3A_569 = vector.shape_cast %parallel_loop3A_464 : vector<16xf32> to vector<1x16xf32>
        tpu.vector_store %arg9[%parallel_loop3A_565, %parallel_loop3A_566], %parallel_loop3A_569 {strides = array<i32>} : memref<32x1024xf32, #tpu.memory_space<vmem>>, vector<1x16xf32>,
        %parallel_loop3A_570 = arith.index_cast %parallel_loop3A_60 : i32 to index
        %parallel_loop3A_571 = arith.constant 896 : index
        %parallel_loop3A_572 = tpu.vector_load %arg9[%parallel_loop3A_570, %parallel_loop3A_571] {strides = array<i32>} : memref<32x1024xf32, #tpu.memory_space<vmem>>, vector<1x16xf32>,
        %parallel_loop3A_573 = vector.shape_cast %parallel_loop3A_572 : vector<1x16xf32> to vector<16xf32>
        %parallel_loop3A_574 = vector.shape_cast %parallel_loop3A_480 : vector<16xf32> to vector<1x16xf32>
        tpu.vector_store %arg9[%parallel_loop3A_570, %parallel_loop3A_571], %parallel_loop3A_574 {strides = array<i32>} : memref<32x1024xf32, #tpu.memory_space<vmem>>, vector<1x16xf32>,
        %parallel_loop3A_575 = arith.index_cast %parallel_loop3A_60 : i32 to index
        %parallel_loop3A_576 = arith.constant 400 : index
        %parallel_loop3A_577 = tpu.vector_load %arg9[%parallel_loop3A_575, %parallel_loop3A_576] {strides = array<i32>} : memref<32x1024xf32, #tpu.memory_space<vmem>>, vector<1x16xf32>,
        %parallel_loop3A_578 = vector.shape_cast %parallel_loop3A_577 : vector<1x16xf32> to vector<16xf32>
        %parallel_loop3A_579 = vector.shape_cast %parallel_loop3A_468 : vector<16xf32> to vector<1x16xf32>
        tpu.vector_store %arg9[%parallel_loop3A_575, %parallel_loop3A_576], %parallel_loop3A_579 {strides = array<i32>} : memref<32x1024xf32, #tpu.memory_space<vmem>>, vector<1x16xf32>,
        %parallel_loop3A_580 = arith.index_cast %parallel_loop3A_60 : i32 to index
        %parallel_loop3A_581 = arith.constant 912 : index
        %parallel_loop3A_582 = tpu.vector_load %arg9[%parallel_loop3A_580, %parallel_loop3A_581] {strides = array<i32>} : memref<32x1024xf32, #tpu.memory_space<vmem>>, vector<1x16xf32>,
        %parallel_loop3A_583 = vector.shape_cast %parallel_loop3A_582 : vector<1x16xf32> to vector<16xf32>
        %parallel_loop3A_584 = vector.shape_cast %parallel_loop3A_484 : vector<16xf32> to vector<1x16xf32>
        tpu.vector_store %arg9[%parallel_loop3A_580, %parallel_loop3A_581], %parallel_loop3A_584 {strides = array<i32>} : memref<32x1024xf32, #tpu.memory_space<vmem>>, vector<1x16xf32>,
        %parallel_loop3A_585 = arith.index_cast %parallel_loop3A_60 : i32 to index
        %parallel_loop3A_586 = arith.constant 416 : index
        %parallel_loop3A_587 = tpu.vector_load %arg9[%parallel_loop3A_585, %parallel_loop3A_586] {strides = array<i32>} : memref<32x1024xf32, #tpu.memory_space<vmem>>, vector<1x16xf32>,
        %parallel_loop3A_588 = vector.shape_cast %parallel_loop3A_587 : vector<1x16xf32> to vector<16xf32>
        %parallel_loop3A_589 = vector.shape_cast %parallel_loop3A_472 : vector<16xf32> to vector<1x16xf32>
        tpu.vector_store %arg9[%parallel_loop3A_585, %parallel_loop3A_586], %parallel_loop3A_589 {strides = array<i32>} : memref<32x1024xf32, #tpu.memory_space<vmem>>, vector<1x16xf32>,
        %parallel_loop3A_590 = arith.index_cast %parallel_loop3A_60 : i32 to index
        %parallel_loop3A_591 = arith.constant 928 : index
        %parallel_loop3A_592 = tpu.vector_load %arg9[%parallel_loop3A_590, %parallel_loop3A_591] {strides = array<i32>} : memref<32x1024xf32, #tpu.memory_space<vmem>>, vector<1x16xf32>,
        %parallel_loop3A_593 = vector.shape_cast %parallel_loop3A_592 : vector<1x16xf32> to vector<16xf32>
        %parallel_loop3A_594 = vector.shape_cast %parallel_loop3A_488 : vector<16xf32> to vector<1x16xf32>
        tpu.vector_store %arg9[%parallel_loop3A_590, %parallel_loop3A_591], %parallel_loop3A_594 {strides = array<i32>} : memref<32x1024xf32, #tpu.memory_space<vmem>>, vector<1x16xf32>,
        %parallel_loop3A_595 = arith.index_cast %parallel_loop3A_60 : i32 to index
        %parallel_loop3A_596 = arith.constant 432 : index
        %parallel_loop3A_597 = tpu.vector_load %arg9[%parallel_loop3A_595, %parallel_loop3A_596] {strides = array<i32>} : memref<32x1024xf32, #tpu.memory_space<vmem>>, vector<1x16xf32>,
        %parallel_loop3A_598 = vector.shape_cast %parallel_loop3A_597 : vector<1x16xf32> to vector<16xf32>
        %parallel_loop3A_599 = vector.shape_cast %parallel_loop3A_476 : vector<16xf32> to vector<1x16xf32>
        tpu.vector_store %arg9[%parallel_loop3A_595, %parallel_loop3A_596], %parallel_loop3A_599 {strides = array<i32>} : memref<32x1024xf32, #tpu.memory_space<vmem>>, vector<1x16xf32>,
        %parallel_loop3A_600 = arith.index_cast %parallel_loop3A_60 : i32 to index
        %parallel_loop3A_601 = arith.constant 944 : index
        %parallel_loop3A_602 = tpu.vector_load %arg9[%parallel_loop3A_600, %parallel_loop3A_601] {strides = array<i32>} : memref<32x1024xf32, #tpu.memory_space<vmem>>, vector<1x16xf32>,
        %parallel_loop3A_603 = vector.shape_cast %parallel_loop3A_602 : vector<1x16xf32> to vector<16xf32>
        %parallel_loop3A_604 = vector.shape_cast %parallel_loop3A_492 : vector<16xf32> to vector<1x16xf32>
        tpu.vector_store %arg9[%parallel_loop3A_600, %parallel_loop3A_601], %parallel_loop3A_604 {strides = array<i32>} : memref<32x1024xf32, #tpu.memory_space<vmem>>, vector<1x16xf32>,
        %parallel_loop3A_605 = arith.index_cast %parallel_loop3A_60 : i32 to index
        %parallel_loop3A_606 = arith.constant 448 : index
        %parallel_loop3A_607 = tpu.vector_load %arg9[%parallel_loop3A_605, %parallel_loop3A_606] {strides = array<i32>} : memref<32x1024xf32, #tpu.memory_space<vmem>>, vector<1x16xf32>,
        %parallel_loop3A_608 = vector.shape_cast %parallel_loop3A_607 : vector<1x16xf32> to vector<16xf32>
        %parallel_loop3A_609 = vector.shape_cast %parallel_loop3A_536 : vector<16xf32> to vector<1x16xf32>
        tpu.vector_store %arg9[%parallel_loop3A_605, %parallel_loop3A_606], %parallel_loop3A_609 {strides = array<i32>} : memref<32x1024xf32, #tpu.memory_space<vmem>>, vector<1x16xf32>,
        %parallel_loop3A_610 = arith.index_cast %parallel_loop3A_60 : i32 to index
        %parallel_loop3A_611 = arith.constant 960 : index
        %parallel_loop3A_612 = tpu.vector_load %arg9[%parallel_loop3A_610, %parallel_loop3A_611] {strides = array<i32>} : memref<32x1024xf32, #tpu.memory_space<vmem>>, vector<1x16xf32>,
        %parallel_loop3A_613 = vector.shape_cast %parallel_loop3A_612 : vector<1x16xf32> to vector<16xf32>
        %parallel_loop3A_614 = vector.shape_cast %parallel_loop3A_552 : vector<16xf32> to vector<1x16xf32>
        tpu.vector_store %arg9[%parallel_loop3A_610, %parallel_loop3A_611], %parallel_loop3A_614 {strides = array<i32>} : memref<32x1024xf32, #tpu.memory_space<vmem>>, vector<1x16xf32>,
        %parallel_loop3A_615 = arith.index_cast %parallel_loop3A_60 : i32 to index
        %parallel_loop3A_616 = arith.constant 464 : index
        %parallel_loop3A_617 = tpu.vector_load %arg9[%parallel_loop3A_615, %parallel_loop3A_616] {strides = array<i32>} : memref<32x1024xf32, #tpu.memory_space<vmem>>, vector<1x16xf32>,
        %parallel_loop3A_618 = vector.shape_cast %parallel_loop3A_617 : vector<1x16xf32> to vector<16xf32>
        %parallel_loop3A_619 = vector.shape_cast %parallel_loop3A_540 : vector<16xf32> to vector<1x16xf32>
        tpu.vector_store %arg9[%parallel_loop3A_615, %parallel_loop3A_616], %parallel_loop3A_619 {strides = array<i32>} : memref<32x1024xf32, #tpu.memory_space<vmem>>, vector<1x16xf32>,
        %parallel_loop3A_620 = arith.index_cast %parallel_loop3A_60 : i32 to index
        %parallel_loop3A_621 = arith.constant 976 : index
        %parallel_loop3A_622 = tpu.vector_load %arg9[%parallel_loop3A_620, %parallel_loop3A_621] {strides = array<i32>} : memref<32x1024xf32, #tpu.memory_space<vmem>>, vector<1x16xf32>,
        %parallel_loop3A_623 = vector.shape_cast %parallel_loop3A_622 : vector<1x16xf32> to vector<16xf32>
        %parallel_loop3A_624 = vector.shape_cast %parallel_loop3A_556 : vector<16xf32> to vector<1x16xf32>
        tpu.vector_store %arg9[%parallel_loop3A_620, %parallel_loop3A_621], %parallel_loop3A_624 {strides = array<i32>} : memref<32x1024xf32, #tpu.memory_space<vmem>>, vector<1x16xf32>,
        %parallel_loop3A_625 = arith.index_cast %parallel_loop3A_60 : i32 to index
        %parallel_loop3A_626 = arith.constant 480 : index
        %parallel_loop3A_627 = tpu.vector_load %arg9[%parallel_loop3A_625, %parallel_loop3A_626] {strides = array<i32>} : memref<32x1024xf32, #tpu.memory_space<vmem>>, vector<1x16xf32>,
        %parallel_loop3A_628 = vector.shape_cast %parallel_loop3A_627 : vector<1x16xf32> to vector<16xf32>
        %parallel_loop3A_629 = vector.shape_cast %parallel_loop3A_544 : vector<16xf32> to vector<1x16xf32>
        tpu.vector_store %arg9[%parallel_loop3A_625, %parallel_loop3A_626], %parallel_loop3A_629 {strides = array<i32>} : memref<32x1024xf32, #tpu.memory_space<vmem>>, vector<1x16xf32>,
        %parallel_loop3A_630 = arith.index_cast %parallel_loop3A_60 : i32 to index
        %parallel_loop3A_631 = arith.constant 992 : index
        %parallel_loop3A_632 = tpu.vector_load %arg9[%parallel_loop3A_630, %parallel_loop3A_631] {strides = array<i32>} : memref<32x1024xf32, #tpu.memory_space<vmem>>, vector<1x16xf32>,
        %parallel_loop3A_633 = vector.shape_cast %parallel_loop3A_632 : vector<1x16xf32> to vector<16xf32>
        %parallel_loop3A_634 = vector.shape_cast %parallel_loop3A_560 : vector<16xf32> to vector<1x16xf32>
        tpu.vector_store %arg9[%parallel_loop3A_630, %parallel_loop3A_631], %parallel_loop3A_634 {strides = array<i32>} : memref<32x1024xf32, #tpu.memory_space<vmem>>, vector<1x16xf32>,
        %parallel_loop3A_635 = arith.index_cast %parallel_loop3A_60 : i32 to index
        %parallel_loop3A_636 = arith.constant 496 : index
        %parallel_loop3A_637 = tpu.vector_load %arg9[%parallel_loop3A_635, %parallel_loop3A_636] {strides = array<i32>} : memref<32x1024xf32, #tpu.memory_space<vmem>>, vector<1x16xf32>,
        %parallel_loop3A_638 = vector.shape_cast %parallel_loop3A_637 : vector<1x16xf32> to vector<16xf32>
        %parallel_loop3A_639 = vector.shape_cast %parallel_loop3A_548 : vector<16xf32> to vector<1x16xf32>
        tpu.vector_store %arg9[%parallel_loop3A_635, %parallel_loop3A_636], %parallel_loop3A_639 {strides = array<i32>} : memref<32x1024xf32, #tpu.memory_space<vmem>>, vector<1x16xf32>,
        %parallel_loop3A_640 = arith.index_cast %parallel_loop3A_60 : i32 to index
        %parallel_loop3A_641 = arith.constant 1008 : index
        %parallel_loop3A_642 = tpu.vector_load %arg9[%parallel_loop3A_640, %parallel_loop3A_641] {strides = array<i32>} : memref<32x1024xf32, #tpu.memory_space<vmem>>, vector<1x16xf32>,
        %parallel_loop3A_643 = vector.shape_cast %parallel_loop3A_642 : vector<1x16xf32> to vector<16xf32>
        %parallel_loop3A_644 = vector.shape_cast %parallel_loop3A_564 : vector<16xf32> to vector<1x16xf32>
        tpu.vector_store %arg9[%parallel_loop3A_640, %parallel_loop3A_641], %parallel_loop3A_644 {strides = array<i32>} : memref<32x1024xf32, #tpu.memory_space<vmem>>, vector<1x16xf32>,
      } {sc.loop_unroll_factor = 4 : i64, sc.parallel_access}
      %mul3A_32 = arith.constant 32 : i32
      %mul3A_33 = arith.muli %add3A_25, %mul3A_32 : i32
      %add3A_34 = arith.addi %mul3A_2, %mul3A_33 : i32
      %dma_start3A = arith.constant 0 : i32
      %dma_start3A_35 = tpu.memref_slice %arg4[%add3A_34, %dma_start3A] : memref<65536x1024xf32, #tpu.memory_space<hbm>> -> memref<32x1024xf32, #tpu.memory_space<hbm>>
      %dma_start3A_36 = arith.constant 0 : i32
      %dma_start3A_37 = tpu.memref_slice %arg4[%add3A_34, %dma_start3A_36] : memref<65536x1024xf32, #tpu.memory_space<hbm>> -> memref<32x1024xf32, #tpu.memory_space<hbm>>
      tpu.enqueue_dma source(%arg9 : memref<32x1024xf32, #tpu.memory_space<vmem>>) target(%dma_start3A_37 : memref<32x1024xf32, #tpu.memory_space<hbm>>) target_semaphore(%arg11 : memref<!tpu.dma_semaphore, #tpu.memory_space<semaphore_mem>>)
      %mul3A_38 = arith.constant 2 : i32
      %mul3A_39 = arith.muli %mul3A_38, %scan3A_20 : i32
      %add3A_40 = arith.constant 1 : i32
      %add3A_41 = arith.addi %mul3A_39, %add3A_40 : i32
      %gt3A_42 = arith.constant 0 : i32
      %gt3A_43 = arith.cmpi sgt, %scan3A_20, %gt3A_42 : i32
      %convert_element_type3A_44 = arith.extui %gt3A_43 : i1 to i32
      %cond3A_45 = arith.constant 0 : i32
      %cond3A_46 = arith.cmpi ne, %convert_element_type3A_44, %cond3A_45 : i32
      scf.if %cond3A_46 {
        %sub3A = arith.constant 2 : i32
        %sub3A_60 = arith.subi %add3A_41, %sub3A : i32
        %mul3A_61 = arith.constant 32 : i32
        %mul3A_62 = arith.muli %sub3A_60, %mul3A_61 : i32
        %add3A_63 = arith.addi %mul3A_2, %mul3A_62 : i32
        %dma_wait3A_64 = arith.constant 0 : i32
        %dma_wait3A_65 = tpu.memref_slice %arg4[%add3A_63, %dma_wait3A_64] : memref<65536x1024xf32, #tpu.memory_space<hbm>> -> memref<32x1024xf32, #tpu.memory_space<hbm>>
        %dma_wait3A_66 = arith.constant 0 : i32
        %dma_wait3A_67 = tpu.memref_slice %arg4[%add3A_63, %dma_wait3A_66] : memref<65536x1024xf32, #tpu.memory_space<hbm>> -> memref<32x1024xf32, #tpu.memory_space<hbm>>
        tpu.wait_dma2 semaphore(%arg12 : memref<!tpu.dma_semaphore, #tpu.memory_space<semaphore_mem>>) src(%arg10 : memref<32x1024xf32, #tpu.memory_space<vmem>>) dst(%dma_wait3A_67 : memref<32x1024xf32, #tpu.memory_space<hbm>>)
      } else {
      }
      %mul3A_47 = arith.constant 32 : i32
      %mul3A_48 = arith.muli %add3A_41, %mul3A_47 : i32
      "tpu.region"() ({
        %run_scoped3A = tpu.sem_alloc : memref<!tpu.dma_semaphore, #tpu.memory_space<semaphore_mem>>
        %dma_start3A_60 = tpu.memref_slice %arg7[%arg1, %mul3A_48] : memref<16x2048xi32, #tpu.memory_space<vmem_shared>> -> memref<1x32xi32, #tpu.memory_space<vmem_shared>>
        %dma_start3A_61 = tpu.memref_squeeze %dma_start3A_60 : memref<1x32xi32, #tpu.memory_space<vmem_shared>> -> memref<32xi32, #tpu.memory_space<vmem_shared>>
        tpu.enqueue_dma source(%dma_start3A_61 : memref<32xi32, #tpu.memory_space<vmem_shared>>) target(%arg8 : memref<32xi32, #tpu.memory_space<smem>>) target_semaphore(%run_scoped3A : memref<!tpu.dma_semaphore, #tpu.memory_space<semaphore_mem>>)
        %dma_wait3A_62 = tpu.memref_slice %arg7[%arg1, %mul3A_48] : memref<16x2048xi32, #tpu.memory_space<vmem_shared>> -> memref<1x32xi32, #tpu.memory_space<vmem_shared>>
        %dma_wait3A_63 = tpu.memref_squeeze %dma_wait3A_62 : memref<1x32xi32, #tpu.memory_space<vmem_shared>> -> memref<32xi32, #tpu.memory_space<vmem_shared>>
        tpu.wait_dma2 semaphore(%run_scoped3A : memref<!tpu.dma_semaphore, #tpu.memory_space<semaphore_mem>>) src(%dma_wait3A_63 : memref<32xi32, #tpu.memory_space<vmem_shared>>) dst(%arg8 : memref<32xi32, #tpu.memory_space<smem>>)
        tpu.yield
      }) : () -> ()
      %parallel_loop3A_49 = arith.constant 0 : i32
      %parallel_loop3A_50 = arith.constant 32 : i32
      %parallel_loop3A_51 = arith.constant 1 : i32
      scf.for %parallel_loop3A_60 = %parallel_loop3A_49 to %parallel_loop3A_50 step %parallel_loop3A_51  : i32 {
        %parallel_loop3A_61 = arith.index_cast %parallel_loop3A_60 : i32 to index
        %parallel_loop3A_62 = memref.load %arg8[%parallel_loop3A_61] : memref<32xi32, #tpu.memory_space<smem>>
        %parallel_loop3A_63 = arith.constant 31 : i32
        %parallel_loop3A_64 = arith.andi %parallel_loop3A_62, %parallel_loop3A_63 : i32
        %parallel_loop3A_65 = arith.constant 5 : i32
        %parallel_loop3A_66 = arith.shrsi %parallel_loop3A_62, %parallel_loop3A_65 : i32
        %parallel_loop3A_67 = arith.constant 32 : i32
        %parallel_loop3A_68 = arith.addi %parallel_loop3A_66, %parallel_loop3A_67 : i32
        %parallel_loop3A_69 = arith.index_cast %parallel_loop3A_64 : i32 to index
        %parallel_loop3A_70 = arith.constant 0 : index
        %parallel_loop3A_71 = tpu.vector_load %arg5[%parallel_loop3A_69, %parallel_loop3A_70] {strides = array<i32>} : memref<64x512xf32, #tpu.memory_space<vmem>>, vector<1x16xf32>,
        %parallel_loop3A_72 = vector.shape_cast %parallel_loop3A_71 : vector<1x16xf32> to vector<16xf32>
        %parallel_loop3A_73 = arith.index_cast %parallel_loop3A_64 : i32 to index
        %parallel_loop3A_74 = arith.constant 16 : index
        %parallel_loop3A_75 = tpu.vector_load %arg5[%parallel_loop3A_73, %parallel_loop3A_74] {strides = array<i32>} : memref<64x512xf32, #tpu.memory_space<vmem>>, vector<1x16xf32>,
        %parallel_loop3A_76 = vector.shape_cast %parallel_loop3A_75 : vector<1x16xf32> to vector<16xf32>
        %parallel_loop3A_77 = arith.index_cast %parallel_loop3A_64 : i32 to index
        %parallel_loop3A_78 = arith.constant 32 : index
        %parallel_loop3A_79 = tpu.vector_load %arg5[%parallel_loop3A_77, %parallel_loop3A_78] {strides = array<i32>} : memref<64x512xf32, #tpu.memory_space<vmem>>, vector<1x16xf32>,
        %parallel_loop3A_80 = vector.shape_cast %parallel_loop3A_79 : vector<1x16xf32> to vector<16xf32>
        %parallel_loop3A_81 = arith.index_cast %parallel_loop3A_64 : i32 to index
        %parallel_loop3A_82 = arith.constant 48 : index
        %parallel_loop3A_83 = tpu.vector_load %arg5[%parallel_loop3A_81, %parallel_loop3A_82] {strides = array<i32>} : memref<64x512xf32, #tpu.memory_space<vmem>>, vector<1x16xf32>,
        %parallel_loop3A_84 = vector.shape_cast %parallel_loop3A_83 : vector<1x16xf32> to vector<16xf32>
        %parallel_loop3A_85 = arith.index_cast %parallel_loop3A_68 : i32 to index
        %parallel_loop3A_86 = arith.constant 0 : index
        %parallel_loop3A_87 = tpu.vector_load %arg5[%parallel_loop3A_85, %parallel_loop3A_86] {strides = array<i32>} : memref<64x512xf32, #tpu.memory_space<vmem>>, vector<1x16xf32>,
        %parallel_loop3A_88 = vector.shape_cast %parallel_loop3A_87 : vector<1x16xf32> to vector<16xf32>
        %parallel_loop3A_89 = arith.index_cast %parallel_loop3A_68 : i32 to index
        %parallel_loop3A_90 = arith.constant 16 : index
        %parallel_loop3A_91 = tpu.vector_load %arg5[%parallel_loop3A_89, %parallel_loop3A_90] {strides = array<i32>} : memref<64x512xf32, #tpu.memory_space<vmem>>, vector<1x16xf32>,
        %parallel_loop3A_92 = vector.shape_cast %parallel_loop3A_91 : vector<1x16xf32> to vector<16xf32>
        %parallel_loop3A_93 = arith.index_cast %parallel_loop3A_68 : i32 to index
        %parallel_loop3A_94 = arith.constant 32 : index
        %parallel_loop3A_95 = tpu.vector_load %arg5[%parallel_loop3A_93, %parallel_loop3A_94] {strides = array<i32>} : memref<64x512xf32, #tpu.memory_space<vmem>>, vector<1x16xf32>,
        %parallel_loop3A_96 = vector.shape_cast %parallel_loop3A_95 : vector<1x16xf32> to vector<16xf32>
        %parallel_loop3A_97 = arith.index_cast %parallel_loop3A_68 : i32 to index
        %parallel_loop3A_98 = arith.constant 48 : index
        %parallel_loop3A_99 = tpu.vector_load %arg5[%parallel_loop3A_97, %parallel_loop3A_98] {strides = array<i32>} : memref<64x512xf32, #tpu.memory_space<vmem>>, vector<1x16xf32>,
        %parallel_loop3A_100 = vector.shape_cast %parallel_loop3A_99 : vector<1x16xf32> to vector<16xf32>
        %parallel_loop3A_101 = arith.index_cast %parallel_loop3A_64 : i32 to index
        %parallel_loop3A_102 = arith.constant 64 : index
        %parallel_loop3A_103 = tpu.vector_load %arg5[%parallel_loop3A_101, %parallel_loop3A_102] {strides = array<i32>} : memref<64x512xf32, #tpu.memory_space<vmem>>, vector<1x16xf32>,
        %parallel_loop3A_104 = vector.shape_cast %parallel_loop3A_103 : vector<1x16xf32> to vector<16xf32>
        %parallel_loop3A_105 = arith.index_cast %parallel_loop3A_64 : i32 to index
        %parallel_loop3A_106 = arith.constant 80 : index
        %parallel_loop3A_107 = tpu.vector_load %arg5[%parallel_loop3A_105, %parallel_loop3A_106] {strides = array<i32>} : memref<64x512xf32, #tpu.memory_space<vmem>>, vector<1x16xf32>,
        %parallel_loop3A_108 = vector.shape_cast %parallel_loop3A_107 : vector<1x16xf32> to vector<16xf32>
        %parallel_loop3A_109 = arith.index_cast %parallel_loop3A_64 : i32 to index
        %parallel_loop3A_110 = arith.constant 96 : index
        %parallel_loop3A_111 = tpu.vector_load %arg5[%parallel_loop3A_109, %parallel_loop3A_110] {strides = array<i32>} : memref<64x512xf32, #tpu.memory_space<vmem>>, vector<1x16xf32>,
        %parallel_loop3A_112 = vector.shape_cast %parallel_loop3A_111 : vector<1x16xf32> to vector<16xf32>
        %parallel_loop3A_113 = arith.index_cast %parallel_loop3A_64 : i32 to index
        %parallel_loop3A_114 = arith.constant 112 : index
        %parallel_loop3A_115 = tpu.vector_load %arg5[%parallel_loop3A_113, %parallel_loop3A_114] {strides = array<i32>} : memref<64x512xf32, #tpu.memory_space<vmem>>, vector<1x16xf32>,
        %parallel_loop3A_116 = vector.shape_cast %parallel_loop3A_115 : vector<1x16xf32> to vector<16xf32>
        %parallel_loop3A_117 = arith.index_cast %parallel_loop3A_68 : i32 to index
        %parallel_loop3A_118 = arith.constant 64 : index
        %parallel_loop3A_119 = tpu.vector_load %arg5[%parallel_loop3A_117, %parallel_loop3A_118] {strides = array<i32>} : memref<64x512xf32, #tpu.memory_space<vmem>>, vector<1x16xf32>,
        %parallel_loop3A_120 = vector.shape_cast %parallel_loop3A_119 : vector<1x16xf32> to vector<16xf32>
        %parallel_loop3A_121 = arith.index_cast %parallel_loop3A_68 : i32 to index
        %parallel_loop3A_122 = arith.constant 80 : index
        %parallel_loop3A_123 = tpu.vector_load %arg5[%parallel_loop3A_121, %parallel_loop3A_122] {strides = array<i32>} : memref<64x512xf32, #tpu.memory_space<vmem>>, vector<1x16xf32>,
        %parallel_loop3A_124 = vector.shape_cast %parallel_loop3A_123 : vector<1x16xf32> to vector<16xf32>
        %parallel_loop3A_125 = arith.index_cast %parallel_loop3A_68 : i32 to index
        %parallel_loop3A_126 = arith.constant 96 : index
        %parallel_loop3A_127 = tpu.vector_load %arg5[%parallel_loop3A_125, %parallel_loop3A_126] {strides = array<i32>} : memref<64x512xf32, #tpu.memory_space<vmem>>, vector<1x16xf32>,
        %parallel_loop3A_128 = vector.shape_cast %parallel_loop3A_127 : vector<1x16xf32> to vector<16xf32>
        %parallel_loop3A_129 = arith.index_cast %parallel_loop3A_68 : i32 to index
        %parallel_loop3A_130 = arith.constant 112 : index
        %parallel_loop3A_131 = tpu.vector_load %arg5[%parallel_loop3A_129, %parallel_loop3A_130] {strides = array<i32>} : memref<64x512xf32, #tpu.memory_space<vmem>>, vector<1x16xf32>,
        %parallel_loop3A_132 = vector.shape_cast %parallel_loop3A_131 : vector<1x16xf32> to vector<16xf32>
        %parallel_loop3A_133 = arith.index_cast %parallel_loop3A_60 : i32 to index
        %parallel_loop3A_134 = arith.constant 0 : index
        %parallel_loop3A_135 = tpu.vector_load %arg10[%parallel_loop3A_133, %parallel_loop3A_134] {strides = array<i32>} : memref<32x1024xf32, #tpu.memory_space<vmem>>, vector<1x16xf32>,
        %parallel_loop3A_136 = vector.shape_cast %parallel_loop3A_135 : vector<1x16xf32> to vector<16xf32>
        %parallel_loop3A_137 = vector.shape_cast %parallel_loop3A_72 : vector<16xf32> to vector<1x16xf32>
        tpu.vector_store %arg10[%parallel_loop3A_133, %parallel_loop3A_134], %parallel_loop3A_137 {strides = array<i32>} : memref<32x1024xf32, #tpu.memory_space<vmem>>, vector<1x16xf32>,
        %parallel_loop3A_138 = arith.index_cast %parallel_loop3A_60 : i32 to index
        %parallel_loop3A_139 = arith.constant 512 : index
        %parallel_loop3A_140 = tpu.vector_load %arg10[%parallel_loop3A_138, %parallel_loop3A_139] {strides = array<i32>} : memref<32x1024xf32, #tpu.memory_space<vmem>>, vector<1x16xf32>,
        %parallel_loop3A_141 = vector.shape_cast %parallel_loop3A_140 : vector<1x16xf32> to vector<16xf32>
        %parallel_loop3A_142 = vector.shape_cast %parallel_loop3A_88 : vector<16xf32> to vector<1x16xf32>
        tpu.vector_store %arg10[%parallel_loop3A_138, %parallel_loop3A_139], %parallel_loop3A_142 {strides = array<i32>} : memref<32x1024xf32, #tpu.memory_space<vmem>>, vector<1x16xf32>,
        %parallel_loop3A_143 = arith.index_cast %parallel_loop3A_60 : i32 to index
        %parallel_loop3A_144 = arith.constant 16 : index
        %parallel_loop3A_145 = tpu.vector_load %arg10[%parallel_loop3A_143, %parallel_loop3A_144] {strides = array<i32>} : memref<32x1024xf32, #tpu.memory_space<vmem>>, vector<1x16xf32>,
        %parallel_loop3A_146 = vector.shape_cast %parallel_loop3A_145 : vector<1x16xf32> to vector<16xf32>
        %parallel_loop3A_147 = vector.shape_cast %parallel_loop3A_76 : vector<16xf32> to vector<1x16xf32>
        tpu.vector_store %arg10[%parallel_loop3A_143, %parallel_loop3A_144], %parallel_loop3A_147 {strides = array<i32>} : memref<32x1024xf32, #tpu.memory_space<vmem>>, vector<1x16xf32>,
        %parallel_loop3A_148 = arith.index_cast %parallel_loop3A_60 : i32 to index
        %parallel_loop3A_149 = arith.constant 528 : index
        %parallel_loop3A_150 = tpu.vector_load %arg10[%parallel_loop3A_148, %parallel_loop3A_149] {strides = array<i32>} : memref<32x1024xf32, #tpu.memory_space<vmem>>, vector<1x16xf32>,
        %parallel_loop3A_151 = vector.shape_cast %parallel_loop3A_150 : vector<1x16xf32> to vector<16xf32>
        %parallel_loop3A_152 = vector.shape_cast %parallel_loop3A_92 : vector<16xf32> to vector<1x16xf32>
        tpu.vector_store %arg10[%parallel_loop3A_148, %parallel_loop3A_149], %parallel_loop3A_152 {strides = array<i32>} : memref<32x1024xf32, #tpu.memory_space<vmem>>, vector<1x16xf32>,
        %parallel_loop3A_153 = arith.index_cast %parallel_loop3A_60 : i32 to index
        %parallel_loop3A_154 = arith.constant 32 : index
        %parallel_loop3A_155 = tpu.vector_load %arg10[%parallel_loop3A_153, %parallel_loop3A_154] {strides = array<i32>} : memref<32x1024xf32, #tpu.memory_space<vmem>>, vector<1x16xf32>,
        %parallel_loop3A_156 = vector.shape_cast %parallel_loop3A_155 : vector<1x16xf32> to vector<16xf32>
        %parallel_loop3A_157 = vector.shape_cast %parallel_loop3A_80 : vector<16xf32> to vector<1x16xf32>
        tpu.vector_store %arg10[%parallel_loop3A_153, %parallel_loop3A_154], %parallel_loop3A_157 {strides = array<i32>} : memref<32x1024xf32, #tpu.memory_space<vmem>>, vector<1x16xf32>,
        %parallel_loop3A_158 = arith.index_cast %parallel_loop3A_60 : i32 to index
        %parallel_loop3A_159 = arith.constant 544 : index
        %parallel_loop3A_160 = tpu.vector_load %arg10[%parallel_loop3A_158, %parallel_loop3A_159] {strides = array<i32>} : memref<32x1024xf32, #tpu.memory_space<vmem>>, vector<1x16xf32>,
        %parallel_loop3A_161 = vector.shape_cast %parallel_loop3A_160 : vector<1x16xf32> to vector<16xf32>
        %parallel_loop3A_162 = vector.shape_cast %parallel_loop3A_96 : vector<16xf32> to vector<1x16xf32>
        tpu.vector_store %arg10[%parallel_loop3A_158, %parallel_loop3A_159], %parallel_loop3A_162 {strides = array<i32>} : memref<32x1024xf32, #tpu.memory_space<vmem>>, vector<1x16xf32>,
        %parallel_loop3A_163 = arith.index_cast %parallel_loop3A_60 : i32 to index
        %parallel_loop3A_164 = arith.constant 48 : index
        %parallel_loop3A_165 = tpu.vector_load %arg10[%parallel_loop3A_163, %parallel_loop3A_164] {strides = array<i32>} : memref<32x1024xf32, #tpu.memory_space<vmem>>, vector<1x16xf32>,
        %parallel_loop3A_166 = vector.shape_cast %parallel_loop3A_165 : vector<1x16xf32> to vector<16xf32>
        %parallel_loop3A_167 = vector.shape_cast %parallel_loop3A_84 : vector<16xf32> to vector<1x16xf32>
        tpu.vector_store %arg10[%parallel_loop3A_163, %parallel_loop3A_164], %parallel_loop3A_167 {strides = array<i32>} : memref<32x1024xf32, #tpu.memory_space<vmem>>, vector<1x16xf32>,
        %parallel_loop3A_168 = arith.index_cast %parallel_loop3A_60 : i32 to index
        %parallel_loop3A_169 = arith.constant 560 : index
        %parallel_loop3A_170 = tpu.vector_load %arg10[%parallel_loop3A_168, %parallel_loop3A_169] {strides = array<i32>} : memref<32x1024xf32, #tpu.memory_space<vmem>>, vector<1x16xf32>,
        %parallel_loop3A_171 = vector.shape_cast %parallel_loop3A_170 : vector<1x16xf32> to vector<16xf32>
        %parallel_loop3A_172 = vector.shape_cast %parallel_loop3A_100 : vector<16xf32> to vector<1x16xf32>
        tpu.vector_store %arg10[%parallel_loop3A_168, %parallel_loop3A_169], %parallel_loop3A_172 {strides = array<i32>} : memref<32x1024xf32, #tpu.memory_space<vmem>>, vector<1x16xf32>,
        %parallel_loop3A_173 = arith.index_cast %parallel_loop3A_64 : i32 to index
        %parallel_loop3A_174 = arith.constant 128 : index
        %parallel_loop3A_175 = tpu.vector_load %arg5[%parallel_loop3A_173, %parallel_loop3A_174] {strides = array<i32>} : memref<64x512xf32, #tpu.memory_space<vmem>>, vector<1x16xf32>,
        %parallel_loop3A_176 = vector.shape_cast %parallel_loop3A_175 : vector<1x16xf32> to vector<16xf32>
        %parallel_loop3A_177 = arith.index_cast %parallel_loop3A_64 : i32 to index
        %parallel_loop3A_178 = arith.constant 144 : index
        %parallel_loop3A_179 = tpu.vector_load %arg5[%parallel_loop3A_177, %parallel_loop3A_178] {strides = array<i32>} : memref<64x512xf32, #tpu.memory_space<vmem>>, vector<1x16xf32>,
        %parallel_loop3A_180 = vector.shape_cast %parallel_loop3A_179 : vector<1x16xf32> to vector<16xf32>
        %parallel_loop3A_181 = arith.index_cast %parallel_loop3A_64 : i32 to index
        %parallel_loop3A_182 = arith.constant 160 : index
        %parallel_loop3A_183 = tpu.vector_load %arg5[%parallel_loop3A_181, %parallel_loop3A_182] {strides = array<i32>} : memref<64x512xf32, #tpu.memory_space<vmem>>, vector<1x16xf32>,
        %parallel_loop3A_184 = vector.shape_cast %parallel_loop3A_183 : vector<1x16xf32> to vector<16xf32>
        %parallel_loop3A_185 = arith.index_cast %parallel_loop3A_64 : i32 to index
        %parallel_loop3A_186 = arith.constant 176 : index
        %parallel_loop3A_187 = tpu.vector_load %arg5[%parallel_loop3A_185, %parallel_loop3A_186] {strides = array<i32>} : memref<64x512xf32, #tpu.memory_space<vmem>>, vector<1x16xf32>,
        %parallel_loop3A_188 = vector.shape_cast %parallel_loop3A_187 : vector<1x16xf32> to vector<16xf32>
        %parallel_loop3A_189 = arith.index_cast %parallel_loop3A_68 : i32 to index
        %parallel_loop3A_190 = arith.constant 128 : index
        %parallel_loop3A_191 = tpu.vector_load %arg5[%parallel_loop3A_189, %parallel_loop3A_190] {strides = array<i32>} : memref<64x512xf32, #tpu.memory_space<vmem>>, vector<1x16xf32>,
        %parallel_loop3A_192 = vector.shape_cast %parallel_loop3A_191 : vector<1x16xf32> to vector<16xf32>
        %parallel_loop3A_193 = arith.index_cast %parallel_loop3A_68 : i32 to index
        %parallel_loop3A_194 = arith.constant 144 : index
        %parallel_loop3A_195 = tpu.vector_load %arg5[%parallel_loop3A_193, %parallel_loop3A_194] {strides = array<i32>} : memref<64x512xf32, #tpu.memory_space<vmem>>, vector<1x16xf32>,
        %parallel_loop3A_196 = vector.shape_cast %parallel_loop3A_195 : vector<1x16xf32> to vector<16xf32>
        %parallel_loop3A_197 = arith.index_cast %parallel_loop3A_68 : i32 to index
        %parallel_loop3A_198 = arith.constant 160 : index
        %parallel_loop3A_199 = tpu.vector_load %arg5[%parallel_loop3A_197, %parallel_loop3A_198] {strides = array<i32>} : memref<64x512xf32, #tpu.memory_space<vmem>>, vector<1x16xf32>,
        %parallel_loop3A_200 = vector.shape_cast %parallel_loop3A_199 : vector<1x16xf32> to vector<16xf32>
        %parallel_loop3A_201 = arith.index_cast %parallel_loop3A_68 : i32 to index
        %parallel_loop3A_202 = arith.constant 176 : index
        %parallel_loop3A_203 = tpu.vector_load %arg5[%parallel_loop3A_201, %parallel_loop3A_202] {strides = array<i32>} : memref<64x512xf32, #tpu.memory_space<vmem>>, vector<1x16xf32>,
        %parallel_loop3A_204 = vector.shape_cast %parallel_loop3A_203 : vector<1x16xf32> to vector<16xf32>
        %parallel_loop3A_205 = arith.index_cast %parallel_loop3A_60 : i32 to index
        %parallel_loop3A_206 = arith.constant 64 : index
        %parallel_loop3A_207 = tpu.vector_load %arg10[%parallel_loop3A_205, %parallel_loop3A_206] {strides = array<i32>} : memref<32x1024xf32, #tpu.memory_space<vmem>>, vector<1x16xf32>,
        %parallel_loop3A_208 = vector.shape_cast %parallel_loop3A_207 : vector<1x16xf32> to vector<16xf32>
        %parallel_loop3A_209 = vector.shape_cast %parallel_loop3A_104 : vector<16xf32> to vector<1x16xf32>
        tpu.vector_store %arg10[%parallel_loop3A_205, %parallel_loop3A_206], %parallel_loop3A_209 {strides = array<i32>} : memref<32x1024xf32, #tpu.memory_space<vmem>>, vector<1x16xf32>,
        %parallel_loop3A_210 = arith.index_cast %parallel_loop3A_60 : i32 to index
        %parallel_loop3A_211 = arith.constant 576 : index
        %parallel_loop3A_212 = tpu.vector_load %arg10[%parallel_loop3A_210, %parallel_loop3A_211] {strides = array<i32>} : memref<32x1024xf32, #tpu.memory_space<vmem>>, vector<1x16xf32>,
        %parallel_loop3A_213 = vector.shape_cast %parallel_loop3A_212 : vector<1x16xf32> to vector<16xf32>
        %parallel_loop3A_214 = vector.shape_cast %parallel_loop3A_120 : vector<16xf32> to vector<1x16xf32>
        tpu.vector_store %arg10[%parallel_loop3A_210, %parallel_loop3A_211], %parallel_loop3A_214 {strides = array<i32>} : memref<32x1024xf32, #tpu.memory_space<vmem>>, vector<1x16xf32>,
        %parallel_loop3A_215 = arith.index_cast %parallel_loop3A_60 : i32 to index
        %parallel_loop3A_216 = arith.constant 80 : index
        %parallel_loop3A_217 = tpu.vector_load %arg10[%parallel_loop3A_215, %parallel_loop3A_216] {strides = array<i32>} : memref<32x1024xf32, #tpu.memory_space<vmem>>, vector<1x16xf32>,
        %parallel_loop3A_218 = vector.shape_cast %parallel_loop3A_217 : vector<1x16xf32> to vector<16xf32>
        %parallel_loop3A_219 = vector.shape_cast %parallel_loop3A_108 : vector<16xf32> to vector<1x16xf32>
        tpu.vector_store %arg10[%parallel_loop3A_215, %parallel_loop3A_216], %parallel_loop3A_219 {strides = array<i32>} : memref<32x1024xf32, #tpu.memory_space<vmem>>, vector<1x16xf32>,
        %parallel_loop3A_220 = arith.index_cast %parallel_loop3A_60 : i32 to index
        %parallel_loop3A_221 = arith.constant 592 : index
        %parallel_loop3A_222 = tpu.vector_load %arg10[%parallel_loop3A_220, %parallel_loop3A_221] {strides = array<i32>} : memref<32x1024xf32, #tpu.memory_space<vmem>>, vector<1x16xf32>,
        %parallel_loop3A_223 = vector.shape_cast %parallel_loop3A_222 : vector<1x16xf32> to vector<16xf32>
        %parallel_loop3A_224 = vector.shape_cast %parallel_loop3A_124 : vector<16xf32> to vector<1x16xf32>
        tpu.vector_store %arg10[%parallel_loop3A_220, %parallel_loop3A_221], %parallel_loop3A_224 {strides = array<i32>} : memref<32x1024xf32, #tpu.memory_space<vmem>>, vector<1x16xf32>,
        %parallel_loop3A_225 = arith.index_cast %parallel_loop3A_60 : i32 to index
        %parallel_loop3A_226 = arith.constant 96 : index
        %parallel_loop3A_227 = tpu.vector_load %arg10[%parallel_loop3A_225, %parallel_loop3A_226] {strides = array<i32>} : memref<32x1024xf32, #tpu.memory_space<vmem>>, vector<1x16xf32>,
        %parallel_loop3A_228 = vector.shape_cast %parallel_loop3A_227 : vector<1x16xf32> to vector<16xf32>
        %parallel_loop3A_229 = vector.shape_cast %parallel_loop3A_112 : vector<16xf32> to vector<1x16xf32>
        tpu.vector_store %arg10[%parallel_loop3A_225, %parallel_loop3A_226], %parallel_loop3A_229 {strides = array<i32>} : memref<32x1024xf32, #tpu.memory_space<vmem>>, vector<1x16xf32>,
        %parallel_loop3A_230 = arith.index_cast %parallel_loop3A_60 : i32 to index
        %parallel_loop3A_231 = arith.constant 608 : index
        %parallel_loop3A_232 = tpu.vector_load %arg10[%parallel_loop3A_230, %parallel_loop3A_231] {strides = array<i32>} : memref<32x1024xf32, #tpu.memory_space<vmem>>, vector<1x16xf32>,
        %parallel_loop3A_233 = vector.shape_cast %parallel_loop3A_232 : vector<1x16xf32> to vector<16xf32>
        %parallel_loop3A_234 = vector.shape_cast %parallel_loop3A_128 : vector<16xf32> to vector<1x16xf32>
        tpu.vector_store %arg10[%parallel_loop3A_230, %parallel_loop3A_231], %parallel_loop3A_234 {strides = array<i32>} : memref<32x1024xf32, #tpu.memory_space<vmem>>, vector<1x16xf32>,
        %parallel_loop3A_235 = arith.index_cast %parallel_loop3A_60 : i32 to index
        %parallel_loop3A_236 = arith.constant 112 : index
        %parallel_loop3A_237 = tpu.vector_load %arg10[%parallel_loop3A_235, %parallel_loop3A_236] {strides = array<i32>} : memref<32x1024xf32, #tpu.memory_space<vmem>>, vector<1x16xf32>,
        %parallel_loop3A_238 = vector.shape_cast %parallel_loop3A_237 : vector<1x16xf32> to vector<16xf32>
        %parallel_loop3A_239 = vector.shape_cast %parallel_loop3A_116 : vector<16xf32> to vector<1x16xf32>
        tpu.vector_store %arg10[%parallel_loop3A_235, %parallel_loop3A_236], %parallel_loop3A_239 {strides = array<i32>} : memref<32x1024xf32, #tpu.memory_space<vmem>>, vector<1x16xf32>,
        %parallel_loop3A_240 = arith.index_cast %parallel_loop3A_60 : i32 to index
        %parallel_loop3A_241 = arith.constant 624 : index
        %parallel_loop3A_242 = tpu.vector_load %arg10[%parallel_loop3A_240, %parallel_loop3A_241] {strides = array<i32>} : memref<32x1024xf32, #tpu.memory_space<vmem>>, vector<1x16xf32>,
        %parallel_loop3A_243 = vector.shape_cast %parallel_loop3A_242 : vector<1x16xf32> to vector<16xf32>
        %parallel_loop3A_244 = vector.shape_cast %parallel_loop3A_132 : vector<16xf32> to vector<1x16xf32>
        tpu.vector_store %arg10[%parallel_loop3A_240, %parallel_loop3A_241], %parallel_loop3A_244 {strides = array<i32>} : memref<32x1024xf32, #tpu.memory_space<vmem>>, vector<1x16xf32>,
        %parallel_loop3A_245 = arith.index_cast %parallel_loop3A_64 : i32 to index
        %parallel_loop3A_246 = arith.constant 192 : index
        %parallel_loop3A_247 = tpu.vector_load %arg5[%parallel_loop3A_245, %parallel_loop3A_246] {strides = array<i32>} : memref<64x512xf32, #tpu.memory_space<vmem>>, vector<1x16xf32>,
        %parallel_loop3A_248 = vector.shape_cast %parallel_loop3A_247 : vector<1x16xf32> to vector<16xf32>
        %parallel_loop3A_249 = arith.index_cast %parallel_loop3A_64 : i32 to index
        %parallel_loop3A_250 = arith.constant 208 : index
        %parallel_loop3A_251 = tpu.vector_load %arg5[%parallel_loop3A_249, %parallel_loop3A_250] {strides = array<i32>} : memref<64x512xf32, #tpu.memory_space<vmem>>, vector<1x16xf32>,
        %parallel_loop3A_252 = vector.shape_cast %parallel_loop3A_251 : vector<1x16xf32> to vector<16xf32>
        %parallel_loop3A_253 = arith.index_cast %parallel_loop3A_64 : i32 to index
        %parallel_loop3A_254 = arith.constant 224 : index
        %parallel_loop3A_255 = tpu.vector_load %arg5[%parallel_loop3A_253, %parallel_loop3A_254] {strides = array<i32>} : memref<64x512xf32, #tpu.memory_space<vmem>>, vector<1x16xf32>,
        %parallel_loop3A_256 = vector.shape_cast %parallel_loop3A_255 : vector<1x16xf32> to vector<16xf32>
        %parallel_loop3A_257 = arith.index_cast %parallel_loop3A_64 : i32 to index
        %parallel_loop3A_258 = arith.constant 240 : index
        %parallel_loop3A_259 = tpu.vector_load %arg5[%parallel_loop3A_257, %parallel_loop3A_258] {strides = array<i32>} : memref<64x512xf32, #tpu.memory_space<vmem>>, vector<1x16xf32>,
        %parallel_loop3A_260 = vector.shape_cast %parallel_loop3A_259 : vector<1x16xf32> to vector<16xf32>
        %parallel_loop3A_261 = arith.index_cast %parallel_loop3A_68 : i32 to index
        %parallel_loop3A_262 = arith.constant 192 : index
        %parallel_loop3A_263 = tpu.vector_load %arg5[%parallel_loop3A_261, %parallel_loop3A_262] {strides = array<i32>} : memref<64x512xf32, #tpu.memory_space<vmem>>, vector<1x16xf32>,
        %parallel_loop3A_264 = vector.shape_cast %parallel_loop3A_263 : vector<1x16xf32> to vector<16xf32>
        %parallel_loop3A_265 = arith.index_cast %parallel_loop3A_68 : i32 to index
        %parallel_loop3A_266 = arith.constant 208 : index
        %parallel_loop3A_267 = tpu.vector_load %arg5[%parallel_loop3A_265, %parallel_loop3A_266] {strides = array<i32>} : memref<64x512xf32, #tpu.memory_space<vmem>>, vector<1x16xf32>,
        %parallel_loop3A_268 = vector.shape_cast %parallel_loop3A_267 : vector<1x16xf32> to vector<16xf32>
        %parallel_loop3A_269 = arith.index_cast %parallel_loop3A_68 : i32 to index
        %parallel_loop3A_270 = arith.constant 224 : index
        %parallel_loop3A_271 = tpu.vector_load %arg5[%parallel_loop3A_269, %parallel_loop3A_270] {strides = array<i32>} : memref<64x512xf32, #tpu.memory_space<vmem>>, vector<1x16xf32>,
        %parallel_loop3A_272 = vector.shape_cast %parallel_loop3A_271 : vector<1x16xf32> to vector<16xf32>
        %parallel_loop3A_273 = arith.index_cast %parallel_loop3A_68 : i32 to index
        %parallel_loop3A_274 = arith.constant 240 : index
        %parallel_loop3A_275 = tpu.vector_load %arg5[%parallel_loop3A_273, %parallel_loop3A_274] {strides = array<i32>} : memref<64x512xf32, #tpu.memory_space<vmem>>, vector<1x16xf32>,
        %parallel_loop3A_276 = vector.shape_cast %parallel_loop3A_275 : vector<1x16xf32> to vector<16xf32>
        %parallel_loop3A_277 = arith.index_cast %parallel_loop3A_60 : i32 to index
        %parallel_loop3A_278 = arith.constant 128 : index
        %parallel_loop3A_279 = tpu.vector_load %arg10[%parallel_loop3A_277, %parallel_loop3A_278] {strides = array<i32>} : memref<32x1024xf32, #tpu.memory_space<vmem>>, vector<1x16xf32>,
        %parallel_loop3A_280 = vector.shape_cast %parallel_loop3A_279 : vector<1x16xf32> to vector<16xf32>
        %parallel_loop3A_281 = vector.shape_cast %parallel_loop3A_176 : vector<16xf32> to vector<1x16xf32>
        tpu.vector_store %arg10[%parallel_loop3A_277, %parallel_loop3A_278], %parallel_loop3A_281 {strides = array<i32>} : memref<32x1024xf32, #tpu.memory_space<vmem>>, vector<1x16xf32>,
        %parallel_loop3A_282 = arith.index_cast %parallel_loop3A_60 : i32 to index
        %parallel_loop3A_283 = arith.constant 640 : index
        %parallel_loop3A_284 = tpu.vector_load %arg10[%parallel_loop3A_282, %parallel_loop3A_283] {strides = array<i32>} : memref<32x1024xf32, #tpu.memory_space<vmem>>, vector<1x16xf32>,
        %parallel_loop3A_285 = vector.shape_cast %parallel_loop3A_284 : vector<1x16xf32> to vector<16xf32>
        %parallel_loop3A_286 = vector.shape_cast %parallel_loop3A_192 : vector<16xf32> to vector<1x16xf32>
        tpu.vector_store %arg10[%parallel_loop3A_282, %parallel_loop3A_283], %parallel_loop3A_286 {strides = array<i32>} : memref<32x1024xf32, #tpu.memory_space<vmem>>, vector<1x16xf32>,
        %parallel_loop3A_287 = arith.index_cast %parallel_loop3A_60 : i32 to index
        %parallel_loop3A_288 = arith.constant 144 : index
        %parallel_loop3A_289 = tpu.vector_load %arg10[%parallel_loop3A_287, %parallel_loop3A_288] {strides = array<i32>} : memref<32x1024xf32, #tpu.memory_space<vmem>>, vector<1x16xf32>,
        %parallel_loop3A_290 = vector.shape_cast %parallel_loop3A_289 : vector<1x16xf32> to vector<16xf32>
        %parallel_loop3A_291 = vector.shape_cast %parallel_loop3A_180 : vector<16xf32> to vector<1x16xf32>
        tpu.vector_store %arg10[%parallel_loop3A_287, %parallel_loop3A_288], %parallel_loop3A_291 {strides = array<i32>} : memref<32x1024xf32, #tpu.memory_space<vmem>>, vector<1x16xf32>,
        %parallel_loop3A_292 = arith.index_cast %parallel_loop3A_60 : i32 to index
        %parallel_loop3A_293 = arith.constant 656 : index
        %parallel_loop3A_294 = tpu.vector_load %arg10[%parallel_loop3A_292, %parallel_loop3A_293] {strides = array<i32>} : memref<32x1024xf32, #tpu.memory_space<vmem>>, vector<1x16xf32>,
        %parallel_loop3A_295 = vector.shape_cast %parallel_loop3A_294 : vector<1x16xf32> to vector<16xf32>
        %parallel_loop3A_296 = vector.shape_cast %parallel_loop3A_196 : vector<16xf32> to vector<1x16xf32>
        tpu.vector_store %arg10[%parallel_loop3A_292, %parallel_loop3A_293], %parallel_loop3A_296 {strides = array<i32>} : memref<32x1024xf32, #tpu.memory_space<vmem>>, vector<1x16xf32>,
        %parallel_loop3A_297 = arith.index_cast %parallel_loop3A_60 : i32 to index
        %parallel_loop3A_298 = arith.constant 160 : index
        %parallel_loop3A_299 = tpu.vector_load %arg10[%parallel_loop3A_297, %parallel_loop3A_298] {strides = array<i32>} : memref<32x1024xf32, #tpu.memory_space<vmem>>, vector<1x16xf32>,
        %parallel_loop3A_300 = vector.shape_cast %parallel_loop3A_299 : vector<1x16xf32> to vector<16xf32>
        %parallel_loop3A_301 = vector.shape_cast %parallel_loop3A_184 : vector<16xf32> to vector<1x16xf32>
        tpu.vector_store %arg10[%parallel_loop3A_297, %parallel_loop3A_298], %parallel_loop3A_301 {strides = array<i32>} : memref<32x1024xf32, #tpu.memory_space<vmem>>, vector<1x16xf32>,
        %parallel_loop3A_302 = arith.index_cast %parallel_loop3A_60 : i32 to index
        %parallel_loop3A_303 = arith.constant 672 : index
        %parallel_loop3A_304 = tpu.vector_load %arg10[%parallel_loop3A_302, %parallel_loop3A_303] {strides = array<i32>} : memref<32x1024xf32, #tpu.memory_space<vmem>>, vector<1x16xf32>,
        %parallel_loop3A_305 = vector.shape_cast %parallel_loop3A_304 : vector<1x16xf32> to vector<16xf32>
        %parallel_loop3A_306 = vector.shape_cast %parallel_loop3A_200 : vector<16xf32> to vector<1x16xf32>
        tpu.vector_store %arg10[%parallel_loop3A_302, %parallel_loop3A_303], %parallel_loop3A_306 {strides = array<i32>} : memref<32x1024xf32, #tpu.memory_space<vmem>>, vector<1x16xf32>,
        %parallel_loop3A_307 = arith.index_cast %parallel_loop3A_60 : i32 to index
        %parallel_loop3A_308 = arith.constant 176 : index
        %parallel_loop3A_309 = tpu.vector_load %arg10[%parallel_loop3A_307, %parallel_loop3A_308] {strides = array<i32>} : memref<32x1024xf32, #tpu.memory_space<vmem>>, vector<1x16xf32>,
        %parallel_loop3A_310 = vector.shape_cast %parallel_loop3A_309 : vector<1x16xf32> to vector<16xf32>
        %parallel_loop3A_311 = vector.shape_cast %parallel_loop3A_188 : vector<16xf32> to vector<1x16xf32>
        tpu.vector_store %arg10[%parallel_loop3A_307, %parallel_loop3A_308], %parallel_loop3A_311 {strides = array<i32>} : memref<32x1024xf32, #tpu.memory_space<vmem>>, vector<1x16xf32>,
        %parallel_loop3A_312 = arith.index_cast %parallel_loop3A_60 : i32 to index
        %parallel_loop3A_313 = arith.constant 688 : index
        %parallel_loop3A_314 = tpu.vector_load %arg10[%parallel_loop3A_312, %parallel_loop3A_313] {strides = array<i32>} : memref<32x1024xf32, #tpu.memory_space<vmem>>, vector<1x16xf32>,
        %parallel_loop3A_315 = vector.shape_cast %parallel_loop3A_314 : vector<1x16xf32> to vector<16xf32>
        %parallel_loop3A_316 = vector.shape_cast %parallel_loop3A_204 : vector<16xf32> to vector<1x16xf32>
        tpu.vector_store %arg10[%parallel_loop3A_312, %parallel_loop3A_313], %parallel_loop3A_316 {strides = array<i32>} : memref<32x1024xf32, #tpu.memory_space<vmem>>, vector<1x16xf32>,
        %parallel_loop3A_317 = arith.index_cast %parallel_loop3A_64 : i32 to index
        %parallel_loop3A_318 = arith.constant 256 : index
        %parallel_loop3A_319 = tpu.vector_load %arg5[%parallel_loop3A_317, %parallel_loop3A_318] {strides = array<i32>} : memref<64x512xf32, #tpu.memory_space<vmem>>, vector<1x16xf32>,
        %parallel_loop3A_320 = vector.shape_cast %parallel_loop3A_319 : vector<1x16xf32> to vector<16xf32>
        %parallel_loop3A_321 = arith.index_cast %parallel_loop3A_64 : i32 to index
        %parallel_loop3A_322 = arith.constant 272 : index
        %parallel_loop3A_323 = tpu.vector_load %arg5[%parallel_loop3A_321, %parallel_loop3A_322] {strides = array<i32>} : memref<64x512xf32, #tpu.memory_space<vmem>>, vector<1x16xf32>,
        %parallel_loop3A_324 = vector.shape_cast %parallel_loop3A_323 : vector<1x16xf32> to vector<16xf32>
        %parallel_loop3A_325 = arith.index_cast %parallel_loop3A_64 : i32 to index
        %parallel_loop3A_326 = arith.constant 288 : index
        %parallel_loop3A_327 = tpu.vector_load %arg5[%parallel_loop3A_325, %parallel_loop3A_326] {strides = array<i32>} : memref<64x512xf32, #tpu.memory_space<vmem>>, vector<1x16xf32>,
        %parallel_loop3A_328 = vector.shape_cast %parallel_loop3A_327 : vector<1x16xf32> to vector<16xf32>
        %parallel_loop3A_329 = arith.index_cast %parallel_loop3A_64 : i32 to index
        %parallel_loop3A_330 = arith.constant 304 : index
        %parallel_loop3A_331 = tpu.vector_load %arg5[%parallel_loop3A_329, %parallel_loop3A_330] {strides = array<i32>} : memref<64x512xf32, #tpu.memory_space<vmem>>, vector<1x16xf32>,
        %parallel_loop3A_332 = vector.shape_cast %parallel_loop3A_331 : vector<1x16xf32> to vector<16xf32>
        %parallel_loop3A_333 = arith.index_cast %parallel_loop3A_68 : i32 to index
        %parallel_loop3A_334 = arith.constant 256 : index
        %parallel_loop3A_335 = tpu.vector_load %arg5[%parallel_loop3A_333, %parallel_loop3A_334] {strides = array<i32>} : memref<64x512xf32, #tpu.memory_space<vmem>>, vector<1x16xf32>,
        %parallel_loop3A_336 = vector.shape_cast %parallel_loop3A_335 : vector<1x16xf32> to vector<16xf32>
        %parallel_loop3A_337 = arith.index_cast %parallel_loop3A_68 : i32 to index
        %parallel_loop3A_338 = arith.constant 272 : index
        %parallel_loop3A_339 = tpu.vector_load %arg5[%parallel_loop3A_337, %parallel_loop3A_338] {strides = array<i32>} : memref<64x512xf32, #tpu.memory_space<vmem>>, vector<1x16xf32>,
        %parallel_loop3A_340 = vector.shape_cast %parallel_loop3A_339 : vector<1x16xf32> to vector<16xf32>
        %parallel_loop3A_341 = arith.index_cast %parallel_loop3A_68 : i32 to index
        %parallel_loop3A_342 = arith.constant 288 : index
        %parallel_loop3A_343 = tpu.vector_load %arg5[%parallel_loop3A_341, %parallel_loop3A_342] {strides = array<i32>} : memref<64x512xf32, #tpu.memory_space<vmem>>, vector<1x16xf32>,
        %parallel_loop3A_344 = vector.shape_cast %parallel_loop3A_343 : vector<1x16xf32> to vector<16xf32>
        %parallel_loop3A_345 = arith.index_cast %parallel_loop3A_68 : i32 to index
        %parallel_loop3A_346 = arith.constant 304 : index
        %parallel_loop3A_347 = tpu.vector_load %arg5[%parallel_loop3A_345, %parallel_loop3A_346] {strides = array<i32>} : memref<64x512xf32, #tpu.memory_space<vmem>>, vector<1x16xf32>,
        %parallel_loop3A_348 = vector.shape_cast %parallel_loop3A_347 : vector<1x16xf32> to vector<16xf32>
        %parallel_loop3A_349 = arith.index_cast %parallel_loop3A_60 : i32 to index
        %parallel_loop3A_350 = arith.constant 192 : index
        %parallel_loop3A_351 = tpu.vector_load %arg10[%parallel_loop3A_349, %parallel_loop3A_350] {strides = array<i32>} : memref<32x1024xf32, #tpu.memory_space<vmem>>, vector<1x16xf32>,
        %parallel_loop3A_352 = vector.shape_cast %parallel_loop3A_351 : vector<1x16xf32> to vector<16xf32>
        %parallel_loop3A_353 = vector.shape_cast %parallel_loop3A_248 : vector<16xf32> to vector<1x16xf32>
        tpu.vector_store %arg10[%parallel_loop3A_349, %parallel_loop3A_350], %parallel_loop3A_353 {strides = array<i32>} : memref<32x1024xf32, #tpu.memory_space<vmem>>, vector<1x16xf32>,
        %parallel_loop3A_354 = arith.index_cast %parallel_loop3A_60 : i32 to index
        %parallel_loop3A_355 = arith.constant 704 : index
        %parallel_loop3A_356 = tpu.vector_load %arg10[%parallel_loop3A_354, %parallel_loop3A_355] {strides = array<i32>} : memref<32x1024xf32, #tpu.memory_space<vmem>>, vector<1x16xf32>,
        %parallel_loop3A_357 = vector.shape_cast %parallel_loop3A_356 : vector<1x16xf32> to vector<16xf32>
        %parallel_loop3A_358 = vector.shape_cast %parallel_loop3A_264 : vector<16xf32> to vector<1x16xf32>
        tpu.vector_store %arg10[%parallel_loop3A_354, %parallel_loop3A_355], %parallel_loop3A_358 {strides = array<i32>} : memref<32x1024xf32, #tpu.memory_space<vmem>>, vector<1x16xf32>,
        %parallel_loop3A_359 = arith.index_cast %parallel_loop3A_60 : i32 to index
        %parallel_loop3A_360 = arith.constant 208 : index
        %parallel_loop3A_361 = tpu.vector_load %arg10[%parallel_loop3A_359, %parallel_loop3A_360] {strides = array<i32>} : memref<32x1024xf32, #tpu.memory_space<vmem>>, vector<1x16xf32>,
        %parallel_loop3A_362 = vector.shape_cast %parallel_loop3A_361 : vector<1x16xf32> to vector<16xf32>
        %parallel_loop3A_363 = vector.shape_cast %parallel_loop3A_252 : vector<16xf32> to vector<1x16xf32>
        tpu.vector_store %arg10[%parallel_loop3A_359, %parallel_loop3A_360], %parallel_loop3A_363 {strides = array<i32>} : memref<32x1024xf32, #tpu.memory_space<vmem>>, vector<1x16xf32>,
        %parallel_loop3A_364 = arith.index_cast %parallel_loop3A_60 : i32 to index
        %parallel_loop3A_365 = arith.constant 720 : index
        %parallel_loop3A_366 = tpu.vector_load %arg10[%parallel_loop3A_364, %parallel_loop3A_365] {strides = array<i32>} : memref<32x1024xf32, #tpu.memory_space<vmem>>, vector<1x16xf32>,
        %parallel_loop3A_367 = vector.shape_cast %parallel_loop3A_366 : vector<1x16xf32> to vector<16xf32>
        %parallel_loop3A_368 = vector.shape_cast %parallel_loop3A_268 : vector<16xf32> to vector<1x16xf32>
        tpu.vector_store %arg10[%parallel_loop3A_364, %parallel_loop3A_365], %parallel_loop3A_368 {strides = array<i32>} : memref<32x1024xf32, #tpu.memory_space<vmem>>, vector<1x16xf32>,
        %parallel_loop3A_369 = arith.index_cast %parallel_loop3A_60 : i32 to index
        %parallel_loop3A_370 = arith.constant 224 : index
        %parallel_loop3A_371 = tpu.vector_load %arg10[%parallel_loop3A_369, %parallel_loop3A_370] {strides = array<i32>} : memref<32x1024xf32, #tpu.memory_space<vmem>>, vector<1x16xf32>,
        %parallel_loop3A_372 = vector.shape_cast %parallel_loop3A_371 : vector<1x16xf32> to vector<16xf32>
        %parallel_loop3A_373 = vector.shape_cast %parallel_loop3A_256 : vector<16xf32> to vector<1x16xf32>
        tpu.vector_store %arg10[%parallel_loop3A_369, %parallel_loop3A_370], %parallel_loop3A_373 {strides = array<i32>} : memref<32x1024xf32, #tpu.memory_space<vmem>>, vector<1x16xf32>,
        %parallel_loop3A_374 = arith.index_cast %parallel_loop3A_60 : i32 to index
        %parallel_loop3A_375 = arith.constant 736 : index
        %parallel_loop3A_376 = tpu.vector_load %arg10[%parallel_loop3A_374, %parallel_loop3A_375] {strides = array<i32>} : memref<32x1024xf32, #tpu.memory_space<vmem>>, vector<1x16xf32>,
        %parallel_loop3A_377 = vector.shape_cast %parallel_loop3A_376 : vector<1x16xf32> to vector<16xf32>
        %parallel_loop3A_378 = vector.shape_cast %parallel_loop3A_272 : vector<16xf32> to vector<1x16xf32>
        tpu.vector_store %arg10[%parallel_loop3A_374, %parallel_loop3A_375], %parallel_loop3A_378 {strides = array<i32>} : memref<32x1024xf32, #tpu.memory_space<vmem>>, vector<1x16xf32>,
        %parallel_loop3A_379 = arith.index_cast %parallel_loop3A_60 : i32 to index
        %parallel_loop3A_380 = arith.constant 240 : index
        %parallel_loop3A_381 = tpu.vector_load %arg10[%parallel_loop3A_379, %parallel_loop3A_380] {strides = array<i32>} : memref<32x1024xf32, #tpu.memory_space<vmem>>, vector<1x16xf32>,
        %parallel_loop3A_382 = vector.shape_cast %parallel_loop3A_381 : vector<1x16xf32> to vector<16xf32>
        %parallel_loop3A_383 = vector.shape_cast %parallel_loop3A_260 : vector<16xf32> to vector<1x16xf32>
        tpu.vector_store %arg10[%parallel_loop3A_379, %parallel_loop3A_380], %parallel_loop3A_383 {strides = array<i32>} : memref<32x1024xf32, #tpu.memory_space<vmem>>, vector<1x16xf32>,
        %parallel_loop3A_384 = arith.index_cast %parallel_loop3A_60 : i32 to index
        %parallel_loop3A_385 = arith.constant 752 : index
        %parallel_loop3A_386 = tpu.vector_load %arg10[%parallel_loop3A_384, %parallel_loop3A_385] {strides = array<i32>} : memref<32x1024xf32, #tpu.memory_space<vmem>>, vector<1x16xf32>,
        %parallel_loop3A_387 = vector.shape_cast %parallel_loop3A_386 : vector<1x16xf32> to vector<16xf32>
        %parallel_loop3A_388 = vector.shape_cast %parallel_loop3A_276 : vector<16xf32> to vector<1x16xf32>
        tpu.vector_store %arg10[%parallel_loop3A_384, %parallel_loop3A_385], %parallel_loop3A_388 {strides = array<i32>} : memref<32x1024xf32, #tpu.memory_space<vmem>>, vector<1x16xf32>,
        %parallel_loop3A_389 = arith.index_cast %parallel_loop3A_64 : i32 to index
        %parallel_loop3A_390 = arith.constant 320 : index
        %parallel_loop3A_391 = tpu.vector_load %arg5[%parallel_loop3A_389, %parallel_loop3A_390] {strides = array<i32>} : memref<64x512xf32, #tpu.memory_space<vmem>>, vector<1x16xf32>,
        %parallel_loop3A_392 = vector.shape_cast %parallel_loop3A_391 : vector<1x16xf32> to vector<16xf32>
        %parallel_loop3A_393 = arith.index_cast %parallel_loop3A_64 : i32 to index
        %parallel_loop3A_394 = arith.constant 336 : index
        %parallel_loop3A_395 = tpu.vector_load %arg5[%parallel_loop3A_393, %parallel_loop3A_394] {strides = array<i32>} : memref<64x512xf32, #tpu.memory_space<vmem>>, vector<1x16xf32>,
        %parallel_loop3A_396 = vector.shape_cast %parallel_loop3A_395 : vector<1x16xf32> to vector<16xf32>
        %parallel_loop3A_397 = arith.index_cast %parallel_loop3A_64 : i32 to index
        %parallel_loop3A_398 = arith.constant 352 : index
        %parallel_loop3A_399 = tpu.vector_load %arg5[%parallel_loop3A_397, %parallel_loop3A_398] {strides = array<i32>} : memref<64x512xf32, #tpu.memory_space<vmem>>, vector<1x16xf32>,
        %parallel_loop3A_400 = vector.shape_cast %parallel_loop3A_399 : vector<1x16xf32> to vector<16xf32>
        %parallel_loop3A_401 = arith.index_cast %parallel_loop3A_64 : i32 to index
        %parallel_loop3A_402 = arith.constant 368 : index
        %parallel_loop3A_403 = tpu.vector_load %arg5[%parallel_loop3A_401, %parallel_loop3A_402] {strides = array<i32>} : memref<64x512xf32, #tpu.memory_space<vmem>>, vector<1x16xf32>,
        %parallel_loop3A_404 = vector.shape_cast %parallel_loop3A_403 : vector<1x16xf32> to vector<16xf32>
        %parallel_loop3A_405 = arith.index_cast %parallel_loop3A_68 : i32 to index
        %parallel_loop3A_406 = arith.constant 320 : index
        %parallel_loop3A_407 = tpu.vector_load %arg5[%parallel_loop3A_405, %parallel_loop3A_406] {strides = array<i32>} : memref<64x512xf32, #tpu.memory_space<vmem>>, vector<1x16xf32>,
        %parallel_loop3A_408 = vector.shape_cast %parallel_loop3A_407 : vector<1x16xf32> to vector<16xf32>
        %parallel_loop3A_409 = arith.index_cast %parallel_loop3A_68 : i32 to index
        %parallel_loop3A_410 = arith.constant 336 : index
        %parallel_loop3A_411 = tpu.vector_load %arg5[%parallel_loop3A_409, %parallel_loop3A_410] {strides = array<i32>} : memref<64x512xf32, #tpu.memory_space<vmem>>, vector<1x16xf32>,
        %parallel_loop3A_412 = vector.shape_cast %parallel_loop3A_411 : vector<1x16xf32> to vector<16xf32>
        %parallel_loop3A_413 = arith.index_cast %parallel_loop3A_68 : i32 to index
        %parallel_loop3A_414 = arith.constant 352 : index
        %parallel_loop3A_415 = tpu.vector_load %arg5[%parallel_loop3A_413, %parallel_loop3A_414] {strides = array<i32>} : memref<64x512xf32, #tpu.memory_space<vmem>>, vector<1x16xf32>,
        %parallel_loop3A_416 = vector.shape_cast %parallel_loop3A_415 : vector<1x16xf32> to vector<16xf32>
        %parallel_loop3A_417 = arith.index_cast %parallel_loop3A_68 : i32 to index
        %parallel_loop3A_418 = arith.constant 368 : index
        %parallel_loop3A_419 = tpu.vector_load %arg5[%parallel_loop3A_417, %parallel_loop3A_418] {strides = array<i32>} : memref<64x512xf32, #tpu.memory_space<vmem>>, vector<1x16xf32>,
        %parallel_loop3A_420 = vector.shape_cast %parallel_loop3A_419 : vector<1x16xf32> to vector<16xf32>
        %parallel_loop3A_421 = arith.index_cast %parallel_loop3A_60 : i32 to index
        %parallel_loop3A_422 = arith.constant 256 : index
        %parallel_loop3A_423 = tpu.vector_load %arg10[%parallel_loop3A_421, %parallel_loop3A_422] {strides = array<i32>} : memref<32x1024xf32, #tpu.memory_space<vmem>>, vector<1x16xf32>,
        %parallel_loop3A_424 = vector.shape_cast %parallel_loop3A_423 : vector<1x16xf32> to vector<16xf32>
        %parallel_loop3A_425 = vector.shape_cast %parallel_loop3A_320 : vector<16xf32> to vector<1x16xf32>
        tpu.vector_store %arg10[%parallel_loop3A_421, %parallel_loop3A_422], %parallel_loop3A_425 {strides = array<i32>} : memref<32x1024xf32, #tpu.memory_space<vmem>>, vector<1x16xf32>,
        %parallel_loop3A_426 = arith.index_cast %parallel_loop3A_60 : i32 to index
        %parallel_loop3A_427 = arith.constant 768 : index
        %parallel_loop3A_428 = tpu.vector_load %arg10[%parallel_loop3A_426, %parallel_loop3A_427] {strides = array<i32>} : memref<32x1024xf32, #tpu.memory_space<vmem>>, vector<1x16xf32>,
        %parallel_loop3A_429 = vector.shape_cast %parallel_loop3A_428 : vector<1x16xf32> to vector<16xf32>
        %parallel_loop3A_430 = vector.shape_cast %parallel_loop3A_336 : vector<16xf32> to vector<1x16xf32>
        tpu.vector_store %arg10[%parallel_loop3A_426, %parallel_loop3A_427], %parallel_loop3A_430 {strides = array<i32>} : memref<32x1024xf32, #tpu.memory_space<vmem>>, vector<1x16xf32>,
        %parallel_loop3A_431 = arith.index_cast %parallel_loop3A_60 : i32 to index
        %parallel_loop3A_432 = arith.constant 272 : index
        %parallel_loop3A_433 = tpu.vector_load %arg10[%parallel_loop3A_431, %parallel_loop3A_432] {strides = array<i32>} : memref<32x1024xf32, #tpu.memory_space<vmem>>, vector<1x16xf32>,
        %parallel_loop3A_434 = vector.shape_cast %parallel_loop3A_433 : vector<1x16xf32> to vector<16xf32>
        %parallel_loop3A_435 = vector.shape_cast %parallel_loop3A_324 : vector<16xf32> to vector<1x16xf32>
        tpu.vector_store %arg10[%parallel_loop3A_431, %parallel_loop3A_432], %parallel_loop3A_435 {strides = array<i32>} : memref<32x1024xf32, #tpu.memory_space<vmem>>, vector<1x16xf32>,
        %parallel_loop3A_436 = arith.index_cast %parallel_loop3A_60 : i32 to index
        %parallel_loop3A_437 = arith.constant 784 : index
        %parallel_loop3A_438 = tpu.vector_load %arg10[%parallel_loop3A_436, %parallel_loop3A_437] {strides = array<i32>} : memref<32x1024xf32, #tpu.memory_space<vmem>>, vector<1x16xf32>,
        %parallel_loop3A_439 = vector.shape_cast %parallel_loop3A_438 : vector<1x16xf32> to vector<16xf32>
        %parallel_loop3A_440 = vector.shape_cast %parallel_loop3A_340 : vector<16xf32> to vector<1x16xf32>
        tpu.vector_store %arg10[%parallel_loop3A_436, %parallel_loop3A_437], %parallel_loop3A_440 {strides = array<i32>} : memref<32x1024xf32, #tpu.memory_space<vmem>>, vector<1x16xf32>,
        %parallel_loop3A_441 = arith.index_cast %parallel_loop3A_60 : i32 to index
        %parallel_loop3A_442 = arith.constant 288 : index
        %parallel_loop3A_443 = tpu.vector_load %arg10[%parallel_loop3A_441, %parallel_loop3A_442] {strides = array<i32>} : memref<32x1024xf32, #tpu.memory_space<vmem>>, vector<1x16xf32>,
        %parallel_loop3A_444 = vector.shape_cast %parallel_loop3A_443 : vector<1x16xf32> to vector<16xf32>
        %parallel_loop3A_445 = vector.shape_cast %parallel_loop3A_328 : vector<16xf32> to vector<1x16xf32>
        tpu.vector_store %arg10[%parallel_loop3A_441, %parallel_loop3A_442], %parallel_loop3A_445 {strides = array<i32>} : memref<32x1024xf32, #tpu.memory_space<vmem>>, vector<1x16xf32>,
        %parallel_loop3A_446 = arith.index_cast %parallel_loop3A_60 : i32 to index
        %parallel_loop3A_447 = arith.constant 800 : index
        %parallel_loop3A_448 = tpu.vector_load %arg10[%parallel_loop3A_446, %parallel_loop3A_447] {strides = array<i32>} : memref<32x1024xf32, #tpu.memory_space<vmem>>, vector<1x16xf32>,
        %parallel_loop3A_449 = vector.shape_cast %parallel_loop3A_448 : vector<1x16xf32> to vector<16xf32>
        %parallel_loop3A_450 = vector.shape_cast %parallel_loop3A_344 : vector<16xf32> to vector<1x16xf32>
        tpu.vector_store %arg10[%parallel_loop3A_446, %parallel_loop3A_447], %parallel_loop3A_450 {strides = array<i32>} : memref<32x1024xf32, #tpu.memory_space<vmem>>, vector<1x16xf32>,
        %parallel_loop3A_451 = arith.index_cast %parallel_loop3A_60 : i32 to index
        %parallel_loop3A_452 = arith.constant 304 : index
        %parallel_loop3A_453 = tpu.vector_load %arg10[%parallel_loop3A_451, %parallel_loop3A_452] {strides = array<i32>} : memref<32x1024xf32, #tpu.memory_space<vmem>>, vector<1x16xf32>,
        %parallel_loop3A_454 = vector.shape_cast %parallel_loop3A_453 : vector<1x16xf32> to vector<16xf32>
        %parallel_loop3A_455 = vector.shape_cast %parallel_loop3A_332 : vector<16xf32> to vector<1x16xf32>
        tpu.vector_store %arg10[%parallel_loop3A_451, %parallel_loop3A_452], %parallel_loop3A_455 {strides = array<i32>} : memref<32x1024xf32, #tpu.memory_space<vmem>>, vector<1x16xf32>,
        %parallel_loop3A_456 = arith.index_cast %parallel_loop3A_60 : i32 to index
        %parallel_loop3A_457 = arith.constant 816 : index
        %parallel_loop3A_458 = tpu.vector_load %arg10[%parallel_loop3A_456, %parallel_loop3A_457] {strides = array<i32>} : memref<32x1024xf32, #tpu.memory_space<vmem>>, vector<1x16xf32>,
        %parallel_loop3A_459 = vector.shape_cast %parallel_loop3A_458 : vector<1x16xf32> to vector<16xf32>
        %parallel_loop3A_460 = vector.shape_cast %parallel_loop3A_348 : vector<16xf32> to vector<1x16xf32>
        tpu.vector_store %arg10[%parallel_loop3A_456, %parallel_loop3A_457], %parallel_loop3A_460 {strides = array<i32>} : memref<32x1024xf32, #tpu.memory_space<vmem>>, vector<1x16xf32>,
        %parallel_loop3A_461 = arith.index_cast %parallel_loop3A_64 : i32 to index
        %parallel_loop3A_462 = arith.constant 384 : index
        %parallel_loop3A_463 = tpu.vector_load %arg5[%parallel_loop3A_461, %parallel_loop3A_462] {strides = array<i32>} : memref<64x512xf32, #tpu.memory_space<vmem>>, vector<1x16xf32>,
        %parallel_loop3A_464 = vector.shape_cast %parallel_loop3A_463 : vector<1x16xf32> to vector<16xf32>
        %parallel_loop3A_465 = arith.index_cast %parallel_loop3A_64 : i32 to index
        %parallel_loop3A_466 = arith.constant 400 : index
        %parallel_loop3A_467 = tpu.vector_load %arg5[%parallel_loop3A_465, %parallel_loop3A_466] {strides = array<i32>} : memref<64x512xf32, #tpu.memory_space<vmem>>, vector<1x16xf32>,
        %parallel_loop3A_468 = vector.shape_cast %parallel_loop3A_467 : vector<1x16xf32> to vector<16xf32>
        %parallel_loop3A_469 = arith.index_cast %parallel_loop3A_64 : i32 to index
        %parallel_loop3A_470 = arith.constant 416 : index
        %parallel_loop3A_471 = tpu.vector_load %arg5[%parallel_loop3A_469, %parallel_loop3A_470] {strides = array<i32>} : memref<64x512xf32, #tpu.memory_space<vmem>>, vector<1x16xf32>,
        %parallel_loop3A_472 = vector.shape_cast %parallel_loop3A_471 : vector<1x16xf32> to vector<16xf32>
        %parallel_loop3A_473 = arith.index_cast %parallel_loop3A_64 : i32 to index
        %parallel_loop3A_474 = arith.constant 432 : index
        %parallel_loop3A_475 = tpu.vector_load %arg5[%parallel_loop3A_473, %parallel_loop3A_474] {strides = array<i32>} : memref<64x512xf32, #tpu.memory_space<vmem>>, vector<1x16xf32>,
        %parallel_loop3A_476 = vector.shape_cast %parallel_loop3A_475 : vector<1x16xf32> to vector<16xf32>
        %parallel_loop3A_477 = arith.index_cast %parallel_loop3A_68 : i32 to index
        %parallel_loop3A_478 = arith.constant 384 : index
        %parallel_loop3A_479 = tpu.vector_load %arg5[%parallel_loop3A_477, %parallel_loop3A_478] {strides = array<i32>} : memref<64x512xf32, #tpu.memory_space<vmem>>, vector<1x16xf32>,
        %parallel_loop3A_480 = vector.shape_cast %parallel_loop3A_479 : vector<1x16xf32> to vector<16xf32>
        %parallel_loop3A_481 = arith.index_cast %parallel_loop3A_68 : i32 to index
        %parallel_loop3A_482 = arith.constant 400 : index
        %parallel_loop3A_483 = tpu.vector_load %arg5[%parallel_loop3A_481, %parallel_loop3A_482] {strides = array<i32>} : memref<64x512xf32, #tpu.memory_space<vmem>>, vector<1x16xf32>,
        %parallel_loop3A_484 = vector.shape_cast %parallel_loop3A_483 : vector<1x16xf32> to vector<16xf32>
        %parallel_loop3A_485 = arith.index_cast %parallel_loop3A_68 : i32 to index
        %parallel_loop3A_486 = arith.constant 416 : index
        %parallel_loop3A_487 = tpu.vector_load %arg5[%parallel_loop3A_485, %parallel_loop3A_486] {strides = array<i32>} : memref<64x512xf32, #tpu.memory_space<vmem>>, vector<1x16xf32>,
        %parallel_loop3A_488 = vector.shape_cast %parallel_loop3A_487 : vector<1x16xf32> to vector<16xf32>
        %parallel_loop3A_489 = arith.index_cast %parallel_loop3A_68 : i32 to index
        %parallel_loop3A_490 = arith.constant 432 : index
        %parallel_loop3A_491 = tpu.vector_load %arg5[%parallel_loop3A_489, %parallel_loop3A_490] {strides = array<i32>} : memref<64x512xf32, #tpu.memory_space<vmem>>, vector<1x16xf32>,
        %parallel_loop3A_492 = vector.shape_cast %parallel_loop3A_491 : vector<1x16xf32> to vector<16xf32>
        %parallel_loop3A_493 = arith.index_cast %parallel_loop3A_60 : i32 to index
        %parallel_loop3A_494 = arith.constant 320 : index
        %parallel_loop3A_495 = tpu.vector_load %arg10[%parallel_loop3A_493, %parallel_loop3A_494] {strides = array<i32>} : memref<32x1024xf32, #tpu.memory_space<vmem>>, vector<1x16xf32>,
        %parallel_loop3A_496 = vector.shape_cast %parallel_loop3A_495 : vector<1x16xf32> to vector<16xf32>
        %parallel_loop3A_497 = vector.shape_cast %parallel_loop3A_392 : vector<16xf32> to vector<1x16xf32>
        tpu.vector_store %arg10[%parallel_loop3A_493, %parallel_loop3A_494], %parallel_loop3A_497 {strides = array<i32>} : memref<32x1024xf32, #tpu.memory_space<vmem>>, vector<1x16xf32>,
        %parallel_loop3A_498 = arith.index_cast %parallel_loop3A_60 : i32 to index
        %parallel_loop3A_499 = arith.constant 832 : index
        %parallel_loop3A_500 = tpu.vector_load %arg10[%parallel_loop3A_498, %parallel_loop3A_499] {strides = array<i32>} : memref<32x1024xf32, #tpu.memory_space<vmem>>, vector<1x16xf32>,
        %parallel_loop3A_501 = vector.shape_cast %parallel_loop3A_500 : vector<1x16xf32> to vector<16xf32>
        %parallel_loop3A_502 = vector.shape_cast %parallel_loop3A_408 : vector<16xf32> to vector<1x16xf32>
        tpu.vector_store %arg10[%parallel_loop3A_498, %parallel_loop3A_499], %parallel_loop3A_502 {strides = array<i32>} : memref<32x1024xf32, #tpu.memory_space<vmem>>, vector<1x16xf32>,
        %parallel_loop3A_503 = arith.index_cast %parallel_loop3A_60 : i32 to index
        %parallel_loop3A_504 = arith.constant 336 : index
        %parallel_loop3A_505 = tpu.vector_load %arg10[%parallel_loop3A_503, %parallel_loop3A_504] {strides = array<i32>} : memref<32x1024xf32, #tpu.memory_space<vmem>>, vector<1x16xf32>,
        %parallel_loop3A_506 = vector.shape_cast %parallel_loop3A_505 : vector<1x16xf32> to vector<16xf32>
        %parallel_loop3A_507 = vector.shape_cast %parallel_loop3A_396 : vector<16xf32> to vector<1x16xf32>
        tpu.vector_store %arg10[%parallel_loop3A_503, %parallel_loop3A_504], %parallel_loop3A_507 {strides = array<i32>} : memref<32x1024xf32, #tpu.memory_space<vmem>>, vector<1x16xf32>,
        %parallel_loop3A_508 = arith.index_cast %parallel_loop3A_60 : i32 to index
        %parallel_loop3A_509 = arith.constant 848 : index
        %parallel_loop3A_510 = tpu.vector_load %arg10[%parallel_loop3A_508, %parallel_loop3A_509] {strides = array<i32>} : memref<32x1024xf32, #tpu.memory_space<vmem>>, vector<1x16xf32>,
        %parallel_loop3A_511 = vector.shape_cast %parallel_loop3A_510 : vector<1x16xf32> to vector<16xf32>
        %parallel_loop3A_512 = vector.shape_cast %parallel_loop3A_412 : vector<16xf32> to vector<1x16xf32>
        tpu.vector_store %arg10[%parallel_loop3A_508, %parallel_loop3A_509], %parallel_loop3A_512 {strides = array<i32>} : memref<32x1024xf32, #tpu.memory_space<vmem>>, vector<1x16xf32>,
        %parallel_loop3A_513 = arith.index_cast %parallel_loop3A_60 : i32 to index
        %parallel_loop3A_514 = arith.constant 352 : index
        %parallel_loop3A_515 = tpu.vector_load %arg10[%parallel_loop3A_513, %parallel_loop3A_514] {strides = array<i32>} : memref<32x1024xf32, #tpu.memory_space<vmem>>, vector<1x16xf32>,
        %parallel_loop3A_516 = vector.shape_cast %parallel_loop3A_515 : vector<1x16xf32> to vector<16xf32>
        %parallel_loop3A_517 = vector.shape_cast %parallel_loop3A_400 : vector<16xf32> to vector<1x16xf32>
        tpu.vector_store %arg10[%parallel_loop3A_513, %parallel_loop3A_514], %parallel_loop3A_517 {strides = array<i32>} : memref<32x1024xf32, #tpu.memory_space<vmem>>, vector<1x16xf32>,
        %parallel_loop3A_518 = arith.index_cast %parallel_loop3A_60 : i32 to index
        %parallel_loop3A_519 = arith.constant 864 : index
        %parallel_loop3A_520 = tpu.vector_load %arg10[%parallel_loop3A_518, %parallel_loop3A_519] {strides = array<i32>} : memref<32x1024xf32, #tpu.memory_space<vmem>>, vector<1x16xf32>,
        %parallel_loop3A_521 = vector.shape_cast %parallel_loop3A_520 : vector<1x16xf32> to vector<16xf32>
        %parallel_loop3A_522 = vector.shape_cast %parallel_loop3A_416 : vector<16xf32> to vector<1x16xf32>
        tpu.vector_store %arg10[%parallel_loop3A_518, %parallel_loop3A_519], %parallel_loop3A_522 {strides = array<i32>} : memref<32x1024xf32, #tpu.memory_space<vmem>>, vector<1x16xf32>,
        %parallel_loop3A_523 = arith.index_cast %parallel_loop3A_60 : i32 to index
        %parallel_loop3A_524 = arith.constant 368 : index
        %parallel_loop3A_525 = tpu.vector_load %arg10[%parallel_loop3A_523, %parallel_loop3A_524] {strides = array<i32>} : memref<32x1024xf32, #tpu.memory_space<vmem>>, vector<1x16xf32>,
        %parallel_loop3A_526 = vector.shape_cast %parallel_loop3A_525 : vector<1x16xf32> to vector<16xf32>
        %parallel_loop3A_527 = vector.shape_cast %parallel_loop3A_404 : vector<16xf32> to vector<1x16xf32>
        tpu.vector_store %arg10[%parallel_loop3A_523, %parallel_loop3A_524], %parallel_loop3A_527 {strides = array<i32>} : memref<32x1024xf32, #tpu.memory_space<vmem>>, vector<1x16xf32>,
        %parallel_loop3A_528 = arith.index_cast %parallel_loop3A_60 : i32 to index
        %parallel_loop3A_529 = arith.constant 880 : index
        %parallel_loop3A_530 = tpu.vector_load %arg10[%parallel_loop3A_528, %parallel_loop3A_529] {strides = array<i32>} : memref<32x1024xf32, #tpu.memory_space<vmem>>, vector<1x16xf32>,
        %parallel_loop3A_531 = vector.shape_cast %parallel_loop3A_530 : vector<1x16xf32> to vector<16xf32>
        %parallel_loop3A_532 = vector.shape_cast %parallel_loop3A_420 : vector<16xf32> to vector<1x16xf32>
        tpu.vector_store %arg10[%parallel_loop3A_528, %parallel_loop3A_529], %parallel_loop3A_532 {strides = array<i32>} : memref<32x1024xf32, #tpu.memory_space<vmem>>, vector<1x16xf32>,
        %parallel_loop3A_533 = arith.index_cast %parallel_loop3A_64 : i32 to index
        %parallel_loop3A_534 = arith.constant 448 : index
        %parallel_loop3A_535 = tpu.vector_load %arg5[%parallel_loop3A_533, %parallel_loop3A_534] {strides = array<i32>} : memref<64x512xf32, #tpu.memory_space<vmem>>, vector<1x16xf32>,
        %parallel_loop3A_536 = vector.shape_cast %parallel_loop3A_535 : vector<1x16xf32> to vector<16xf32>
        %parallel_loop3A_537 = arith.index_cast %parallel_loop3A_64 : i32 to index
        %parallel_loop3A_538 = arith.constant 464 : index
        %parallel_loop3A_539 = tpu.vector_load %arg5[%parallel_loop3A_537, %parallel_loop3A_538] {strides = array<i32>} : memref<64x512xf32, #tpu.memory_space<vmem>>, vector<1x16xf32>,
        %parallel_loop3A_540 = vector.shape_cast %parallel_loop3A_539 : vector<1x16xf32> to vector<16xf32>
        %parallel_loop3A_541 = arith.index_cast %parallel_loop3A_64 : i32 to index
        %parallel_loop3A_542 = arith.constant 480 : index
        %parallel_loop3A_543 = tpu.vector_load %arg5[%parallel_loop3A_541, %parallel_loop3A_542] {strides = array<i32>} : memref<64x512xf32, #tpu.memory_space<vmem>>, vector<1x16xf32>,
        %parallel_loop3A_544 = vector.shape_cast %parallel_loop3A_543 : vector<1x16xf32> to vector<16xf32>
        %parallel_loop3A_545 = arith.index_cast %parallel_loop3A_64 : i32 to index
        %parallel_loop3A_546 = arith.constant 496 : index
        %parallel_loop3A_547 = tpu.vector_load %arg5[%parallel_loop3A_545, %parallel_loop3A_546] {strides = array<i32>} : memref<64x512xf32, #tpu.memory_space<vmem>>, vector<1x16xf32>,
        %parallel_loop3A_548 = vector.shape_cast %parallel_loop3A_547 : vector<1x16xf32> to vector<16xf32>
        %parallel_loop3A_549 = arith.index_cast %parallel_loop3A_68 : i32 to index
        %parallel_loop3A_550 = arith.constant 448 : index
        %parallel_loop3A_551 = tpu.vector_load %arg5[%parallel_loop3A_549, %parallel_loop3A_550] {strides = array<i32>} : memref<64x512xf32, #tpu.memory_space<vmem>>, vector<1x16xf32>,
        %parallel_loop3A_552 = vector.shape_cast %parallel_loop3A_551 : vector<1x16xf32> to vector<16xf32>
        %parallel_loop3A_553 = arith.index_cast %parallel_loop3A_68 : i32 to index
        %parallel_loop3A_554 = arith.constant 464 : index
        %parallel_loop3A_555 = tpu.vector_load %arg5[%parallel_loop3A_553, %parallel_loop3A_554] {strides = array<i32>} : memref<64x512xf32, #tpu.memory_space<vmem>>, vector<1x16xf32>,
        %parallel_loop3A_556 = vector.shape_cast %parallel_loop3A_555 : vector<1x16xf32> to vector<16xf32>
        %parallel_loop3A_557 = arith.index_cast %parallel_loop3A_68 : i32 to index
        %parallel_loop3A_558 = arith.constant 480 : index
        %parallel_loop3A_559 = tpu.vector_load %arg5[%parallel_loop3A_557, %parallel_loop3A_558] {strides = array<i32>} : memref<64x512xf32, #tpu.memory_space<vmem>>, vector<1x16xf32>,
        %parallel_loop3A_560 = vector.shape_cast %parallel_loop3A_559 : vector<1x16xf32> to vector<16xf32>
        %parallel_loop3A_561 = arith.index_cast %parallel_loop3A_68 : i32 to index
        %parallel_loop3A_562 = arith.constant 496 : index
        %parallel_loop3A_563 = tpu.vector_load %arg5[%parallel_loop3A_561, %parallel_loop3A_562] {strides = array<i32>} : memref<64x512xf32, #tpu.memory_space<vmem>>, vector<1x16xf32>,
        %parallel_loop3A_564 = vector.shape_cast %parallel_loop3A_563 : vector<1x16xf32> to vector<16xf32>
        %parallel_loop3A_565 = arith.index_cast %parallel_loop3A_60 : i32 to index
        %parallel_loop3A_566 = arith.constant 384 : index
        %parallel_loop3A_567 = tpu.vector_load %arg10[%parallel_loop3A_565, %parallel_loop3A_566] {strides = array<i32>} : memref<32x1024xf32, #tpu.memory_space<vmem>>, vector<1x16xf32>,
        %parallel_loop3A_568 = vector.shape_cast %parallel_loop3A_567 : vector<1x16xf32> to vector<16xf32>
        %parallel_loop3A_569 = vector.shape_cast %parallel_loop3A_464 : vector<16xf32> to vector<1x16xf32>
        tpu.vector_store %arg10[%parallel_loop3A_565, %parallel_loop3A_566], %parallel_loop3A_569 {strides = array<i32>} : memref<32x1024xf32, #tpu.memory_space<vmem>>, vector<1x16xf32>,
        %parallel_loop3A_570 = arith.index_cast %parallel_loop3A_60 : i32 to index
        %parallel_loop3A_571 = arith.constant 896 : index
        %parallel_loop3A_572 = tpu.vector_load %arg10[%parallel_loop3A_570, %parallel_loop3A_571] {strides = array<i32>} : memref<32x1024xf32, #tpu.memory_space<vmem>>, vector<1x16xf32>,
        %parallel_loop3A_573 = vector.shape_cast %parallel_loop3A_572 : vector<1x16xf32> to vector<16xf32>
        %parallel_loop3A_574 = vector.shape_cast %parallel_loop3A_480 : vector<16xf32> to vector<1x16xf32>
        tpu.vector_store %arg10[%parallel_loop3A_570, %parallel_loop3A_571], %parallel_loop3A_574 {strides = array<i32>} : memref<32x1024xf32, #tpu.memory_space<vmem>>, vector<1x16xf32>,
        %parallel_loop3A_575 = arith.index_cast %parallel_loop3A_60 : i32 to index
        %parallel_loop3A_576 = arith.constant 400 : index
        %parallel_loop3A_577 = tpu.vector_load %arg10[%parallel_loop3A_575, %parallel_loop3A_576] {strides = array<i32>} : memref<32x1024xf32, #tpu.memory_space<vmem>>, vector<1x16xf32>,
        %parallel_loop3A_578 = vector.shape_cast %parallel_loop3A_577 : vector<1x16xf32> to vector<16xf32>
        %parallel_loop3A_579 = vector.shape_cast %parallel_loop3A_468 : vector<16xf32> to vector<1x16xf32>
        tpu.vector_store %arg10[%parallel_loop3A_575, %parallel_loop3A_576], %parallel_loop3A_579 {strides = array<i32>} : memref<32x1024xf32, #tpu.memory_space<vmem>>, vector<1x16xf32>,
        %parallel_loop3A_580 = arith.index_cast %parallel_loop3A_60 : i32 to index
        %parallel_loop3A_581 = arith.constant 912 : index
        %parallel_loop3A_582 = tpu.vector_load %arg10[%parallel_loop3A_580, %parallel_loop3A_581] {strides = array<i32>} : memref<32x1024xf32, #tpu.memory_space<vmem>>, vector<1x16xf32>,
        %parallel_loop3A_583 = vector.shape_cast %parallel_loop3A_582 : vector<1x16xf32> to vector<16xf32>
        %parallel_loop3A_584 = vector.shape_cast %parallel_loop3A_484 : vector<16xf32> to vector<1x16xf32>
        tpu.vector_store %arg10[%parallel_loop3A_580, %parallel_loop3A_581], %parallel_loop3A_584 {strides = array<i32>} : memref<32x1024xf32, #tpu.memory_space<vmem>>, vector<1x16xf32>,
        %parallel_loop3A_585 = arith.index_cast %parallel_loop3A_60 : i32 to index
        %parallel_loop3A_586 = arith.constant 416 : index
        %parallel_loop3A_587 = tpu.vector_load %arg10[%parallel_loop3A_585, %parallel_loop3A_586] {strides = array<i32>} : memref<32x1024xf32, #tpu.memory_space<vmem>>, vector<1x16xf32>,
        %parallel_loop3A_588 = vector.shape_cast %parallel_loop3A_587 : vector<1x16xf32> to vector<16xf32>
        %parallel_loop3A_589 = vector.shape_cast %parallel_loop3A_472 : vector<16xf32> to vector<1x16xf32>
        tpu.vector_store %arg10[%parallel_loop3A_585, %parallel_loop3A_586], %parallel_loop3A_589 {strides = array<i32>} : memref<32x1024xf32, #tpu.memory_space<vmem>>, vector<1x16xf32>,
        %parallel_loop3A_590 = arith.index_cast %parallel_loop3A_60 : i32 to index
        %parallel_loop3A_591 = arith.constant 928 : index
        %parallel_loop3A_592 = tpu.vector_load %arg10[%parallel_loop3A_590, %parallel_loop3A_591] {strides = array<i32>} : memref<32x1024xf32, #tpu.memory_space<vmem>>, vector<1x16xf32>,
        %parallel_loop3A_593 = vector.shape_cast %parallel_loop3A_592 : vector<1x16xf32> to vector<16xf32>
        %parallel_loop3A_594 = vector.shape_cast %parallel_loop3A_488 : vector<16xf32> to vector<1x16xf32>
        tpu.vector_store %arg10[%parallel_loop3A_590, %parallel_loop3A_591], %parallel_loop3A_594 {strides = array<i32>} : memref<32x1024xf32, #tpu.memory_space<vmem>>, vector<1x16xf32>,
        %parallel_loop3A_595 = arith.index_cast %parallel_loop3A_60 : i32 to index
        %parallel_loop3A_596 = arith.constant 432 : index
        %parallel_loop3A_597 = tpu.vector_load %arg10[%parallel_loop3A_595, %parallel_loop3A_596] {strides = array<i32>} : memref<32x1024xf32, #tpu.memory_space<vmem>>, vector<1x16xf32>,
        %parallel_loop3A_598 = vector.shape_cast %parallel_loop3A_597 : vector<1x16xf32> to vector<16xf32>
        %parallel_loop3A_599 = vector.shape_cast %parallel_loop3A_476 : vector<16xf32> to vector<1x16xf32>
        tpu.vector_store %arg10[%parallel_loop3A_595, %parallel_loop3A_596], %parallel_loop3A_599 {strides = array<i32>} : memref<32x1024xf32, #tpu.memory_space<vmem>>, vector<1x16xf32>,
        %parallel_loop3A_600 = arith.index_cast %parallel_loop3A_60 : i32 to index
        %parallel_loop3A_601 = arith.constant 944 : index
        %parallel_loop3A_602 = tpu.vector_load %arg10[%parallel_loop3A_600, %parallel_loop3A_601] {strides = array<i32>} : memref<32x1024xf32, #tpu.memory_space<vmem>>, vector<1x16xf32>,
        %parallel_loop3A_603 = vector.shape_cast %parallel_loop3A_602 : vector<1x16xf32> to vector<16xf32>
        %parallel_loop3A_604 = vector.shape_cast %parallel_loop3A_492 : vector<16xf32> to vector<1x16xf32>
        tpu.vector_store %arg10[%parallel_loop3A_600, %parallel_loop3A_601], %parallel_loop3A_604 {strides = array<i32>} : memref<32x1024xf32, #tpu.memory_space<vmem>>, vector<1x16xf32>,
        %parallel_loop3A_605 = arith.index_cast %parallel_loop3A_60 : i32 to index
        %parallel_loop3A_606 = arith.constant 448 : index
        %parallel_loop3A_607 = tpu.vector_load %arg10[%parallel_loop3A_605, %parallel_loop3A_606] {strides = array<i32>} : memref<32x1024xf32, #tpu.memory_space<vmem>>, vector<1x16xf32>,
        %parallel_loop3A_608 = vector.shape_cast %parallel_loop3A_607 : vector<1x16xf32> to vector<16xf32>
        %parallel_loop3A_609 = vector.shape_cast %parallel_loop3A_536 : vector<16xf32> to vector<1x16xf32>
        tpu.vector_store %arg10[%parallel_loop3A_605, %parallel_loop3A_606], %parallel_loop3A_609 {strides = array<i32>} : memref<32x1024xf32, #tpu.memory_space<vmem>>, vector<1x16xf32>,
        %parallel_loop3A_610 = arith.index_cast %parallel_loop3A_60 : i32 to index
        %parallel_loop3A_611 = arith.constant 960 : index
        %parallel_loop3A_612 = tpu.vector_load %arg10[%parallel_loop3A_610, %parallel_loop3A_611] {strides = array<i32>} : memref<32x1024xf32, #tpu.memory_space<vmem>>, vector<1x16xf32>,
        %parallel_loop3A_613 = vector.shape_cast %parallel_loop3A_612 : vector<1x16xf32> to vector<16xf32>
        %parallel_loop3A_614 = vector.shape_cast %parallel_loop3A_552 : vector<16xf32> to vector<1x16xf32>
        tpu.vector_store %arg10[%parallel_loop3A_610, %parallel_loop3A_611], %parallel_loop3A_614 {strides = array<i32>} : memref<32x1024xf32, #tpu.memory_space<vmem>>, vector<1x16xf32>,
        %parallel_loop3A_615 = arith.index_cast %parallel_loop3A_60 : i32 to index
        %parallel_loop3A_616 = arith.constant 464 : index
        %parallel_loop3A_617 = tpu.vector_load %arg10[%parallel_loop3A_615, %parallel_loop3A_616] {strides = array<i32>} : memref<32x1024xf32, #tpu.memory_space<vmem>>, vector<1x16xf32>,
        %parallel_loop3A_618 = vector.shape_cast %parallel_loop3A_617 : vector<1x16xf32> to vector<16xf32>
        %parallel_loop3A_619 = vector.shape_cast %parallel_loop3A_540 : vector<16xf32> to vector<1x16xf32>
        tpu.vector_store %arg10[%parallel_loop3A_615, %parallel_loop3A_616], %parallel_loop3A_619 {strides = array<i32>} : memref<32x1024xf32, #tpu.memory_space<vmem>>, vector<1x16xf32>,
        %parallel_loop3A_620 = arith.index_cast %parallel_loop3A_60 : i32 to index
        %parallel_loop3A_621 = arith.constant 976 : index
        %parallel_loop3A_622 = tpu.vector_load %arg10[%parallel_loop3A_620, %parallel_loop3A_621] {strides = array<i32>} : memref<32x1024xf32, #tpu.memory_space<vmem>>, vector<1x16xf32>,
        %parallel_loop3A_623 = vector.shape_cast %parallel_loop3A_622 : vector<1x16xf32> to vector<16xf32>
        %parallel_loop3A_624 = vector.shape_cast %parallel_loop3A_556 : vector<16xf32> to vector<1x16xf32>
        tpu.vector_store %arg10[%parallel_loop3A_620, %parallel_loop3A_621], %parallel_loop3A_624 {strides = array<i32>} : memref<32x1024xf32, #tpu.memory_space<vmem>>, vector<1x16xf32>,
        %parallel_loop3A_625 = arith.index_cast %parallel_loop3A_60 : i32 to index
        %parallel_loop3A_626 = arith.constant 480 : index
        %parallel_loop3A_627 = tpu.vector_load %arg10[%parallel_loop3A_625, %parallel_loop3A_626] {strides = array<i32>} : memref<32x1024xf32, #tpu.memory_space<vmem>>, vector<1x16xf32>,
        %parallel_loop3A_628 = vector.shape_cast %parallel_loop3A_627 : vector<1x16xf32> to vector<16xf32>
        %parallel_loop3A_629 = vector.shape_cast %parallel_loop3A_544 : vector<16xf32> to vector<1x16xf32>
        tpu.vector_store %arg10[%parallel_loop3A_625, %parallel_loop3A_626], %parallel_loop3A_629 {strides = array<i32>} : memref<32x1024xf32, #tpu.memory_space<vmem>>, vector<1x16xf32>,
        %parallel_loop3A_630 = arith.index_cast %parallel_loop3A_60 : i32 to index
        %parallel_loop3A_631 = arith.constant 992 : index
        %parallel_loop3A_632 = tpu.vector_load %arg10[%parallel_loop3A_630, %parallel_loop3A_631] {strides = array<i32>} : memref<32x1024xf32, #tpu.memory_space<vmem>>, vector<1x16xf32>,
        %parallel_loop3A_633 = vector.shape_cast %parallel_loop3A_632 : vector<1x16xf32> to vector<16xf32>
        %parallel_loop3A_634 = vector.shape_cast %parallel_loop3A_560 : vector<16xf32> to vector<1x16xf32>
        tpu.vector_store %arg10[%parallel_loop3A_630, %parallel_loop3A_631], %parallel_loop3A_634 {strides = array<i32>} : memref<32x1024xf32, #tpu.memory_space<vmem>>, vector<1x16xf32>,
        %parallel_loop3A_635 = arith.index_cast %parallel_loop3A_60 : i32 to index
        %parallel_loop3A_636 = arith.constant 496 : index
        %parallel_loop3A_637 = tpu.vector_load %arg10[%parallel_loop3A_635, %parallel_loop3A_636] {strides = array<i32>} : memref<32x1024xf32, #tpu.memory_space<vmem>>, vector<1x16xf32>,
        %parallel_loop3A_638 = vector.shape_cast %parallel_loop3A_637 : vector<1x16xf32> to vector<16xf32>
        %parallel_loop3A_639 = vector.shape_cast %parallel_loop3A_548 : vector<16xf32> to vector<1x16xf32>
        tpu.vector_store %arg10[%parallel_loop3A_635, %parallel_loop3A_636], %parallel_loop3A_639 {strides = array<i32>} : memref<32x1024xf32, #tpu.memory_space<vmem>>, vector<1x16xf32>,
        %parallel_loop3A_640 = arith.index_cast %parallel_loop3A_60 : i32 to index
        %parallel_loop3A_641 = arith.constant 1008 : index
        %parallel_loop3A_642 = tpu.vector_load %arg10[%parallel_loop3A_640, %parallel_loop3A_641] {strides = array<i32>} : memref<32x1024xf32, #tpu.memory_space<vmem>>, vector<1x16xf32>,
        %parallel_loop3A_643 = vector.shape_cast %parallel_loop3A_642 : vector<1x16xf32> to vector<16xf32>
        %parallel_loop3A_644 = vector.shape_cast %parallel_loop3A_564 : vector<16xf32> to vector<1x16xf32>
        tpu.vector_store %arg10[%parallel_loop3A_640, %parallel_loop3A_641], %parallel_loop3A_644 {strides = array<i32>} : memref<32x1024xf32, #tpu.memory_space<vmem>>, vector<1x16xf32>,
      } {sc.loop_unroll_factor = 4 : i64, sc.parallel_access}
      %mul3A_52 = arith.constant 32 : i32
      %mul3A_53 = arith.muli %add3A_41, %mul3A_52 : i32
      %add3A_54 = arith.addi %mul3A_2, %mul3A_53 : i32
      %dma_start3A_55 = arith.constant 0 : i32
      %dma_start3A_56 = tpu.memref_slice %arg4[%add3A_54, %dma_start3A_55] : memref<65536x1024xf32, #tpu.memory_space<hbm>> -> memref<32x1024xf32, #tpu.memory_space<hbm>>
      %dma_start3A_57 = arith.constant 0 : i32
      %dma_start3A_58 = tpu.memref_slice %arg4[%add3A_54, %dma_start3A_57] : memref<65536x1024xf32, #tpu.memory_space<hbm>> -> memref<32x1024xf32, #tpu.memory_space<hbm>>
      tpu.enqueue_dma source(%arg10 : memref<32x1024xf32, #tpu.memory_space<vmem>>) target(%dma_start3A_58 : memref<32x1024xf32, #tpu.memory_space<hbm>>) target_semaphore(%arg12 : memref<!tpu.dma_semaphore, #tpu.memory_space<semaphore_mem>>)
      %scan3A_59 = arith.constant 0 : i32
      scf.yield %scan3A_59 : i32
    }
    %scan3A_8 = arith.constant 32 : i32
    %add3A_9 = arith.constant 1984 : i32
    %add3A_10 = arith.addi %mul3A_2, %add3A_9 : i32
    %dma_wait3A = arith.constant 0 : i32
    %dma_wait3A_11 = tpu.memref_slice %arg4[%add3A_10, %dma_wait3A] : memref<65536x1024xf32, #tpu.memory_space<hbm>> -> memref<32x1024xf32, #tpu.memory_space<hbm>>
    %dma_wait3A_12 = arith.constant 0 : i32
    %dma_wait3A_13 = tpu.memref_slice %arg4[%add3A_10, %dma_wait3A_12] : memref<65536x1024xf32, #tpu.memory_space<hbm>> -> memref<32x1024xf32, #tpu.memory_space<hbm>>
    tpu.wait_dma2 semaphore(%arg11 : memref<!tpu.dma_semaphore, #tpu.memory_space<semaphore_mem>>) src(%arg9 : memref<32x1024xf32, #tpu.memory_space<vmem>>) dst(%dma_wait3A_13 : memref<32x1024xf32, #tpu.memory_space<hbm>>)
    %add3A_14 = arith.constant 2016 : i32
    %add3A_15 = arith.addi %mul3A_2, %add3A_14 : i32
    %dma_wait3A_16 = arith.constant 0 : i32
    %dma_wait3A_17 = tpu.memref_slice %arg4[%add3A_15, %dma_wait3A_16] : memref<65536x1024xf32, #tpu.memory_space<hbm>> -> memref<32x1024xf32, #tpu.memory_space<hbm>>
    %dma_wait3A_18 = arith.constant 0 : i32
    %dma_wait3A_19 = tpu.memref_slice %arg4[%add3A_15, %dma_wait3A_18] : memref<65536x1024xf32, #tpu.memory_space<hbm>> -> memref<32x1024xf32, #tpu.memory_space<hbm>>
    tpu.wait_dma2 semaphore(%arg12 : memref<!tpu.dma_semaphore, #tpu.memory_space<semaphore_mem>>) src(%arg10 : memref<32x1024xf32, #tpu.memory_space<vmem>>) dst(%dma_wait3A_19 : memref<32x1024xf32, #tpu.memory_space<hbm>>)
    return
  }
}

module attributes {stable_mosaic.version = 14 : i64} {
  func.func @_table2_body(%arg0: memref<1x512xf32, #tpu.memory_space<vmem>>, %arg1: memref<1x512xf32, #tpu.memory_space<vmem>>, %arg2: memref<64x512xf32, #tpu.memory_space<vmem>>) attributes {dimension_semantics = [], scalar_prefetch = 0 : i64, scratch_operands = 0 : i64, tpu.core_type = #tpu.core_type<tc>} {
    %iota3A = tpu.iota {dimensions = array<i32: 0>} : vector<64x512xi32>
    %iota3A_0 = tpu.iota {dimensions = array<i32: 1>} : vector<64x512xi32>
    %lt3A = arith.constant 32 : i32
    %lt3A_1 = vector.broadcast %lt3A : i32 to vector<64x512xi32>
    %lt3A_2 = arith.cmpi slt, %iota3A, %lt3A_1 : vector<64x512xi32>
    %sub3A = arith.constant 32 : i32
    %sub3A_3 = vector.broadcast %sub3A : i32 to vector<64x512xi32>
    %sub3A_4 = arith.subi %iota3A, %sub3A_3 : vector<64x512xi32>
    %select_n3A = arith.select %lt3A_2, %iota3A, %sub3A_4 : vector<64x512xi1>, vector<64x512xi32>
    %convert_element_type3A = arith.sitofp %select_n3A : vector<64x512xi32> to vector<64x512xf32>
    %lt3A_5 = arith.constant 32 : i32
    %lt3A_6 = vector.broadcast %lt3A_5 : i32 to vector<64x512xi32>
    %lt3A_7 = arith.cmpi slt, %iota3A, %lt3A_6 : vector<64x512xi32>
    %get3A = arith.constant 0 : index
    %get3A_8 = arith.constant 0 : index
    %get3A_9 = vector.load %arg0[%get3A, %get3A_8] : memref<1x512xf32, #tpu.memory_space<vmem>>, vector<1x512xf32>
    %get3A_10 = arith.constant 0 : index
    %get3A_11 = arith.constant 0 : index
    %get3A_12 = vector.load %arg1[%get3A_10, %get3A_11] : memref<1x512xf32, #tpu.memory_space<vmem>>, vector<1x512xf32>
    %broadcast_in_dim3A = vector.shape_cast %get3A_9 : vector<1x512xf32> to vector<1x512xf32>
    %broadcast_in_dim3A_13 = vector.broadcast %broadcast_in_dim3A : vector<1x512xf32> to vector<64x512xf32>
    %broadcast_in_dim3A_14 = vector.shape_cast %get3A_12 : vector<1x512xf32> to vector<1x512xf32>
    %broadcast_in_dim3A_15 = vector.broadcast %broadcast_in_dim3A_14 : vector<1x512xf32> to vector<64x512xf32>
    %select_n3A_16 = arith.select %lt3A_7, %broadcast_in_dim3A_13, %broadcast_in_dim3A_15 : vector<64x512xi1>, vector<64x512xf32>
    %mul3A = arith.mulf %convert_element_type3A, %select_n3A_16 : vector<64x512xf32>
    %jit3A = arith.constant 2 : i32
    %eq3A = arith.constant 0 : i32
    %eq3A_17 = arith.cmpi eq, %jit3A, %eq3A : i32
    %jit3A_18 = arith.constant 1 : i32
    %select_n3A_19 = arith.select %eq3A_17, %jit3A_18, %jit3A : i32
    %rem3A = vector.broadcast %select_n3A_19 : i32 to vector<64x512xi32>
    %rem3A_20 = arith.remsi %iota3A_0, %rem3A : vector<64x512xi32>
    %ne3A = arith.constant 0 : i32
    %ne3A_21 = vector.broadcast %ne3A : i32 to vector<64x512xi32>
    %ne3A_22 = arith.cmpi ne, %rem3A_20, %ne3A_21 : vector<64x512xi32>
    %lt3A_23 = arith.constant 0 : i32
    %lt3A_24 = vector.broadcast %lt3A_23 : i32 to vector<64x512xi32>
    %lt3A_25 = arith.cmpi slt, %rem3A_20, %lt3A_24 : vector<64x512xi32>
    %lt3A_26 = arith.constant 0 : i32
    %lt3A_27 = arith.cmpi slt, %select_n3A_19, %lt3A_26 : i32
    %ne3A_28 = vector.broadcast %lt3A_27 : i1 to vector<64x512xi1>
    %ne3A_29 = vector.broadcast %ne3A_28 : vector<64x512xi1> to vector<64x512xi1>
    %ne3A_30 = arith.xori %lt3A_25, %ne3A_29 : vector<64x512xi1>
    %and3A = arith.andi %ne3A_30, %ne3A_22 : vector<64x512xi1>
    %add3A = vector.broadcast %select_n3A_19 : i32 to vector<64x512xi32>
    %add3A_31 = arith.addi %rem3A_20, %add3A : vector<64x512xi32>
    %select_n3A_32 = arith.select %and3A, %add3A_31, %rem3A_20 : vector<64x512xi1>, vector<64x512xi32>
    %eq3A_33 = arith.constant 0 : i32
    %eq3A_34 = vector.broadcast %eq3A_33 : i32 to vector<64x512xi32>
    %eq3A_35 = arith.cmpi eq, %select_n3A_32, %eq3A_34 : vector<64x512xi32>
    %sin3A = math.sin %mul3A : vector<64x512xf32>
    %cos3A = math.cos %mul3A : vector<64x512xf32>
    %select_n3A_36 = arith.select %eq3A_35, %sin3A, %cos3A : vector<64x512xi1>, vector<64x512xf32>
    %swap3A = arith.constant 0 : index
    %swap3A_37 = arith.constant 0 : index
    %swap3A_38 = vector.load %arg2[%swap3A, %swap3A_37] : memref<64x512xf32, #tpu.memory_space<vmem>>, vector<64x512xf32>
    tpu.vector_store %arg2[%swap3A, %swap3A_37], %select_n3A_36 {strides = array<i32>} : memref<64x512xf32, #tpu.memory_space<vmem>>, vector<64x512xf32>,
    return
  }
}

</mosaic_0001>

<sc_bundles>
// kernel: kernel.4.cloned.1.call-start
scs
__scs_entry_jumppad:
0x0: {  	(pc) =	sbr.rel $0x88, $3  }
0x1: {  	(tag) =	ssettag $0x0;
	lr =	simm.s32 $0x1  }
0x2: {  	[smem:$0x3F9F] =	sst lr;
	_ =	strace $0xD0000000  }
0x3: {  	_ = 	snop  }
0x4: {  	_ = 	snop  }
0x5: {  	_ = 	snop  }
0x6: {  	_ = 	snop  }
0x7: {  	_ = 	snop  }
__scs_overlays_trampoline_lowered:
0x8: {  	[smem:$0x3FAE] =	sst s0  }
0x9: {  	[smem:$0x3FAF] =	sst s1  }
0xa: {  	[smem:$0x3FB0] =	sst s2  }
0xb: {  	[smem:$0x3FB1] =	sst s3  }
0xc: {  	[smem:$0x3FB2] =	sst s4  }
0xd: {  	[smem:$0x3FB3] =	sst s5  }
0xe: {  	[smem:$0x3FB4] =	sst s6  }
0xf: {  	[smem:$0x3FB5] =	sst s7  }
0x10: {  	[smem:$0x3FB6] =	sst s8  }
0x11: {  	[smem:$0x3FB7] =	sst s9;
	s0 =	simm.s32 @!p0 $0x0  }
0x12: {  	s1 =	sld [smem:$0x3F9D];
	s0 =	simm.s32 @p0 $0x1  }
0x13: {  	[smem:$0x3FB8] =	sst s0;
	s0 =	simm.s32 @!p1 $0x0  }
0x14: {  	s2 =	sld [smem:$0x3F9C];
	s0 =	simm.s32 @p1 $0x1  }
0x15: {  	[smem:$0x3FB9] =	sst s0;
	s0 =	simm.s32 @!p2 $0x0  }
0x16: {  	s3 =	sld [smem:$0x3FDB];
	s0 =	simm.s32 @p2 $0x1  }
0x17: {  	s4 =	simm.s32 $0x1BF5;
	[smem:$0x3FBB] =	sst s0  }
0x18: {  	s0 =	sld [smem:$0x3F9E];
	_ =	swait.ge [sflag:s4], $0x0  }
0x19: {  	s7 =	sld [smem:$0x3F9F]  }
0x1a: {  	s8 =	sadd.s32 $0xFFFFE003, lr  }
0x1b: {  	s9 =	sadd.s32 $0xFFFFFEF7, lr;
	s5 =	simm.s32 $0xFFFFFFFF;
	p2 =	slt.u32 s8, $0xFFFFF086  }
0x1c: {  	p1 =	slt.u32 s9, $0xF7A;
	s5 =	simm.s32 @!p2 $0x0  }
0x1d: {  	s5 =	simm.s32 @p1 $0x1;
	p0 =	seq.s32 s7, s2  }
0x1e: {  	s7 =	smul.u32 @!p0 $0xF7A, s2;
	p2 =	seq.s32 @!p0 s5, $0x0  }
0x1f: {  	s9 =	smul.u32 $0xF7A, s1;
	s8 =	simm.s32 @!p0 $0x1BF5;
	p2 =	por !p2, p0  }
0x20: {  	[sflag:s8] =	ssyncset.s32 @!p0 $0xFFFFF086;
	s6 =	sadd.s32 @!p0 s3, s7;
	s7 =	simm.s32 @!p0 $0x108  }
0x21: {  	s3 =	sadd.s32 s3, s9;
	s6 =	sadd.s32 @!p0 $0x88, s6;
	s7 =	simm.s32 @p2 $0x1082  }
0x22: {  	[simem:s7], [sflag:s8] =	dma.local @!p0 [hbm:s6], $0xF7A  }
0x23: {  	s9 =	sor.u32 $0xD0000000, s2;
	s6 =	simm.s32 $0x108;
	_ =	swait.ge @!p0 [sflag:s8], $0x0  }
0x24: {  	s3 =	sadd.s32 $0x88, s3;
	s6 =	simm.s32 @!p1 $0x1082;
	[sflag:s4] =	ssyncset.s32 $0xFFFFF086  }
0x25: {  	[simem:s6], [sflag:s4] =	dma.local [hbm:s3], $0xF7A  }
0x26: {  	[smem:$0x3F9F] =	sst s1;
	(tag) =	ssettag s2;
	_ =	strace s9  }
0x27: {  	s1 =	sld [smem:$0x3FAF]  }
0x28: {  	s2 =	sld [smem:$0x3FB0]  }
0x29: {  	s4 =	sld [smem:$0x3FB2]  }
0x2a: {  	p0 =	seq.s32 s5, $0x0;
	s5 =	sld [smem:$0x3FB3]  }
0x2b: {  	s6 =	sld [smem:$0x3FB4]  }
0x2c: {  	s7 =	sld [smem:$0x3FB5]  }
0x2d: {  	s3 =	simm.s32 $0x108;
	s8 =	sld [smem:$0x3FB6]  }
0x2e: {  	s3 =	simm.s32 @!p0 $0x1082;
	s9 =	sld [smem:$0x3FB7]  }
0x2f: {  	lr =	sadd.s32 s0, s3;
	s0 =	sld [smem:$0x3FAE]  }
0x30: {  	s3 =	sld [smem:$0x3FB1]  }
0x31: {  	[smem:$0x3FBA] =	sst s10  }
0x32: {  	s10 =	sld [smem:$0x3FB8];
	_ =	sdelay $0x3  }
0x33: {  	p0 =	seq.s32 s10, $0x1;
	s10 =	sld [smem:$0x3FBA];
	_ =	sdelay $0x3  }
0x34: {  	[smem:$0x3FBA] =	sst s10  }
0x35: {  	s10 =	sld [smem:$0x3FB9];
	_ =	sdelay $0x3  }
0x36: {  	p1 =	seq.s32 s10, $0x1;
	s10 =	sld [smem:$0x3FBA];
	_ =	sdelay $0x3  }
0x37: {  	[smem:$0x3FBA] =	sst s10  }
0x38: {  	s10 =	sld [smem:$0x3FBB]  }
0x39: {  	_ = 	snop;
	(pc) =	sbr.ind lr, $3  }
0x3a: {  	_ = 	snop  }
0x3b: {  	_ = 	snop  }
0x3c: {  	p2 =	seq.s32 s10, $0x1;
	s10 =	sld [smem:$0x3FBA]  }
0x3d: {  	_ =	shalt  }
0x3e: {  	_ =	shalt  }
0x3f: {  	_ =	shalt  }
0x40: {  	_ =	shalt  }
0x41: {  	_ =	shalt  }
0x42: {  	_ =	shalt  }
0x43: {  	_ =	shalt  }
0x44: {  	_ =	shalt  }
0x45: {  	_ =	shalt  }
0x46: {  	_ =	shalt  }
0x47: {  	_ =	shalt  }
0x48: {  	_ =	shalt  }
0x49: {  	_ =	shalt  }
0x4a: {  	_ =	shalt  }
0x4b: {  	_ =	shalt  }
0x4c: {  	_ =	shalt  }
0x4d: {  	_ =	shalt  }
0x4e: {  	_ =	shalt  }
0x4f: {  	_ =	shalt  }
0x50: {  	_ =	shalt  }
0x51: {  	_ =	shalt  }
0x52: {  	_ =	shalt  }
0x53: {  	_ =	shalt  }
0x54: {  	_ =	shalt  }
0x55: {  	_ =	shalt  }
0x56: {  	_ =	shalt  }
0x57: {  	_ =	shalt  }
0x58: {  	_ =	shalt  }
0x59: {  	_ =	shalt  }
0x5a: {  	_ =	shalt  }
0x5b: {  	_ =	shalt  }
0x5c: {  	_ =	shalt  }
0x5d: {  	_ =	shalt  }
0x5e: {  	_ =	shalt  }
0x5f: {  	_ =	shalt  }
0x60: {  	_ =	shalt  }
0x61: {  	_ =	shalt  }
0x62: {  	_ =	shalt  }
0x63: {  	_ =	shalt  }
0x64: {  	_ =	shalt  }
0x65: {  	_ =	shalt  }
0x66: {  	_ =	shalt  }
0x67: {  	_ =	shalt  }
0x68: {  	_ =	shalt  }
0x69: {  	_ =	shalt  }
0x6a: {  	_ =	shalt  }
0x6b: {  	_ =	shalt  }
0x6c: {  	_ =	shalt  }
0x6d: {  	_ =	shalt  }
0x6e: {  	_ =	shalt  }
0x6f: {  	_ =	shalt  }
0x70: {  	_ =	shalt  }
0x71: {  	_ =	shalt  }
0x72: {  	_ =	shalt  }
0x73: {  	_ =	shalt  }
0x74: {  	_ =	shalt  }
0x75: {  	_ =	shalt  }
0x76: {  	_ =	shalt  }
0x77: {  	_ =	shalt  }
0x78: {  	_ =	shalt  }
0x79: {  	_ =	shalt  }
0x7a: {  	_ =	shalt  }
0x7b: {  	_ =	shalt  }
0x7c: {  	_ =	shalt  }
0x7d: {  	_ =	shalt  }
0x7e: {  	_ =	shalt  }
0x7f: {  	_ =	shalt  }
0x80: {  	_ =	shalt  }
0x81: {  	_ =	shalt  }
0x82: {  	_ =	shalt  }
0x83: {  	_ =	shalt  }
0x84: {  	_ =	shalt  }
0x85: {  	_ =	shalt  }
0x86: {  	_ =	shalt  }
0x87: {  	_ =	shalt  }
.Lfunc_end0:
.L_simem_size_0:
called_computation_lowered:
.L_overlay_start_0:
0x88: {  	s2 =	sld [smem:$0x3FD9]  }
0x89: {  	s3 =	sld [smem:$0x3FFE];
	_ =	sdelay $0x1  }
0x8a: {  	s1 =	srdreg.scid  }
0x8b: {  	s0 =	sand.u32 $0x1, s1  }
0x8c: {  	s17 =	sshll.u32 s0, $0xA;
	s2 =	sadd.s32 s3, s2  }
0x8d: {  	s2 =	sadd.s32 s2, s17  }
0x8e: {  	[smem:$0x3FC6] =	sst s2  }
0x8f: {  	_ = 	snop  }
0x90: {  	s2 =	sld [smem:$0x3FD0];
	(tm) =	ssettm $0x1  }
0x91: {  	s18 =	sld [smem:$0x3FFB];
	_ =	sdelay $0x3  }
0x92: {  	_ =	strace s18  }
0x93: {  	s3 =	sld [smem:$0x3FFC];
	_ =	sdelay $0x3  }
0x94: {  	_ =	strace s3  }
0x95: {  	s3 =	sld [smem:$0x3FFD];
	_ =	sdelay $0x3  }
0x96: {  	_ =	strace s3  }
0x97: {  	_ =	strace $0x8FFFFFFF  }
0x98: {  	s19 =	sld [smem:$0x3FDB];
	_ =	sdelay $0x1  }
0x99: {  	s4 =	simm.s32 $_scs_section_size  }
0x9a: {  	s5 =	simm.s32 $_size__tile_overlayer_lowered;
	s6 =	simm.s32 $_tile_overlayer_lowered  }
0x9b: {  	s22 =	simm.s32 $0x1BFF;
	s21 =	sshll.u32 s6, $0x1;
	s3 =	sadd.s32 s4, s19  }
0x9c: {  	s7 =	simm.s32 $0x0;
	s20 =	sshll.u32 s5, $0x1;
	s5 =	sadd.s32 s21, s3  }
0x9d: {  	[timem:s7], [sflag:s22] =	dma.local [hbm:s5], s20  }
0x9e: {  	_ =	swait.ge [sflag:s22], s20  }
0x9f: {  	s4 =	ssub.s32 $0x0, s20;
	[sflag:s22] =	ssyncset.done $0x0  }
0xa0: {  	[sflag:s22] =	ssyncadd.s32 s4;
	_ =	sdelay $0x1  }
0xa1: {  	s23 =	simm.s32 $0x1B8B  }
0xa2: {  	_ =	swait.ge [sflag:s23], $0x1  }
0xa3: {  	[sflag:s23] =	ssyncset.done $0x0  }
0xa4: {  	s25 =	simm.s32 $0x1B8E;
	s24 =	sld [smem:$0x3FFE];
	[sflag:s23] =	ssyncadd.s32 $0xFFFFFFFF  }
0xa5: {  	s26 =	simm.s32 $execute0_lowered;
	[smem:$0x3FD2] =	sst s25  }
0xa6: {  	s5 =	sshll.u32 s26, $0x1;
	_ =	strace $0x80000046;
	[dreg:$0x1] =	wrdreg $0xFFFFFFFF  }
0xa7: {  	s28 =	simm.s32 $_size_execute0_lowered;
	s3 =	sadd.s32 s3, s5;
	[dreg:$0x0] =	wrdreg $0x0  }
0xa8: {  	s5 =	sshll.u32 s28, $0x1;
	[dreg:$0x2] =	wrdreg s3  }
0xa9: {  	[dreg:$0x3] =	wrdreg s5  }
0xaa: {  	[dreg:$0x4] =	wrdreg $0xC0  }
0xab: {  	_ =	task [dreg:s7], $0x5FFFF  }
0xac: {  	[dreg:$0x1] =	wrdreg $0xFFFFFFFF  }
0xad: {  	[dreg:$0x0] =	wrdreg $0x60  }
0xae: {  	[dreg:$0x2] =	wrdreg s24  }
0xaf: {  	[dreg:$0x3] =	wrdreg s2  }
0xb0: {  	[dreg:$0x4] =	wrdreg $0x88000  }
0xb1: {  	[dreg:$0x5] =	wrdreg $0x9  }
0xb2: {  	_ =	task.clear_ibuf [dreg:s7], $0x6FFFF;
	_ =	strace $0x90000046  }
0xb3: {  	s29 =	simm.s32 $0x9;
	_ =	strace $0x80000048  }
0xb4: {  	_ =	swait.ge [sflag:s29], $0x1  }
0xb5: {  	[sflag:s29] =	ssyncadd.s32 $0xFFFFFFFF  }
0xb6: {  	_ =	strace $0x90000048  }
0xb7: {  	_ =	sfence  }
0xb8: {  	s30 =	sld [smem:$0x0];
	_ =	sdelay $0x2  }
0xb9: {  	s31 =	sshll.u32 s1, $0xD;
	s1 =	sshrl.u32 s1, $0x2  }
0xba: {  	s3 =	sand.u32 $0x4000, s31;
	s1 =	sadd.s32 s1, s30  }
0xbb: {  	s0 =	sor.u32 s3, s0;
	s1 =	sshll.u32 s1, $0x11  }
0xbc: {  	s0 =	sor.u32 s1, s0  }
0xbd: {  	s0 =	sadd.s32 $0x8F2B, s0  }
0xbe: {  	[sflag:s0] =	ssyncadd.remote.s32 $0x1  }
0xbf: {  	_ =	sfence.sel $0xFFFF  }
0xc0: {  	[dreg:$0x0] =	wrdreg $0xFFFFFFFF;
	(pc) =	sbr.abs _section_cstart, $3  }
0xc1: {  	[dreg:$0x1] =	wrdreg $0xFFFFFFFF  }
0xc2: {  	_ =	task.clear_ibuf [dreg:s7], $0x2FFFF;
	_ =	strace $0x9FFFFFFF  }
0xc3: {  	(tm) =	ssettm $0x7FFFFFFF  }
tec
execute0_lowered:
.L_overlay_start_1:
0x0: {  	(tag) =	ssettag $0x1  }
0x1: {  	s1 =	rddreg [dreg:$0x0]  }
0x2: {  	s0 =	srdreg.scid;
	s2 =	rddreg [dreg:$0x1]  }
0x3: {  	s9 =	stileid.u32;
	s5 =	rddreg [dreg:$0x2]  }
0x4: {  	s11 =	simm.s32 $0x3;
	s16 =	simm.s32 $0x9000;
	s0 =	sand.u32 $0x1, s0  }
0x5: {  	s3 =	sshll.u32 s9, $0x1;
	s7 =	sadd.s32 $0x2800, s1;
	s28 =	sshll.u32 s9, $0xB  }
0x6: {  	s30 =	sshll.u32 s9, $0x7;
	s4 =	sor.u32 s0, s3;
	s0 =	ssub.s32 $0x2, s0  }
0x7: {  	s8 =	sand.u32 $0x4000, s28;
	s3 =	sshll.u32 s4, $0xB;
	s6 =	sshll.u32 s4, $0x7  }
0x8: {  	s4 =	simm.s32 $0x0;
	s29 =	sshrl.u32 s0, $0x1;
	s6 =	sor.u32 s6, s3  }
0x9: {  	[smem:$0x7FF] =	sst s4;
	s0 =	ssub.s32 s0, s29;
	s6 =	sand.u32 $0xC380, s6  }
0xa: {  	_ =	strace $0x80000047;
	[dreg:$0x4] =	wrdreg s7;
	s6 =	sshrl.u32 s6, $0x3  }
0xb: {  	s7 =	sadd.s32 s8, s5;
	s0 =	smax.u32 s0, $0x1;
	s1 =	sadd.s32 s6, s1  }
0xc: {  	[dreg:$0x7] =	wrdreg s0;
	s6 =	sand.u32 $0x380, s30;
	s1 =	sadd.s32 $0x800, s1  }
0xd: {  	s17 =	simm.s32 $0x11000;
	s31 =	sadd.s32 s6, s7;
	[dreg:$0x5] =	wrdreg s1  }
0xe: {  	s18 =	simm.s32 $0x2;
	s19 =	simm.s32 $0x0;
	[dreg:$0x6] =	wrdreg s31  }
.LBB2_1:
0xf: {  	s0 =	rddreg [dreg:$0x4]  }
0x10: {  	[tilespmem:s4], [sflag:$0x3] =	stream.linear.gather [hbm4b:s0+s4], $0x8000, $0x38;
	[tilespmem:$0x19000] =	vst v63  }
0x11: {  	_ =	swait.ge [sflag:s11], $0x8000  }
0x12: {  	s1 =	simm.s32 $0x80;
	s5 =	simm.s32 $0x400;
	[sflag:s11] =	ssyncset.done $0x0  }
0x13: {  	s8 =	simm.s32 $0x8000;
	s30 =	rddreg [dreg:$0x5];
	[sflag:s11] =	ssyncadd.s32 $0xFFFF8000  }
0x14: {  	[tilespmem:s8], [sflag:$0x3] =	stream.strided.gather [hbm4b:s30+s1], $0x800, s5, s1, $0x38;
	[tilespmem:$0x19000] =	vst v63  }
0x15: {  	_ =	swait.ge [sflag:s11], $0x800  }
0x16: {  	[sflag:s11] =	ssyncset.done $0x0  }
0x17: {  	s31 =	rddreg [dreg:$0x6];
	[sflag:s11] =	ssyncadd.s32 $0xFFFFF800  }
0x18: {  	[spmem:s31] =	stream.strided.scatter [tilespmem:s8], [sflag:$0x3], $0x800, s5, s1, $0x38;
	[tilespmem:$0x19000] =	vst v63  }
0x19: {  	_ =	swait.ge [sflag:s11], $0x800  }
0x1a: {  	[sflag:s11] =	ssyncset.done $0x0  }
0x1b: {  	s20 =	simm.s32 $0x0;
	[sflag:s11] =	ssyncadd.s32 $0xFFFFF800  }
.LBB2_2:
0x1c: {  	p0 =	seq.s32 s20, $0x0;
	s0 =	sshll.u32 s20, $0x9  }
0x1d: {  	s21 =	sshll.u32 s20, $0x6;
	s1 =	simm.s32 @!p0 $0x1;
	s0 =	sand.u32 $0x3C00, s0  }
0x1e: {  	s5 =	sand.u32 $0x40, s21;
	_ =	swait.ge @!p0 [sflag:s1], $0x8000;
	s22 =	sadd.s32 s0, s7  }
0x1f: {  	[sflag:s1] =	ssyncset.done @!p0 $0x0;
	s0 =	sadd.s32 s5, s22  }
0x20: {  	s23 =	simm.s32 $0x0;
	[sflag:s1] =	ssyncadd.s32 @!p0 $0xFFFF8000;
	s0 =	sadd.s32 s6, s0  }
0x21: {  	[smem:s23], [sflag:$0x3] =	stream.linear.gather [spmem:s0], $0x20, $0x38;
	[tilespmem:$0x19000] =	vst v63  }
0x22: {  	s24 =	simm.s32 $0xFFFFFFFC;
	s25 =	simm.s32 $0x100;
	_ =	swait.ge [sflag:s11], $0x20  }
0x23: {  	s26 =	simm.s32 $0x2;
	p1 =	por $0x0, $0x0;
	[sflag:s11] =	ssyncset.done $0x0  }
0x24: {  	s28 =	simm.s32 $0x0;
	s29 =	simm.s32 $0x0;
	[sflag:s11] =	ssyncadd.s32 $0xFFFFFFE0  }
.LBB2_3:
0x25: {  	s0 =	sld [smem:s26+$0xFFFFFFFE];
	_ =	sdelay $0x2  }
0x26: {  	s1 =	sshll.u32 s0, $0x9;
	s5 =	sshll.u32 s0, $0x7  }
0x27: {  	s1 =	sand.u32 $0x3000, s1;
	s5 =	sand.u32 $0x380, s5  }
0x28: {  	s9 =	sor.u32 s5, s1  }
0x29: {  	v0 =	vld [tilespmem:s9+$0x0]  }
0x2a: {  	v1 =	vld [tilespmem:s9+$0x10]  }
0x2b: {  	v2 =	vld [tilespmem:s9+$0x20]  }
0x2c: {  	v3 =	vld [tilespmem:s9+$0x30]  }
0x2d: {  	s0 =	sshra.s32 s0, $0x5;
	v8 =	vld [tilespmem:s9+$0x40]  }
0x2e: {  	s15 =	sshll.u32 s0, $0x9;
	s0 =	sshll.u32 s0, $0x7;
	v9 =	vld [tilespmem:s9+$0x50]  }
0x2f: {  	s1 =	sand.u32 $0xFFFFF000, s15;
	s0 =	sand.u32 $0x380, s0;
	v10 =	vld [tilespmem:s9+$0x60]  }
0x30: {  	s13 =	sor.u32 s0, s1;
	v11 =	vld [tilespmem:s9+$0x70]  }
0x31: {  	v4 =	vld [tilespmem:s13+$0x4000]  }
0x32: {  	v5 =	vld [tilespmem:s13+$0x4010]  }
0x33: {  	v6 =	vld [tilespmem:s13+$0x4020]  }
0x34: {  	s0 =	simm.s32 $0x1;
	v7 =	vld [tilespmem:s13+$0x4030]  }
0x35: {  	s30 =	sand.u32 $0x6000, s29;
	s31 =	sadd.s32 $0xFFFFFF00, s25;
	v12 =	vld [tilespmem:s13+$0x4040];
	s0 =	simm.s32 @!p1 $0x0  }
0x36: {  	s5 =	sand.u32 $0x200, s31;
	s1 =	sor.u32 $0x9000, s30;
	v13 =	vld [tilespmem:s13+$0x4050];
	s0 =	sshll.u32 s0, $0x9  }
0x37: {  	v14 =	vld [tilespmem:s13+$0x4060];
	s30 =	sor.u32 s5, s1;
	s31 =	sadd.s32 s0, s29  }
0x38: {  	v15 =	vld [tilespmem:s13+$0x4070];
	s14 =	sld [smem:s26+$0xFFFFFFFF];
	s0 =	sor.u32 $0x1000, s31;
	[tilespmem:s30+$0x0] =	vst v0  }
0x39: {  	[tilespmem:s0+$0x9000] =	vst v4  }
0x3a: {  	s8 =	sor.u32 $0x1010, s31;
	[tilespmem:s30+$0x10] =	vst v1  }
0x3b: {  	s15 =	sshll.u32 s14, $0x9;
	[tilespmem:s8+$0x9000] =	vst v5;
	s8 =	sshll.u32 s14, $0x7  }
0x3c: {  	s5 =	sand.u32 $0x3000, s15;
	s8 =	sand.u32 $0x380, s8  }
0x3d: {  	s5 =	sor.u32 s8, s5  }
0x3e: {  	v16 =	vld [tilespmem:s5+$0x0]  }
0x3f: {  	v17 =	vld [tilespmem:s5+$0x10]  }
0x40: {  	v18 =	vld [tilespmem:s5+$0x20]  }
0x41: {  	v19 =	vld [tilespmem:s5+$0x30]  }
0x42: {  	s10 =	sor.u32 $0x1020, s31;
	[tilespmem:s30+$0x20] =	vst v2;
	v40 =	vld [tilespmem:s5+$0x40]  }
0x43: {  	[tilespmem:s10+$0x9000] =	vst v6;
	v41 =	vld [tilespmem:s5+$0x50]  }
0x44: {  	s12 =	sor.u32 $0x1030, s31;
	[tilespmem:s30+$0x30] =	vst v3;
	v42 =	vld [tilespmem:s5+$0x60]  }
0x45: {  	v43 =	vld [tilespmem:s5+$0x70];
	[tilespmem:s12+$0x9000] =	vst v7  }
0x46: {  	v0 =	vld [tilespmem:s9+$0x400]  }
0x47: {  	v1 =	vld [tilespmem:s9+$0x410]  }
0x48: {  	v2 =	vld [tilespmem:s9+$0x420]  }
0x49: {  	v3 =	vld [tilespmem:s9+$0x430]  }
0x4a: {  	s0 =	sshra.s32 s14, $0x5;
	v4 =	vld [tilespmem:s13+$0x4400]  }
0x4b: {  	s10 =	sshll.u32 s0, $0x9;
	s0 =	sshll.u32 s0, $0x7;
	v5 =	vld [tilespmem:s13+$0x4410]  }
0x4c: {  	s8 =	sand.u32 $0xFFFFF000, s10;
	s0 =	sand.u32 $0x380, s0;
	v6 =	vld [tilespmem:s13+$0x4420]  }
0x4d: {  	s8 =	sor.u32 s0, s8;
	v7 =	vld [tilespmem:s13+$0x4430]  }
0x4e: {  	s12 =	sor.u32 $0x1040, s31;
	v20 =	vld [tilespmem:s8+$0x4000];
	[tilespmem:s30+$0x40] =	vst v8  }
0x4f: {  	v21 =	vld [tilespmem:s8+$0x4010];
	[tilespmem:s12+$0x9000] =	vst v12  }
0x50: {  	s14 =	sor.u32 $0x1050, s31;
	v22 =	vld [tilespmem:s8+$0x4020];
	[tilespmem:s30+$0x50] =	vst v9  }
0x51: {  	v23 =	vld [tilespmem:s8+$0x4030];
	[tilespmem:s14+$0x9000] =	vst v13  }
0x52: {  	s15 =	sand.u32 $0x7, s23;
	v44 =	vld [tilespmem:s8+$0x4040];
	s12 =	sor.u32 $0x1060, s31;
	[tilespmem:s30+$0x60] =	vst v10  }
0x53: {  	s10 =	sadd.s32 $0xFFFFFF80, s25;
	s0 =	sshll.u32 s15, $0x7;
	v45 =	vld [tilespmem:s8+$0x4050];
	[tilespmem:s12+$0x9000] =	vst v14  }
0x54: {  	s15 =	sor.u32 $0x1070, s31;
	v46 =	vld [tilespmem:s8+$0x4060];
	s14 =	sadd.s32 s29, s0;
	s12 =	sand.u32 $0x280, s10;
	[tilespmem:s30+$0x70] =	vst v11  }
0x55: {  	v47 =	vld [tilespmem:s8+$0x4070];
	s0 =	sor.u32 s12, s1;
	s12 =	sadd.s32 $0x80, s14;
	[tilespmem:s15+$0x9000] =	vst v15  }
0x56: {  	[tilespmem:s0+$0x0] =	vst v16;
	s14 =	sor.u32 $0x1000, s12;
	v48 =	vld [tilespmem:s9+$0x440]  }
0x57: {  	[tilespmem:s14+$0x9000] =	vst v20;
	v49 =	vld [tilespmem:s9+$0x450]  }
0x58: {  	s10 =	sor.u32 $0x1010, s12;
	v50 =	vld [tilespmem:s9+$0x460];
	[tilespmem:s0+$0x10] =	vst v17  }
0x59: {  	v51 =	vld [tilespmem:s9+$0x470];
	[tilespmem:s10+$0x9000] =	vst v21  }
0x5a: {  	s15 =	sor.u32 $0x1020, s12;
	v52 =	vld [tilespmem:s13+$0x4440];
	[tilespmem:s0+$0x20] =	vst v18  }
0x5b: {  	v53 =	vld [tilespmem:s13+$0x4450];
	[tilespmem:s15+$0x9000] =	vst v22  }
0x5c: {  	v54 =	vld [tilespmem:s13+$0x4460];
	s10 =	sor.u32 $0x1030, s12;
	[tilespmem:s0+$0x30] =	vst v19  }
0x5d: {  	v55 =	vld [tilespmem:s13+$0x4470];
	[tilespmem:s10+$0x9000] =	vst v23  }
0x5e: {  	[tilespmem:s30+$0x400] =	vst v0;
	s15 =	sor.u32 $0x1400, s31;
	v56 =	vld [tilespmem:s5+$0x400]  }
0x5f: {  	[tilespmem:s15+$0x9000] =	vst v4;
	v57 =	vld [tilespmem:s5+$0x410]  }
0x60: {  	[tilespmem:s30+$0x410] =	vst v1;
	s10 =	sor.u32 $0x1410, s31;
	v58 =	vld [tilespmem:s5+$0x420]  }
0x61: {  	[tilespmem:s10+$0x9000] =	vst v5;
	v59 =	vld [tilespmem:s5+$0x430]  }
0x62: {  	s15 =	sor.u32 $0x1420, s31;
	v60 =	vld [tilespmem:s8+$0x4400];
	[tilespmem:s30+$0x420] =	vst v2  }
0x63: {  	v61 =	vld [tilespmem:s8+$0x4410];
	[tilespmem:s15+$0x9000] =	vst v6  }
0x64: {  	s10 =	sor.u32 $0x1430, s31;
	v62 =	vld [tilespmem:s8+$0x4420];
	[tilespmem:s30+$0x430] =	vst v3  }
0x65: {  	v63 =	vld [tilespmem:s8+$0x4430];
	[tilespmem:s10+$0x9000] =	vst v7  }
0x66: {  	[tilespmem:s0+$0x40] =	vst v40;
	s15 =	sor.u32 $0x1040, s12;
	v24 =	vld [tilespmem:s9+$0x800]  }
0x67: {  	[tilespmem:s15+$0x9000] =	vst v44;
	v25 =	vld [tilespmem:s9+$0x810]  }
0x68: {  	[tilespmem:s0+$0x50] =	vst v41;
	s10 =	sor.u32 $0x1050, s12;
	v26 =	vld [tilespmem:s9+$0x820]  }
0x69: {  	[tilespmem:s10+$0x9000] =	vst v45;
	v27 =	vld [tilespmem:s9+$0x830]  }
0x6a: {  	s15 =	sor.u32 $0x1060, s12;
	v28 =	vld [tilespmem:s13+$0x4800];
	[tilespmem:s0+$0x60] =	vst v42  }
0x6b: {  	v29 =	vld [tilespmem:s13+$0x4810];
	[tilespmem:s15+$0x9000] =	vst v46  }
0x6c: {  	v30 =	vld [tilespmem:s13+$0x4820];
	s10 =	sor.u32 $0x1070, s12;
	[tilespmem:s0+$0x70] =	vst v43  }
0x6d: {  	v31 =	vld [tilespmem:s13+$0x4830];
	[tilespmem:s10+$0x9000] =	vst v47  }
0x6e: {  	[tilespmem:s30+$0x440] =	vst v48;
	s15 =	sor.u32 $0x1440, s31;
	v32 =	vld [tilespmem:s5+$0x440]  }
0x6f: {  	[tilespmem:s15+$0x9000] =	vst v52;
	v33 =	vld [tilespmem:s5+$0x450]  }
0x70: {  	[tilespmem:s30+$0x450] =	vst v49;
	s10 =	sor.u32 $0x1450, s31;
	v34 =	vld [tilespmem:s5+$0x460]  }
0x71: {  	[tilespmem:s10+$0x9000] =	vst v53;
	v35 =	vld [tilespmem:s5+$0x470]  }
0x72: {  	s15 =	sor.u32 $0x1460, s31;
	v36 =	vld [tilespmem:s8+$0x4440];
	[tilespmem:s30+$0x460] =	vst v50  }
0x73: {  	v37 =	vld [tilespmem:s8+$0x4450];
	[tilespmem:s15+$0x9000] =	vst v54  }
0x74: {  	s10 =	sor.u32 $0x1470, s31;
	v38 =	vld [tilespmem:s8+$0x4460];
	[tilespmem:s30+$0x470] =	vst v51  }
0x75: {  	v39 =	vld [tilespmem:s8+$0x4470];
	[tilespmem:s10+$0x9000] =	vst v55  }
0x76: {  	[tilespmem:s0+$0x400] =	vst v56;
	s15 =	sor.u32 $0x1400, s12;
	v40 =	vld [tilespmem:s9+$0x840]  }
0x77: {  	[tilespmem:s15+$0x9000] =	vst v60;
	v41 =	vld [tilespmem:s9+$0x850]  }
0x78: {  	[tilespmem:s0+$0x410] =	vst v57;
	s10 =	sor.u32 $0x1410, s12;
	v42 =	vld [tilespmem:s9+$0x860]  }
0x79: {  	[tilespmem:s10+$0x9000] =	vst v61;
	v43 =	vld [tilespmem:s9+$0x870]  }
0x7a: {  	s15 =	sor.u32 $0x1420, s12;
	v44 =	vld [tilespmem:s13+$0x4840];
	[tilespmem:s0+$0x420] =	vst v58  }
0x7b: {  	v45 =	vld [tilespmem:s13+$0x4850];
	[tilespmem:s15+$0x9000] =	vst v62  }
0x7c: {  	v46 =	vld [tilespmem:s13+$0x4860];
	s10 =	sor.u32 $0x1430, s12;
	[tilespmem:s0+$0x430] =	vst v59  }
0x7d: {  	v47 =	vld [tilespmem:s13+$0x4870];
	[tilespmem:s10+$0x9000] =	vst v63  }
0x7e: {  	[tilespmem:s30+$0x800] =	vst v24;
	s15 =	sor.u32 $0x1800, s31;
	v48 =	vld [tilespmem:s5+$0x800]  }
0x7f: {  	[tilespmem:s15+$0x9000] =	vst v28;
	v49 =	vld [tilespmem:s5+$0x810]  }
0x80: {  	[tilespmem:s30+$0x810] =	vst v25;
	s10 =	sor.u32 $0x1810, s31;
	v50 =	vld [tilespmem:s5+$0x820]  }
0x81: {  	[tilespmem:s10+$0x9000] =	vst v29;
	v51 =	vld [tilespmem:s5+$0x830]  }
0x82: {  	s15 =	sor.u32 $0x1820, s31;
	v52 =	vld [tilespmem:s8+$0x4800];
	[tilespmem:s30+$0x820] =	vst v26  }
0x83: {  	v53 =	vld [tilespmem:s8+$0x4810];
	[tilespmem:s15+$0x9000] =	vst v30  }
0x84: {  	s10 =	sor.u32 $0x1830, s31;
	v54 =	vld [tilespmem:s8+$0x4820];
	[tilespmem:s30+$0x830] =	vst v27  }
0x85: {  	v55 =	vld [tilespmem:s8+$0x4830];
	[tilespmem:s10+$0x9000] =	vst v31  }
0x86: {  	[tilespmem:s0+$0x440] =	vst v32;
	s15 =	sor.u32 $0x1440, s12;
	v56 =	vld [tilespmem:s9+$0xC00]  }
0x87: {  	[tilespmem:s15+$0x9000] =	vst v36;
	v57 =	vld [tilespmem:s9+$0xC10]  }
0x88: {  	[tilespmem:s0+$0x450] =	vst v33;
	s10 =	sor.u32 $0x1450, s12;
	v58 =	vld [tilespmem:s9+$0xC20]  }
0x89: {  	[tilespmem:s10+$0x9000] =	vst v37;
	v59 =	vld [tilespmem:s9+$0xC30]  }
0x8a: {  	s15 =	sor.u32 $0x1460, s12;
	v60 =	vld [tilespmem:s13+$0x4C00];
	[tilespmem:s0+$0x460] =	vst v34  }
0x8b: {  	v61 =	vld [tilespmem:s13+$0x4C10];
	[tilespmem:s15+$0x9000] =	vst v38  }
0x8c: {  	v62 =	vld [tilespmem:s13+$0x4C20];
	s10 =	sor.u32 $0x1470, s12;
	[tilespmem:s0+$0x470] =	vst v35  }
0x8d: {  	v63 =	vld [tilespmem:s13+$0x4C30];
	[tilespmem:s10+$0x9000] =	vst v39  }
0x8e: {  	[tilespmem:s30+$0x840] =	vst v40;
	s15 =	sor.u32 $0x1840, s31;
	v24 =	vld [tilespmem:s5+$0x840]  }
0x8f: {  	[tilespmem:s15+$0x9000] =	vst v44;
	v25 =	vld [tilespmem:s5+$0x850]  }
0x90: {  	[tilespmem:s30+$0x850] =	vst v41;
	s10 =	sor.u32 $0x1850, s31;
	v26 =	vld [tilespmem:s5+$0x860]  }
0x91: {  	[tilespmem:s10+$0x9000] =	vst v45;
	v27 =	vld [tilespmem:s5+$0x870]  }
0x92: {  	s15 =	sor.u32 $0x1860, s31;
	v28 =	vld [tilespmem:s8+$0x4840];
	[tilespmem:s30+$0x860] =	vst v42  }
0x93: {  	v29 =	vld [tilespmem:s8+$0x4850];
	[tilespmem:s15+$0x9000] =	vst v46  }
0x94: {  	s10 =	sor.u32 $0x1870, s31;
	v30 =	vld [tilespmem:s8+$0x4860];
	[tilespmem:s30+$0x870] =	vst v43  }
0x95: {  	v31 =	vld [tilespmem:s8+$0x4870];
	[tilespmem:s10+$0x9000] =	vst v47  }
0x96: {  	[tilespmem:s0+$0x800] =	vst v48;
	s15 =	sor.u32 $0x1800, s12;
	v32 =	vld [tilespmem:s9+$0xC40]  }
0x97: {  	[tilespmem:s15+$0x9000] =	vst v52;
	v33 =	vld [tilespmem:s9+$0xC50]  }
0x98: {  	[tilespmem:s0+$0x810] =	vst v49;
	s10 =	sor.u32 $0x1810, s12;
	v34 =	vld [tilespmem:s9+$0xC60]  }
0x99: {  	[tilespmem:s10+$0x9000] =	vst v53;
	v35 =	vld [tilespmem:s9+$0xC70]  }
0x9a: {  	s15 =	sor.u32 $0x1820, s12;
	v36 =	vld [tilespmem:s13+$0x4C40];
	[tilespmem:s0+$0x820] =	vst v50  }
0x9b: {  	v37 =	vld [tilespmem:s13+$0x4C50];
	[tilespmem:s15+$0x9000] =	vst v54  }
0x9c: {  	v38 =	vld [tilespmem:s13+$0x4C60];
	s10 =	sor.u32 $0x1830, s12;
	[tilespmem:s0+$0x830] =	vst v51  }
0x9d: {  	v39 =	vld [tilespmem:s13+$0x4C70];
	[tilespmem:s10+$0x9000] =	vst v55  }
0x9e: {  	v40 =	vld [tilespmem:s5+$0xC00]  }
0x9f: {  	s14 =	sor.u32 $0x1C00, s31;
	[tilespmem:s30+$0xC00] =	vst v56;
	v41 =	vld [tilespmem:s5+$0xC10]  }
0xa0: {  	[tilespmem:s14+$0x9000] =	vst v60;
	v42 =	vld [tilespmem:s5+$0xC20]  }
0xa1: {  	s13 =	sld [smem:s26+$0x0];
	[tilespmem:s30+$0xC10] =	vst v57;
	s15 =	sor.u32 $0x1C10, s31;
	v43 =	vld [tilespmem:s5+$0xC30]  }
0xa2: {  	[tilespmem:s15+$0x9000] =	vst v61;
	v44 =	vld [tilespmem:s8+$0x4C00]  }
0xa3: {  	[tilespmem:s30+$0xC20] =	vst v58;
	s10 =	sor.u32 $0x1C20, s31;
	v45 =	vld [tilespmem:s8+$0x4C10]  }
0xa4: {  	s14 =	sshll.u32 s13, $0x9;
	s15 =	sshll.u32 s13, $0x7;
	[tilespmem:s10+$0x9000] =	vst v62;
	v46 =	vld [tilespmem:s8+$0x4C20]  }
0xa5: {  	s9 =	sand.u32 $0x3000, s14;
	s14 =	sand.u32 $0x380, s15;
	v47 =	vld [tilespmem:s8+$0x4C30];
	[tilespmem:s0+$0x840] =	vst v24  }
0xa6: {  	s10 =	sor.u32 $0x1C30, s31;
	s14 =	sor.u32 s14, s9;
	[tilespmem:s30+$0xC30] =	vst v59  }
0xa7: {  	v48 =	vld [tilespmem:s14+$0x0];
	[tilespmem:s10+$0x9000] =	vst v63  }
0xa8: {  	v49 =	vld [tilespmem:s14+$0x10];
	s10 =	sor.u32 $0x1C40, s31;
	[tilespmem:s30+$0xC40] =	vst v32  }
0xa9: {  	s15 =	sshra.s32 s13, $0x5;
	v50 =	vld [tilespmem:s14+$0x20];
	[tilespmem:s10+$0x9000] =	vst v36  }
0xaa: {  	s13 =	sshll.u32 s15, $0x9;
	v51 =	vld [tilespmem:s14+$0x30];
	s10 =	sshll.u32 s15, $0x7;
	s15 =	sor.u32 $0x1C50, s31;
	[tilespmem:s30+$0xC50] =	vst v33  }
0xab: {  	v56 =	vld [tilespmem:s14+$0x40];
	[tilespmem:s15+$0x9000] =	vst v37  }
0xac: {  	s9 =	sand.u32 $0xFFFFF000, s13;
	s13 =	sor.u32 $0x1C60, s31;
	v57 =	vld [tilespmem:s14+$0x50];
	[tilespmem:s30+$0xC60] =	vst v34  }
0xad: {  	v58 =	vld [tilespmem:s14+$0x60];
	s10 =	sand.u32 $0x380, s10;
	[tilespmem:s13+$0x9000] =	vst v38  }
0xae: {  	v59 =	vld [tilespmem:s14+$0x70];
	s9 =	sor.u32 s10, s9;
	s13 =	sor.u32 $0x1840, s12;
	[tilespmem:s30+$0xC70] =	vst v35  }
0xaf: {  	s15 =	sor.u32 $0x1C70, s31;
	v52 =	vld [tilespmem:s9+$0x4000];
	[tilespmem:s13+$0x9000] =	vst v28  }
0xb0: {  	v53 =	vld [tilespmem:s9+$0x4010];
	[tilespmem:s15+$0x9000] =	vst v39  }
0xb1: {  	v54 =	vld [tilespmem:s9+$0x4020];
	[tilespmem:s0+$0x850] =	vst v25;
	s15 =	sor.u32 $0x1850, s12  }
0xb2: {  	v55 =	vld [tilespmem:s9+$0x4030];
	[tilespmem:s15+$0x9000] =	vst v29  }
0xb3: {  	v60 =	vld [tilespmem:s9+$0x4040];
	s13 =	sand.u32 $0x3, s28;
	s15 =	sor.u32 $0x1860, s12;
	[tilespmem:s0+$0x860] =	vst v26  }
0xb4: {  	v61 =	vld [tilespmem:s9+$0x4050];
	s10 =	sshll.u32 s13, $0x8;
	[tilespmem:s15+$0x9000] =	vst v30  }
0xb5: {  	v62 =	vld [tilespmem:s9+$0x4060];
	s13 =	sor.u32 $0x1870, s12;
	s10 =	sadd.s32 s29, s10;
	s15 =	sand.u32 $0x300, s25;
	[tilespmem:s0+$0x870] =	vst v27  }
0xb6: {  	v63 =	vld [tilespmem:s9+$0x4070];
	s1 =	sor.u32 s15, s1;
	[tilespmem:s13+$0x9000] =	vst v31;
	s13 =	sadd.s32 $0x100, s10  }
0xb7: {  	[tilespmem:s1+$0x0] =	vst v48;
	v24 =	vld [tilespmem:s5+$0xC40];
	s10 =	sor.u32 $0x1000, s13  }
0xb8: {  	v25 =	vld [tilespmem:s5+$0xC50];
	[tilespmem:s10+$0x9000] =	vst v52  }
0xb9: {  	v26 =	vld [tilespmem:s5+$0xC60];
	s15 =	sor.u32 $0x1010, s13;
	[tilespmem:s1+$0x10] =	vst v49  }
0xba: {  	v27 =	vld [tilespmem:s5+$0xC70];
	[tilespmem:s15+$0x9000] =	vst v53  }
0xbb: {  	v28 =	vld [tilespmem:s8+$0x4C40];
	s10 =	sor.u32 $0x1020, s13;
	[tilespmem:s1+$0x20] =	vst v50  }
0xbc: {  	v29 =	vld [tilespmem:s8+$0x4C50];
	[tilespmem:s10+$0x9000] =	vst v54  }
0xbd: {  	v30 =	vld [tilespmem:s8+$0x4C60];
	s15 =	sor.u32 $0x1030, s13;
	[tilespmem:s1+$0x30] =	vst v51  }
0xbe: {  	v31 =	vld [tilespmem:s8+$0x4C70];
	[tilespmem:s15+$0x9000] =	vst v55  }
0xbf: {  	v32 =	vld [tilespmem:s14+$0x400]  }
0xc0: {  	[tilespmem:s0+$0xC00] =	vst v40;
	s10 =	sor.u32 $0x1C00, s12;
	v33 =	vld [tilespmem:s14+$0x410]  }
0xc1: {  	[tilespmem:s10+$0x9000] =	vst v44;
	v34 =	vld [tilespmem:s14+$0x420]  }
0xc2: {  	s8 =	sld [smem:s26+$0x1];
	[tilespmem:s0+$0xC10] =	vst v41;
	s15 =	sor.u32 $0x1C10, s12;
	v35 =	vld [tilespmem:s14+$0x430]  }
0xc3: {  	[tilespmem:s15+$0x9000] =	vst v45;
	v36 =	vld [tilespmem:s9+$0x4400]  }
0xc4: {  	s10 =	sor.u32 $0x1C20, s12;
	v37 =	vld [tilespmem:s9+$0x4410];
	[tilespmem:s0+$0xC20] =	vst v42  }
0xc5: {  	s5 =	sshll.u32 s8, $0x9;
	v38 =	vld [tilespmem:s9+$0x4420];
	[tilespmem:s10+$0x9000] =	vst v46;
	s10 =	sshll.u32 s8, $0x7  }
0xc6: {  	s5 =	sand.u32 $0x3000, s5;
	v39 =	vld [tilespmem:s9+$0x4430];
	[tilespmem:s1+$0x40] =	vst v56;
	s10 =	sand.u32 $0x380, s10  }
0xc7: {  	s15 =	sor.u32 $0x1C30, s12;
	[tilespmem:s0+$0xC30] =	vst v43;
	s5 =	sor.u32 s10, s5  }
0xc8: {  	s8 =	sshra.s32 s8, $0x5;
	[tilespmem:s15+$0x9000] =	vst v47;
	v40 =	vld [tilespmem:s5+$0x0]  }
0xc9: {  	s15 =	sor.u32 $0x1C40, s12;
	s10 =	sshll.u32 s8, $0x9;
	s8 =	sshll.u32 s8, $0x7;
	[tilespmem:s0+$0xC40] =	vst v24;
	v41 =	vld [tilespmem:s5+$0x10]  }
0xca: {  	v42 =	vld [tilespmem:s5+$0x20];
	s10 =	sand.u32 $0xFFFFF000, s10;
	s8 =	sand.u32 $0x380, s8;
	[tilespmem:s15+$0x9000] =	vst v28  }
0xcb: {  	v43 =	vld [tilespmem:s5+$0x30];
	s8 =	sor.u32 s8, s10;
	s10 =	sor.u32 $0x1040, s13;
	[tilespmem:s0+$0xC50] =	vst v25  }
0xcc: {  	v48 =	vld [tilespmem:s5+$0x40];
	s15 =	sor.u32 $0x1C50, s12;
	[tilespmem:s10+$0x9000] =	vst v60  }
0xcd: {  	v49 =	vld [tilespmem:s5+$0x50];
	[tilespmem:s15+$0x9000] =	vst v29  }
0xce: {  	v50 =	vld [tilespmem:s5+$0x60];
	[tilespmem:s1+$0x50] =	vst v57  }
0xcf: {  	v51 =	vld [tilespmem:s5+$0x70];
	s15 =	sor.u32 $0x1C60, s12;
	[tilespmem:s0+$0xC60] =	vst v26  }
0xd0: {  	v44 =	vld [tilespmem:s8+$0x4000];
	[tilespmem:s15+$0x9000] =	vst v30  }
0xd1: {  	v45 =	vld [tilespmem:s8+$0x4010];
	s15 =	sor.u32 $0x1C70, s12;
	s12 =	sor.u32 $0x1050, s13;
	[tilespmem:s0+$0xC70] =	vst v27  }
0xd2: {  	v46 =	vld [tilespmem:s8+$0x4020];
	[tilespmem:s12+$0x9000] =	vst v61  }
0xd3: {  	v47 =	vld [tilespmem:s8+$0x4030];
	[tilespmem:s15+$0x9000] =	vst v31  }
0xd4: {  	v52 =	vld [tilespmem:s8+$0x4040];
	[tilespmem:s1+$0x60] =	vst v58;
	s15 =	sor.u32 $0x1060, s13  }
0xd5: {  	v53 =	vld [tilespmem:s8+$0x4050];
	[tilespmem:s15+$0x9000] =	vst v62  }
0xd6: {  	s10 =	sor.u32 $0x1070, s13;
	v54 =	vld [tilespmem:s8+$0x4060];
	[tilespmem:s1+$0x70] =	vst v59  }
0xd7: {  	v55 =	vld [tilespmem:s8+$0x4070];
	s0 =	sadd.s32 $0x180, s31;
	[tilespmem:s10+$0x9000] =	vst v63  }
0xd8: {  	[tilespmem:s30+$0x180] =	vst v40;
	s12 =	sor.u32 $0x1000, s0;
	v56 =	vld [tilespmem:s14+$0x440]  }
0xd9: {  	[tilespmem:s12+$0x9000] =	vst v44;
	v57 =	vld [tilespmem:s14+$0x450]  }
0xda: {  	s15 =	sor.u32 $0x1010, s0;
	[tilespmem:s30+$0x190] =	vst v41;
	v58 =	vld [tilespmem:s14+$0x460]  }
0xdb: {  	[tilespmem:s15+$0x9000] =	vst v45;
	v59 =	vld [tilespmem:s14+$0x470]  }
0xdc: {  	s31 =	sor.u32 $0x1020, s0;
	[tilespmem:s30+$0x1A0] =	vst v42;
	v60 =	vld [tilespmem:s9+$0x4440]  }
0xdd: {  	v61 =	vld [tilespmem:s9+$0x4450];
	[tilespmem:s31+$0x9000] =	vst v46  }
0xde: {  	s12 =	sor.u32 $0x1030, s0;
	v62 =	vld [tilespmem:s9+$0x4460];
	[tilespmem:s30+$0x1B0] =	vst v43  }
0xdf: {  	v63 =	vld [tilespmem:s9+$0x4470];
	[tilespmem:s12+$0x9000] =	vst v47  }
0xe0: {  	s15 =	sor.u32 $0x1400, s13;
	[tilespmem:s1+$0x400] =	vst v32;
	v24 =	vld [tilespmem:s5+$0x400]  }
0xe1: {  	[tilespmem:s15+$0x9000] =	vst v36;
	v25 =	vld [tilespmem:s5+$0x410]  }
0xe2: {  	s31 =	sor.u32 $0x1410, s13;
	[tilespmem:s1+$0x410] =	vst v33;
	v26 =	vld [tilespmem:s5+$0x420]  }
0xe3: {  	[tilespmem:s31+$0x9000] =	vst v37;
	v27 =	vld [tilespmem:s5+$0x430]  }
0xe4: {  	s12 =	sor.u32 $0x1420, s13;
	[tilespmem:s1+$0x420] =	vst v34;
	v28 =	vld [tilespmem:s8+$0x4400]  }
0xe5: {  	v29 =	vld [tilespmem:s8+$0x4410];
	[tilespmem:s12+$0x9000] =	vst v38  }
0xe6: {  	s15 =	sor.u32 $0x1430, s13;
	v30 =	vld [tilespmem:s8+$0x4420];
	[tilespmem:s1+$0x430] =	vst v35  }
0xe7: {  	v31 =	vld [tilespmem:s8+$0x4430];
	[tilespmem:s15+$0x9000] =	vst v39  }
0xe8: {  	s31 =	sor.u32 $0x1040, s0;
	[tilespmem:s30+$0x1C0] =	vst v48;
	v32 =	vld [tilespmem:s14+$0x800]  }
0xe9: {  	[tilespmem:s31+$0x9000] =	vst v52;
	v33 =	vld [tilespmem:s14+$0x810]  }
0xea: {  	s12 =	sor.u32 $0x1050, s0;
	[tilespmem:s30+$0x1D0] =	vst v49;
	v34 =	vld [tilespmem:s14+$0x820]  }
0xeb: {  	[tilespmem:s12+$0x9000] =	vst v53;
	v35 =	vld [tilespmem:s14+$0x830]  }
0xec: {  	s15 =	sor.u32 $0x1060, s0;
	[tilespmem:s30+$0x1E0] =	vst v50;
	v36 =	vld [tilespmem:s9+$0x4800]  }
0xed: {  	v37 =	vld [tilespmem:s9+$0x4810];
	[tilespmem:s15+$0x9000] =	vst v54  }
0xee: {  	s31 =	sor.u32 $0x1070, s0;
	v38 =	vld [tilespmem:s9+$0x4820];
	[tilespmem:s30+$0x1F0] =	vst v51  }
0xef: {  	v39 =	vld [tilespmem:s9+$0x4830];
	[tilespmem:s31+$0x9000] =	vst v55  }
0xf0: {  	s12 =	sor.u32 $0x1440, s13;
	[tilespmem:s1+$0x440] =	vst v56;
	v40 =	vld [tilespmem:s5+$0x440]  }
0xf1: {  	[tilespmem:s12+$0x9000] =	vst v60;
	v41 =	vld [tilespmem:s5+$0x450]  }
0xf2: {  	s15 =	sor.u32 $0x1450, s13;
	[tilespmem:s1+$0x450] =	vst v57;
	v42 =	vld [tilespmem:s5+$0x460]  }
0xf3: {  	[tilespmem:s15+$0x9000] =	vst v61;
	v43 =	vld [tilespmem:s5+$0x470]  }
0xf4: {  	s31 =	sor.u32 $0x1460, s13;
	[tilespmem:s1+$0x460] =	vst v58;
	v44 =	vld [tilespmem:s8+$0x4440]  }
0xf5: {  	v45 =	vld [tilespmem:s8+$0x4450];
	[tilespmem:s31+$0x9000] =	vst v62  }
0xf6: {  	s12 =	sor.u32 $0x1470, s13;
	v46 =	vld [tilespmem:s8+$0x4460];
	[tilespmem:s1+$0x470] =	vst v59  }
0xf7: {  	v47 =	vld [tilespmem:s8+$0x4470];
	[tilespmem:s12+$0x9000] =	vst v63  }
0xf8: {  	s15 =	sor.u32 $0x1400, s0;
	[tilespmem:s30+$0x580] =	vst v24;
	v48 =	vld [tilespmem:s14+$0x840]  }
0xf9: {  	[tilespmem:s15+$0x9000] =	vst v28;
	v49 =	vld [tilespmem:s14+$0x850]  }
0xfa: {  	s31 =	sor.u32 $0x1410, s0;
	[tilespmem:s30+$0x590] =	vst v25;
	v50 =	vld [tilespmem:s14+$0x860]  }
0xfb: {  	[tilespmem:s31+$0x9000] =	vst v29;
	v51 =	vld [tilespmem:s14+$0x870]  }
0xfc: {  	s12 =	sor.u32 $0x1420, s0;
	[tilespmem:s30+$0x5A0] =	vst v26;
	v52 =	vld [tilespmem:s9+$0x4840]  }
0xfd: {  	v53 =	vld [tilespmem:s9+$0x4850];
	[tilespmem:s12+$0x9000] =	vst v30  }
0xfe: {  	s15 =	sor.u32 $0x1430, s0;
	v54 =	vld [tilespmem:s9+$0x4860];
	[tilespmem:s30+$0x5B0] =	vst v27  }
0xff: {  	v55 =	vld [tilespmem:s9+$0x4870];
	[tilespmem:s15+$0x9000] =	vst v31  }
0x100: {  	s31 =	sor.u32 $0x1800, s13;
	[tilespmem:s1+$0x800] =	vst v32;
	v56 =	vld [tilespmem:s5+$0x800]  }
0x101: {  	[tilespmem:s31+$0x9000] =	vst v36;
	v57 =	vld [tilespmem:s5+$0x810]  }
0x102: {  	s12 =	sor.u32 $0x1810, s13;
	[tilespmem:s1+$0x810] =	vst v33;
	v58 =	vld [tilespmem:s5+$0x820]  }
0x103: {  	[tilespmem:s12+$0x9000] =	vst v37;
	v59 =	vld [tilespmem:s5+$0x830]  }
0x104: {  	s15 =	sor.u32 $0x1820, s13;
	[tilespmem:s1+$0x820] =	vst v34;
	v60 =	vld [tilespmem:s8+$0x4800]  }
0x105: {  	v61 =	vld [tilespmem:s8+$0x4810];
	[tilespmem:s15+$0x9000] =	vst v38  }
0x106: {  	s31 =	sor.u32 $0x1830, s13;
	v62 =	vld [tilespmem:s8+$0x4820];
	[tilespmem:s1+$0x830] =	vst v35  }
0x107: {  	v63 =	vld [tilespmem:s8+$0x4830];
	[tilespmem:s31+$0x9000] =	vst v39  }
0x108: {  	s12 =	sor.u32 $0x1440, s0;
	[tilespmem:s30+$0x5C0] =	vst v40;
	v24 =	vld [tilespmem:s14+$0xC00]  }
0x109: {  	[tilespmem:s12+$0x9000] =	vst v44;
	v25 =	vld [tilespmem:s14+$0xC10]  }
0x10a: {  	s15 =	sor.u32 $0x1450, s0;
	[tilespmem:s30+$0x5D0] =	vst v41;
	v26 =	vld [tilespmem:s14+$0xC20]  }
0x10b: {  	[tilespmem:s15+$0x9000] =	vst v45;
	v27 =	vld [tilespmem:s14+$0xC30]  }
0x10c: {  	s31 =	sor.u32 $0x1460, s0;
	[tilespmem:s30+$0x5E0] =	vst v42;
	v28 =	vld [tilespmem:s9+$0x4C00]  }
0x10d: {  	v29 =	vld [tilespmem:s9+$0x4C10];
	[tilespmem:s31+$0x9000] =	vst v46  }
0x10e: {  	s12 =	sor.u32 $0x1470, s0;
	v30 =	vld [tilespmem:s9+$0x4C20];
	[tilespmem:s30+$0x5F0] =	vst v43  }
0x10f: {  	v31 =	vld [tilespmem:s9+$0x4C30];
	[tilespmem:s12+$0x9000] =	vst v47  }
0x110: {  	s15 =	sor.u32 $0x1840, s13;
	[tilespmem:s1+$0x840] =	vst v48;
	v32 =	vld [tilespmem:s5+$0x840]  }
0x111: {  	[tilespmem:s15+$0x9000] =	vst v52;
	v33 =	vld [tilespmem:s5+$0x850]  }
0x112: {  	s31 =	sor.u32 $0x1850, s13;
	[tilespmem:s1+$0x850] =	vst v49;
	v34 =	vld [tilespmem:s5+$0x860]  }
0x113: {  	[tilespmem:s31+$0x9000] =	vst v53;
	v35 =	vld [tilespmem:s5+$0x870]  }
0x114: {  	s12 =	sor.u32 $0x1860, s13;
	[tilespmem:s1+$0x860] =	vst v50;
	v36 =	vld [tilespmem:s8+$0x4840]  }
0x115: {  	v37 =	vld [tilespmem:s8+$0x4850];
	[tilespmem:s12+$0x9000] =	vst v54  }
0x116: {  	s15 =	sor.u32 $0x1870, s13;
	v38 =	vld [tilespmem:s8+$0x4860];
	[tilespmem:s1+$0x870] =	vst v51  }
0x117: {  	v39 =	vld [tilespmem:s8+$0x4870];
	[tilespmem:s15+$0x9000] =	vst v55  }
0x118: {  	s31 =	sor.u32 $0x1800, s0;
	[tilespmem:s30+$0x980] =	vst v56;
	v40 =	vld [tilespmem:s14+$0xC40]  }
0x119: {  	[tilespmem:s31+$0x9000] =	vst v60;
	v41 =	vld [tilespmem:s14+$0xC50]  }
0x11a: {  	s12 =	sor.u32 $0x1810, s0;
	[tilespmem:s30+$0x990] =	vst v57;
	v42 =	vld [tilespmem:s14+$0xC60]  }
0x11b: {  	[tilespmem:s12+$0x9000] =	vst v61;
	v43 =	vld [tilespmem:s14+$0xC70]  }
0x11c: {  	[tilespmem:s30+$0x9A0] =	vst v58;
	v44 =	vld [tilespmem:s9+$0x4C40];
	s14 =	sor.u32 $0x1820, s0  }
0x11d: {  	v45 =	vld [tilespmem:s9+$0x4C50];
	[tilespmem:s14+$0x9000] =	vst v62  }
0x11e: {  	s15 =	sor.u32 $0x1830, s0;
	v46 =	vld [tilespmem:s9+$0x4C60];
	[tilespmem:s30+$0x9B0] =	vst v59  }
0x11f: {  	v47 =	vld [tilespmem:s9+$0x4C70];
	[tilespmem:s15+$0x9000] =	vst v63  }
0x120: {  	v48 =	vld [tilespmem:s5+$0xC00]  }
0x121: {  	v49 =	vld [tilespmem:s5+$0xC10]  }
0x122: {  	s31 =	sor.u32 $0x1C00, s13;
	[tilespmem:s1+$0xC00] =	vst v24;
	v50 =	vld [tilespmem:s5+$0xC20]  }
0x123: {  	[tilespmem:s31+$0x9000] =	vst v28;
	v51 =	vld [tilespmem:s5+$0xC30]  }
0x124: {  	s10 =	sor.u32 $0x1C10, s13;
	[tilespmem:s1+$0xC10] =	vst v25;
	v52 =	vld [tilespmem:s8+$0x4C00]  }
0x125: {  	[tilespmem:s10+$0x9000] =	vst v29;
	v53 =	vld [tilespmem:s8+$0x4C10]  }
0x126: {  	[tilespmem:s1+$0xC20] =	vst v26;
	v54 =	vld [tilespmem:s8+$0x4C20]  }
0x127: {  	s12 =	sor.u32 $0x1C20, s13;
	v55 =	vld [tilespmem:s8+$0x4C30];
	[tilespmem:s30+$0x9C0] =	vst v32  }
0x128: {  	s15 =	sor.u32 $0x1840, s0;
	[tilespmem:s12+$0x9000] =	vst v30  }
0x129: {  	[tilespmem:s15+$0x9000] =	vst v36  }
0x12a: {  	s31 =	sor.u32 $0x1850, s0;
	[tilespmem:s30+$0x9D0] =	vst v33  }
0x12b: {  	[tilespmem:s31+$0x9000] =	vst v37  }
0x12c: {  	s10 =	sor.u32 $0x1860, s0;
	[tilespmem:s30+$0x9E0] =	vst v34  }
0x12d: {  	[tilespmem:s10+$0x9000] =	vst v38  }
0x12e: {  	s12 =	sor.u32 $0x1870, s0;
	[tilespmem:s30+$0x9F0] =	vst v35  }
0x12f: {  	[tilespmem:s12+$0x9000] =	vst v39  }
0x130: {  	s14 =	sor.u32 $0x1C30, s13;
	[tilespmem:s1+$0xC30] =	vst v27;
	v56 =	vld [tilespmem:s5+$0xC40]  }
0x131: {  	[tilespmem:s14+$0x9000] =	vst v31;
	v57 =	vld [tilespmem:s5+$0xC50]  }
0x132: {  	s14 =	sor.u32 $0x1C40, s13;
	[tilespmem:s1+$0xC40] =	vst v40;
	v58 =	vld [tilespmem:s5+$0xC60]  }
0x133: {  	[tilespmem:s14+$0x9000] =	vst v44;
	v59 =	vld [tilespmem:s5+$0xC70]  }
0x134: {  	s15 =	sor.u32 $0x1C50, s13;
	[tilespmem:s1+$0xC50] =	vst v41;
	v60 =	vld [tilespmem:s8+$0x4C40]  }
0x135: {  	[tilespmem:s15+$0x9000] =	vst v45;
	v61 =	vld [tilespmem:s8+$0x4C50]  }
0x136: {  	[tilespmem:s1+$0xC60] =	vst v42;
	v62 =	vld [tilespmem:s8+$0x4C60]  }
0x137: {  	s31 =	sor.u32 $0x1C60, s13;
	v63 =	vld [tilespmem:s8+$0x4C70];
	[tilespmem:s30+$0xD80] =	vst v48  }
0x138: {  	s9 =	sor.u32 $0x1C00, s0;
	[tilespmem:s31+$0x9000] =	vst v46  }
0x139: {  	[tilespmem:s9+$0x9000] =	vst v52  }
0x13a: {  	[tilespmem:s1+$0xC70] =	vst v43  }
0x13b: {  	s5 =	sor.u32 $0x1C70, s13;
	[tilespmem:s30+$0xD90] =	vst v49  }
0x13c: {  	s10 =	sor.u32 $0x1C10, s0;
	[tilespmem:s5+$0x9000] =	vst v47  }
0x13d: {  	[tilespmem:s10+$0x9000] =	vst v53  }
0x13e: {  	s12 =	sor.u32 $0x1C20, s0;
	[tilespmem:s30+$0xDA0] =	vst v50  }
0x13f: {  	[tilespmem:s12+$0x9000] =	vst v54  }
0x140: {  	s13 =	sor.u32 $0x1C30, s0;
	[tilespmem:s30+$0xDB0] =	vst v51  }
0x141: {  	[tilespmem:s13+$0x9000] =	vst v55  }
0x142: {  	s14 =	sor.u32 $0x1C40, s0;
	[tilespmem:s30+$0xDC0] =	vst v56  }
0x143: {  	s24 =	sadd.s32 $0x4, s24;
	[tilespmem:s14+$0x9000] =	vst v60  }
0x144: {  	p2 =	slt.u32 s24, $0x1C;
	s15 =	sor.u32 $0x1C50, s0;
	[tilespmem:s30+$0xDD0] =	vst v57  }
.Ltmp0:
0x145: {  	[tilespmem:s15+$0x9000] =	vst v61;
	(pc) =	sbr.rel @p2 .LBB2_3-.Ltmp0, $4  }
0x146: {  	s31 =	sor.u32 $0x1C60, s0;
	[tilespmem:s30+$0xDE0] =	vst v58  }
0x147: {  	p1 =	por !p1, !p1;
	[tilespmem:s31+$0x9000] =	vst v62  }
0x148: {  	s23 =	sadd.s32 $0x4, s23;
	s28 =	sadd.s32 $0x2, s28;
	s0 =	sor.u32 $0x1C70, s0;
	[tilespmem:s30+$0xDF0] =	vst v59  }
0x149: {  	s29 =	sadd.s32 $0x1000, s29;
	s25 =	sadd.s32 $0x200, s25;
	s26 =	sadd.s32 $0x4, s26;
	[tilespmem:s0+$0x9000] =	vst v63  }
0x14a: {  	s0 =	sadd.s32 s3, s21  }
0x14b: {  	s0 =	sshll.u32 s0, $0x7  }
0x14c: {  	s0 =	sadd.s32 s2, s0  }
0x14d: {  	[hbm4b:s0+s4] =	stream.linear.scatter [tilespmem:s16], [sflag:$0x1], $0x8000, $0x38;
	[tilespmem:$0x19000] =	vst v63  }
0x14e: {  	s21 =	sor.u32 $0x20, s21;
	s0 =	simm.s32 @!p0 $0x2  }
0x14f: {  	s1 =	sand.u32 $0x60, s21;
	_ =	swait.ge @!p0 [sflag:s0], $0x8000  }
0x150: {  	s1 =	sadd.s32 s1, s22;
	[sflag:s0] =	ssyncset.done @!p0 $0x0  }
0x151: {  	s22 =	simm.s32 $0x0;
	s31 =	sadd.s32 s6, s1;
	[sflag:s0] =	ssyncadd.s32 @!p0 $0xFFFF8000  }
0x152: {  	[smem:s22], [sflag:$0x3] =	stream.linear.gather [spmem:s31], $0x20, $0x38;
	[tilespmem:$0x19000] =	vst v63  }
0x153: {  	s23 =	simm.s32 $0xFFFFFFFC;
	s24 =	simm.s32 $0x100;
	_ =	swait.ge [sflag:s11], $0x20  }
0x154: {  	s25 =	simm.s32 $0x2;
	s26 =	simm.s32 $0x0;
	[sflag:s11] =	ssyncset.done $0x0  }
0x155: {  	s28 =	simm.s32 $0x0;
	p0 =	por $0x0, $0x0;
	[sflag:s11] =	ssyncadd.s32 $0xFFFFFFE0  }
.LBB2_5:
0x156: {  	s0 =	sld [smem:s25+$0xFFFFFFFE];
	_ =	sdelay $0x2  }
0x157: {  	s1 =	sshll.u32 s0, $0x9;
	s5 =	sshll.u32 s0, $0x7  }
0x158: {  	s1 =	sand.u32 $0x3000, s1;
	s5 =	sand.u32 $0x380, s5  }
0x159: {  	s9 =	sor.u32 s5, s1  }
0x15a: {  	v0 =	vld [tilespmem:s9+$0x0]  }
0x15b: {  	v1 =	vld [tilespmem:s9+$0x10]  }
0x15c: {  	v2 =	vld [tilespmem:s9+$0x20]  }
0x15d: {  	v3 =	vld [tilespmem:s9+$0x30]  }
0x15e: {  	s0 =	sshra.s32 s0, $0x5;
	v8 =	vld [tilespmem:s9+$0x40]  }
0x15f: {  	s29 =	sshll.u32 s0, $0x9;
	s0 =	sshll.u32 s0, $0x7;
	v9 =	vld [tilespmem:s9+$0x50]  }
0x160: {  	s1 =	sand.u32 $0xFFFFF000, s29;
	s0 =	sand.u32 $0x380, s0;
	v10 =	vld [tilespmem:s9+$0x60]  }
0x161: {  	s13 =	sor.u32 s0, s1;
	v11 =	vld [tilespmem:s9+$0x70]  }
0x162: {  	v4 =	vld [tilespmem:s13+$0x4000]  }
0x163: {  	v5 =	vld [tilespmem:s13+$0x4010]  }
0x164: {  	v6 =	vld [tilespmem:s13+$0x4020]  }
0x165: {  	v7 =	vld [tilespmem:s13+$0x4030]  }
0x166: {  	s0 =	simm.s32 $0x1;
	v12 =	vld [tilespmem:s13+$0x4040]  }
0x167: {  	s30 =	sand.u32 $0x6000, s28;
	s31 =	sadd.s32 $0xFFFFFF00, s24;
	s0 =	simm.s32 @!p0 $0x0;
	v13 =	vld [tilespmem:s13+$0x4050]  }
0x168: {  	s5 =	sand.u32 $0x200, s31;
	v14 =	vld [tilespmem:s13+$0x4060];
	s8 =	sshll.u32 s0, $0x9;
	s0 =	sor.u32 $0x11000, s30  }
0x169: {  	v15 =	vld [tilespmem:s13+$0x4070];
	s14 =	sld [smem:s25+$0xFFFFFFFF];
	s29 =	sor.u32 s5, s0;
	s30 =	sadd.s32 s8, s28  }
0x16a: {  	s5 =	sor.u32 $0x1000, s30;
	[tilespmem:s29+$0x0] =	vst v0  }
0x16b: {  	[tilespmem:s5+$0x11000] =	vst v4  }
0x16c: {  	s8 =	sor.u32 $0x1010, s30;
	s15 =	sshll.u32 s14, $0x9;
	s31 =	sshll.u32 s14, $0x7;
	[tilespmem:s29+$0x10] =	vst v1  }
0x16d: {  	s5 =	sand.u32 $0x3000, s15;
	[tilespmem:s8+$0x11000] =	vst v5;
	s8 =	sand.u32 $0x380, s31  }
0x16e: {  	s5 =	sor.u32 s8, s5  }
0x16f: {  	v16 =	vld [tilespmem:s5+$0x0]  }
0x170: {  	v17 =	vld [tilespmem:s5+$0x10]  }
0x171: {  	v18 =	vld [tilespmem:s5+$0x20]  }
0x172: {  	v19 =	vld [tilespmem:s5+$0x30]  }
0x173: {  	s10 =	sor.u32 $0x1020, s30;
	[tilespmem:s29+$0x20] =	vst v2;
	v40 =	vld [tilespmem:s5+$0x40]  }
0x174: {  	[tilespmem:s10+$0x11000] =	vst v6;
	v41 =	vld [tilespmem:s5+$0x50]  }
0x175: {  	s12 =	sor.u32 $0x1030, s30;
	v42 =	vld [tilespmem:s5+$0x60];
	[tilespmem:s29+$0x30] =	vst v3  }
0x176: {  	v43 =	vld [tilespmem:s5+$0x70];
	[tilespmem:s12+$0x11000] =	vst v7  }
0x177: {  	v0 =	vld [tilespmem:s9+$0x400]  }
0x178: {  	v1 =	vld [tilespmem:s9+$0x410]  }
0x179: {  	v2 =	vld [tilespmem:s9+$0x420]  }
0x17a: {  	v3 =	vld [tilespmem:s9+$0x430]  }
0x17b: {  	s1 =	sshra.s32 s14, $0x5;
	v4 =	vld [tilespmem:s13+$0x4400]  }
0x17c: {  	s10 =	sshll.u32 s1, $0x9;
	s1 =	sshll.u32 s1, $0x7;
	v5 =	vld [tilespmem:s13+$0x4410]  }
0x17d: {  	s8 =	sand.u32 $0xFFFFF000, s10;
	s1 =	sand.u32 $0x380, s1;
	v6 =	vld [tilespmem:s13+$0x4420]  }
0x17e: {  	s8 =	sor.u32 s1, s8;
	v7 =	vld [tilespmem:s13+$0x4430]  }
0x17f: {  	s12 =	sor.u32 $0x1040, s30;
	v20 =	vld [tilespmem:s8+$0x4000];
	[tilespmem:s29+$0x40] =	vst v8  }
0x180: {  	v21 =	vld [tilespmem:s8+$0x4010];
	[tilespmem:s12+$0x11000] =	vst v12  }
0x181: {  	s14 =	sor.u32 $0x1050, s30;
	v22 =	vld [tilespmem:s8+$0x4020];
	[tilespmem:s29+$0x50] =	vst v9  }
0x182: {  	v23 =	vld [tilespmem:s8+$0x4030];
	[tilespmem:s14+$0x11000] =	vst v13  }
0x183: {  	s15 =	sand.u32 $0x7, s22;
	s10 =	sor.u32 $0x1060, s30;
	v44 =	vld [tilespmem:s8+$0x4040];
	[tilespmem:s29+$0x60] =	vst v10  }
0x184: {  	s31 =	sadd.s32 $0xFFFFFF80, s24;
	s1 =	sshll.u32 s15, $0x7;
	v45 =	vld [tilespmem:s8+$0x4050];
	[tilespmem:s10+$0x11000] =	vst v14  }
0x185: {  	v46 =	vld [tilespmem:s8+$0x4060];
	s12 =	sadd.s32 s28, s1;
	s14 =	sor.u32 $0x1070, s30;
	s10 =	sand.u32 $0x280, s31;
	[tilespmem:s29+$0x70] =	vst v11  }
0x186: {  	v47 =	vld [tilespmem:s8+$0x4070];
	s12 =	sadd.s32 $0x80, s12;
	s1 =	sor.u32 s10, s0;
	[tilespmem:s14+$0x11000] =	vst v15  }
0x187: {  	s15 =	sor.u32 $0x1000, s12;
	[tilespmem:s1+$0x0] =	vst v16;
	v48 =	vld [tilespmem:s9+$0x440]  }
0x188: {  	[tilespmem:s15+$0x11000] =	vst v20;
	v49 =	vld [tilespmem:s9+$0x450]  }
0x189: {  	s31 =	sor.u32 $0x1010, s12;
	v50 =	vld [tilespmem:s9+$0x460];
	[tilespmem:s1+$0x10] =	vst v17  }
0x18a: {  	v51 =	vld [tilespmem:s9+$0x470];
	[tilespmem:s31+$0x11000] =	vst v21  }
0x18b: {  	s14 =	sor.u32 $0x1020, s12;
	v52 =	vld [tilespmem:s13+$0x4440];
	[tilespmem:s1+$0x20] =	vst v18  }
0x18c: {  	v53 =	vld [tilespmem:s13+$0x4450];
	[tilespmem:s14+$0x11000] =	vst v22  }
0x18d: {  	v54 =	vld [tilespmem:s13+$0x4460];
	s15 =	sor.u32 $0x1030, s12;
	[tilespmem:s1+$0x30] =	vst v19  }
0x18e: {  	v55 =	vld [tilespmem:s13+$0x4470];
	[tilespmem:s15+$0x11000] =	vst v23  }
0x18f: {  	[tilespmem:s29+$0x400] =	vst v0;
	s31 =	sor.u32 $0x1400, s30;
	v56 =	vld [tilespmem:s5+$0x400]  }
0x190: {  	[tilespmem:s31+$0x11000] =	vst v4;
	v57 =	vld [tilespmem:s5+$0x410]  }
0x191: {  	[tilespmem:s29+$0x410] =	vst v1;
	s14 =	sor.u32 $0x1410, s30;
	v58 =	vld [tilespmem:s5+$0x420]  }
0x192: {  	[tilespmem:s14+$0x11000] =	vst v5;
	v59 =	vld [tilespmem:s5+$0x430]  }
0x193: {  	[tilespmem:s29+$0x420] =	vst v2;
	s15 =	sor.u32 $0x1420, s30;
	v60 =	vld [tilespmem:s8+$0x4400]  }
0x194: {  	[tilespmem:s15+$0x11000] =	vst v6;
	v61 =	vld [tilespmem:s8+$0x4410]  }
0x195: {  	s31 =	sor.u32 $0x1430, s30;
	v62 =	vld [tilespmem:s8+$0x4420];
	[tilespmem:s29+$0x430] =	vst v3  }
0x196: {  	v63 =	vld [tilespmem:s8+$0x4430];
	[tilespmem:s31+$0x11000] =	vst v7  }
0x197: {  	s14 =	sor.u32 $0x1040, s12;
	[tilespmem:s1+$0x40] =	vst v40;
	v24 =	vld [tilespmem:s9+$0x800]  }
0x198: {  	[tilespmem:s14+$0x11000] =	vst v44;
	v25 =	vld [tilespmem:s9+$0x810]  }
0x199: {  	s15 =	sor.u32 $0x1050, s12;
	[tilespmem:s1+$0x50] =	vst v41;
	v26 =	vld [tilespmem:s9+$0x820]  }
0x19a: {  	[tilespmem:s15+$0x11000] =	vst v45;
	v27 =	vld [tilespmem:s9+$0x830]  }
0x19b: {  	s31 =	sor.u32 $0x1060, s12;
	v28 =	vld [tilespmem:s13+$0x4800];
	[tilespmem:s1+$0x60] =	vst v42  }
0x19c: {  	v29 =	vld [tilespmem:s13+$0x4810];
	[tilespmem:s31+$0x11000] =	vst v46  }
0x19d: {  	s14 =	sor.u32 $0x1070, s12;
	v30 =	vld [tilespmem:s13+$0x4820];
	[tilespmem:s1+$0x70] =	vst v43  }
0x19e: {  	v31 =	vld [tilespmem:s13+$0x4830];
	[tilespmem:s14+$0x11000] =	vst v47  }
0x19f: {  	[tilespmem:s29+$0x440] =	vst v48;
	s15 =	sor.u32 $0x1440, s30;
	v32 =	vld [tilespmem:s5+$0x440]  }
0x1a0: {  	[tilespmem:s15+$0x11000] =	vst v52;
	v33 =	vld [tilespmem:s5+$0x450]  }
0x1a1: {  	[tilespmem:s29+$0x450] =	vst v49;
	s31 =	sor.u32 $0x1450, s30;
	v34 =	vld [tilespmem:s5+$0x460]  }
0x1a2: {  	[tilespmem:s31+$0x11000] =	vst v53;
	v35 =	vld [tilespmem:s5+$0x470]  }
0x1a3: {  	[tilespmem:s29+$0x460] =	vst v50;
	s14 =	sor.u32 $0x1460, s30;
	v36 =	vld [tilespmem:s8+$0x4440]  }
0x1a4: {  	[tilespmem:s14+$0x11000] =	vst v54;
	v37 =	vld [tilespmem:s8+$0x4450]  }
0x1a5: {  	s15 =	sor.u32 $0x1470, s30;
	v38 =	vld [tilespmem:s8+$0x4460];
	[tilespmem:s29+$0x470] =	vst v51  }
0x1a6: {  	v39 =	vld [tilespmem:s8+$0x4470];
	[tilespmem:s15+$0x11000] =	vst v55  }
0x1a7: {  	s31 =	sor.u32 $0x1400, s12;
	[tilespmem:s1+$0x400] =	vst v56;
	v40 =	vld [tilespmem:s9+$0x840]  }
0x1a8: {  	[tilespmem:s31+$0x11000] =	vst v60;
	v41 =	vld [tilespmem:s9+$0x850]  }
0x1a9: {  	s14 =	sor.u32 $0x1410, s12;
	[tilespmem:s1+$0x410] =	vst v57;
	v42 =	vld [tilespmem:s9+$0x860]  }
0x1aa: {  	[tilespmem:s14+$0x11000] =	vst v61;
	v43 =	vld [tilespmem:s9+$0x870]  }
0x1ab: {  	s15 =	sor.u32 $0x1420, s12;
	v44 =	vld [tilespmem:s13+$0x4840];
	[tilespmem:s1+$0x420] =	vst v58  }
0x1ac: {  	v45 =	vld [tilespmem:s13+$0x4850];
	[tilespmem:s15+$0x11000] =	vst v62  }
0x1ad: {  	s31 =	sor.u32 $0x1430, s12;
	v46 =	vld [tilespmem:s13+$0x4860];
	[tilespmem:s1+$0x430] =	vst v59  }
0x1ae: {  	v47 =	vld [tilespmem:s13+$0x4870];
	[tilespmem:s31+$0x11000] =	vst v63  }
0x1af: {  	[tilespmem:s29+$0x800] =	vst v24;
	s14 =	sor.u32 $0x1800, s30;
	v48 =	vld [tilespmem:s5+$0x800]  }
0x1b0: {  	[tilespmem:s14+$0x11000] =	vst v28;
	v49 =	vld [tilespmem:s5+$0x810]  }
0x1b1: {  	[tilespmem:s29+$0x810] =	vst v25;
	s15 =	sor.u32 $0x1810, s30;
	v50 =	vld [tilespmem:s5+$0x820]  }
0x1b2: {  	[tilespmem:s15+$0x11000] =	vst v29;
	v51 =	vld [tilespmem:s5+$0x830]  }
0x1b3: {  	[tilespmem:s29+$0x820] =	vst v26;
	s31 =	sor.u32 $0x1820, s30;
	v52 =	vld [tilespmem:s8+$0x4800]  }
0x1b4: {  	[tilespmem:s31+$0x11000] =	vst v30;
	v53 =	vld [tilespmem:s8+$0x4810]  }
0x1b5: {  	s14 =	sor.u32 $0x1830, s30;
	v54 =	vld [tilespmem:s8+$0x4820];
	[tilespmem:s29+$0x830] =	vst v27  }
0x1b6: {  	v55 =	vld [tilespmem:s8+$0x4830];
	[tilespmem:s14+$0x11000] =	vst v31  }
0x1b7: {  	s15 =	sor.u32 $0x1440, s12;
	[tilespmem:s1+$0x440] =	vst v32;
	v56 =	vld [tilespmem:s9+$0xC00]  }
0x1b8: {  	[tilespmem:s15+$0x11000] =	vst v36;
	v57 =	vld [tilespmem:s9+$0xC10]  }
0x1b9: {  	s31 =	sor.u32 $0x1450, s12;
	[tilespmem:s1+$0x450] =	vst v33;
	v58 =	vld [tilespmem:s9+$0xC20]  }
0x1ba: {  	[tilespmem:s31+$0x11000] =	vst v37;
	v59 =	vld [tilespmem:s9+$0xC30]  }
0x1bb: {  	s14 =	sor.u32 $0x1460, s12;
	v60 =	vld [tilespmem:s13+$0x4C00];
	[tilespmem:s1+$0x460] =	vst v34  }
0x1bc: {  	v61 =	vld [tilespmem:s13+$0x4C10];
	[tilespmem:s14+$0x11000] =	vst v38  }
0x1bd: {  	s15 =	sor.u32 $0x1470, s12;
	v62 =	vld [tilespmem:s13+$0x4C20];
	[tilespmem:s1+$0x470] =	vst v35  }
0x1be: {  	v63 =	vld [tilespmem:s13+$0x4C30];
	[tilespmem:s15+$0x11000] =	vst v39  }
0x1bf: {  	[tilespmem:s29+$0x840] =	vst v40;
	s31 =	sor.u32 $0x1840, s30;
	v24 =	vld [tilespmem:s5+$0x840]  }
0x1c0: {  	[tilespmem:s31+$0x11000] =	vst v44;
	v25 =	vld [tilespmem:s5+$0x850]  }
0x1c1: {  	[tilespmem:s29+$0x850] =	vst v41;
	s14 =	sor.u32 $0x1850, s30;
	v26 =	vld [tilespmem:s5+$0x860]  }
0x1c2: {  	[tilespmem:s14+$0x11000] =	vst v45;
	v27 =	vld [tilespmem:s5+$0x870]  }
0x1c3: {  	[tilespmem:s29+$0x860] =	vst v42;
	s15 =	sor.u32 $0x1860, s30;
	v28 =	vld [tilespmem:s8+$0x4840]  }
0x1c4: {  	[tilespmem:s15+$0x11000] =	vst v46;
	v29 =	vld [tilespmem:s8+$0x4850]  }
0x1c5: {  	s31 =	sor.u32 $0x1870, s30;
	v30 =	vld [tilespmem:s8+$0x4860];
	[tilespmem:s29+$0x870] =	vst v43  }
0x1c6: {  	v31 =	vld [tilespmem:s8+$0x4870];
	[tilespmem:s31+$0x11000] =	vst v47  }
0x1c7: {  	s14 =	sor.u32 $0x1800, s12;
	[tilespmem:s1+$0x800] =	vst v48;
	v32 =	vld [tilespmem:s9+$0xC40]  }
0x1c8: {  	[tilespmem:s14+$0x11000] =	vst v52;
	v33 =	vld [tilespmem:s9+$0xC50]  }
0x1c9: {  	s15 =	sor.u32 $0x1810, s12;
	[tilespmem:s1+$0x810] =	vst v49;
	v34 =	vld [tilespmem:s9+$0xC60]  }
0x1ca: {  	[tilespmem:s15+$0x11000] =	vst v53;
	v35 =	vld [tilespmem:s9+$0xC70]  }
0x1cb: {  	s31 =	sor.u32 $0x1820, s12;
	v36 =	vld [tilespmem:s13+$0x4C40];
	[tilespmem:s1+$0x820] =	vst v50  }
0x1cc: {  	v37 =	vld [tilespmem:s13+$0x4C50];
	[tilespmem:s31+$0x11000] =	vst v54  }
0x1cd: {  	s10 =	sor.u32 $0x1830, s12;
	v38 =	vld [tilespmem:s13+$0x4C60];
	[tilespmem:s1+$0x830] =	vst v51  }
0x1ce: {  	v39 =	vld [tilespmem:s13+$0x4C70];
	[tilespmem:s10+$0x11000] =	vst v55  }
0x1cf: {  	s14 =	sor.u32 $0x1C00, s30;
	[tilespmem:s29+$0xC00] =	vst v56;
	v40 =	vld [tilespmem:s5+$0xC00]  }
0x1d0: {  	[tilespmem:s14+$0x11000] =	vst v60;
	v41 =	vld [tilespmem:s5+$0xC10]  }
0x1d1: {  	s15 =	sor.u32 $0x1C10, s30;
	[tilespmem:s29+$0xC10] =	vst v57;
	s10 =	sld [smem:s25+$0x0];
	v42 =	vld [tilespmem:s5+$0xC20]  }
0x1d2: {  	[tilespmem:s15+$0x11000] =	vst v61;
	v43 =	vld [tilespmem:s5+$0xC30]  }
0x1d3: {  	s31 =	sor.u32 $0x1C20, s30;
	[tilespmem:s29+$0xC20] =	vst v58;
	v44 =	vld [tilespmem:s8+$0x4C00]  }
0x1d4: {  	[tilespmem:s31+$0x11000] =	vst v62;
	v45 =	vld [tilespmem:s8+$0x4C10];
	s13 =	sshll.u32 s10, $0x9;
	s15 =	sshll.u32 s10, $0x7  }
0x1d5: {  	s14 =	sor.u32 $0x1C30, s30;
	v46 =	vld [tilespmem:s8+$0x4C20];
	[tilespmem:s29+$0xC30] =	vst v59;
	s9 =	sand.u32 $0x3000, s13;
	s13 =	sand.u32 $0x380, s15  }
0x1d6: {  	v47 =	vld [tilespmem:s8+$0x4C30];
	[tilespmem:s14+$0x11000] =	vst v63;
	s14 =	sor.u32 s13, s9  }
0x1d7: {  	[tilespmem:s1+$0x840] =	vst v24;
	v48 =	vld [tilespmem:s14+$0x0]  }
0x1d8: {  	s31 =	sor.u32 $0x1C40, s30;
	[tilespmem:s29+$0xC40] =	vst v32;
	v49 =	vld [tilespmem:s14+$0x10]  }
0x1d9: {  	[tilespmem:s31+$0x11000] =	vst v36;
	v50 =	vld [tilespmem:s14+$0x20]  }
0x1da: {  	s15 =	sor.u32 $0x1C50, s30;
	[tilespmem:s29+$0xC50] =	vst v33;
	v51 =	vld [tilespmem:s14+$0x30]  }
0x1db: {  	s10 =	sshra.s32 s10, $0x5;
	v56 =	vld [tilespmem:s14+$0x40];
	[tilespmem:s15+$0x11000] =	vst v37  }
0x1dc: {  	s13 =	sshll.u32 s10, $0x9;
	s10 =	sshll.u32 s10, $0x7;
	v57 =	vld [tilespmem:s14+$0x50];
	s15 =	sor.u32 $0x1840, s12;
	[tilespmem:s29+$0xC60] =	vst v34  }
0x1dd: {  	s31 =	sor.u32 $0x1C60, s30;
	s9 =	sand.u32 $0xFFFFF000, s13;
	s10 =	sand.u32 $0x380, s10;
	v58 =	vld [tilespmem:s14+$0x60];
	[tilespmem:s15+$0x11000] =	vst v28  }
0x1de: {  	v59 =	vld [tilespmem:s14+$0x70];
	s9 =	sor.u32 s10, s9;
	[tilespmem:s31+$0x11000] =	vst v38  }
0x1df: {  	v52 =	vld [tilespmem:s9+$0x4000];
	[tilespmem:s1+$0x850] =	vst v25  }
0x1e0: {  	v53 =	vld [tilespmem:s9+$0x4010];
	s31 =	sor.u32 $0x1850, s12;
	[tilespmem:s29+$0xC70] =	vst v35  }
0x1e1: {  	s13 =	sor.u32 $0x1C70, s30;
	v54 =	vld [tilespmem:s9+$0x4020];
	[tilespmem:s31+$0x11000] =	vst v29  }
0x1e2: {  	v55 =	vld [tilespmem:s9+$0x4030];
	[tilespmem:s13+$0x11000] =	vst v39  }
0x1e3: {  	s15 =	sor.u32 $0x1860, s12;
	v60 =	vld [tilespmem:s9+$0x4040];
	s13 =	sand.u32 $0x3, s26;
	[tilespmem:s1+$0x860] =	vst v26  }
0x1e4: {  	v61 =	vld [tilespmem:s9+$0x4050];
	s10 =	sshll.u32 s13, $0x8;
	[tilespmem:s15+$0x11000] =	vst v30  }
0x1e5: {  	v62 =	vld [tilespmem:s9+$0x4060];
	s31 =	sor.u32 $0x1870, s12;
	s15 =	sand.u32 $0x300, s24;
	s10 =	sadd.s32 s28, s10;
	[tilespmem:s1+$0x870] =	vst v27  }
0x1e6: {  	v63 =	vld [tilespmem:s9+$0x4070];
	s0 =	sor.u32 s15, s0;
	[tilespmem:s31+$0x11000] =	vst v31;
	s13 =	sadd.s32 $0x100, s10  }
0x1e7: {  	[tilespmem:s0+$0x0] =	vst v48;
	v24 =	vld [tilespmem:s5+$0xC40];
	s10 =	sor.u32 $0x1000, s13  }
0x1e8: {  	v25 =	vld [tilespmem:s5+$0xC50];
	[tilespmem:s10+$0x11000] =	vst v52  }
0x1e9: {  	v26 =	vld [tilespmem:s5+$0xC60];
	s31 =	sor.u32 $0x1010, s13;
	[tilespmem:s0+$0x10] =	vst v49  }
0x1ea: {  	v27 =	vld [tilespmem:s5+$0xC70];
	[tilespmem:s31+$0x11000] =	vst v53  }
0x1eb: {  	v28 =	vld [tilespmem:s8+$0x4C40];
	s15 =	sor.u32 $0x1020, s13;
	[tilespmem:s0+$0x20] =	vst v50  }
0x1ec: {  	v29 =	vld [tilespmem:s8+$0x4C50];
	[tilespmem:s15+$0x11000] =	vst v54  }
0x1ed: {  	v30 =	vld [tilespmem:s8+$0x4C60];
	s31 =	sor.u32 $0x1030, s13;
	[tilespmem:s0+$0x30] =	vst v51  }
0x1ee: {  	v31 =	vld [tilespmem:s8+$0x4C70];
	[tilespmem:s31+$0x11000] =	vst v55  }
0x1ef: {  	v32 =	vld [tilespmem:s14+$0x400]  }
0x1f0: {  	[tilespmem:s1+$0xC00] =	vst v40;
	s10 =	sor.u32 $0x1C00, s12;
	v33 =	vld [tilespmem:s14+$0x410]  }
0x1f1: {  	[tilespmem:s10+$0x11000] =	vst v44;
	v34 =	vld [tilespmem:s14+$0x420]  }
0x1f2: {  	s8 =	sld [smem:s25+$0x1];
	[tilespmem:s1+$0xC10] =	vst v41;
	s15 =	sor.u32 $0x1C10, s12;
	v35 =	vld [tilespmem:s14+$0x430]  }
0x1f3: {  	[tilespmem:s15+$0x11000] =	vst v45;
	v36 =	vld [tilespmem:s9+$0x4400]  }
0x1f4: {  	[tilespmem:s1+$0xC20] =	vst v42;
	s31 =	sor.u32 $0x1C20, s12;
	v37 =	vld [tilespmem:s9+$0x4410]  }
0x1f5: {  	s10 =	sshll.u32 s8, $0x9;
	s15 =	sshll.u32 s8, $0x7;
	[tilespmem:s31+$0x11000] =	vst v46;
	v38 =	vld [tilespmem:s9+$0x4420]  }
0x1f6: {  	s5 =	sand.u32 $0x3000, s10;
	s10 =	sand.u32 $0x380, s15;
	v39 =	vld [tilespmem:s9+$0x4430];
	[tilespmem:s0+$0x40] =	vst v56  }
0x1f7: {  	s31 =	sor.u32 $0x1C30, s12;
	s5 =	sor.u32 s10, s5;
	[tilespmem:s1+$0xC30] =	vst v43  }
0x1f8: {  	v40 =	vld [tilespmem:s5+$0x0];
	[tilespmem:s31+$0x11000] =	vst v47  }
0x1f9: {  	s8 =	sshra.s32 s8, $0x5;
	v41 =	vld [tilespmem:s5+$0x10];
	s31 =	sor.u32 $0x1C40, s12;
	[tilespmem:s1+$0xC40] =	vst v24  }
0x1fa: {  	s15 =	sshll.u32 s8, $0x9;
	s8 =	sshll.u32 s8, $0x7;
	v42 =	vld [tilespmem:s5+$0x20];
	[tilespmem:s31+$0x11000] =	vst v28  }
0x1fb: {  	s10 =	sand.u32 $0xFFFFF000, s15;
	s8 =	sand.u32 $0x380, s8;
	v43 =	vld [tilespmem:s5+$0x30];
	s31 =	sor.u32 $0x1C50, s12;
	[tilespmem:s1+$0xC50] =	vst v25  }
0x1fc: {  	s8 =	sor.u32 s8, s10;
	v48 =	vld [tilespmem:s5+$0x40];
	[tilespmem:s31+$0x11000] =	vst v29  }
0x1fd: {  	s10 =	sor.u32 $0x1C70, s12;
	v49 =	vld [tilespmem:s5+$0x50];
	s31 =	sor.u32 $0x1C60, s12;
	s12 =	sor.u32 $0x1040, s13;
	[tilespmem:s1+$0xC60] =	vst v26  }
0x1fe: {  	v50 =	vld [tilespmem:s5+$0x60];
	[tilespmem:s12+$0x11000] =	vst v60  }
0x1ff: {  	v51 =	vld [tilespmem:s5+$0x70];
	[tilespmem:s31+$0x11000] =	vst v30  }
0x200: {  	v44 =	vld [tilespmem:s8+$0x4000];
	[tilespmem:s0+$0x50] =	vst v57  }
0x201: {  	s15 =	sor.u32 $0x1050, s13;
	v45 =	vld [tilespmem:s8+$0x4010];
	[tilespmem:s1+$0xC70] =	vst v27  }
0x202: {  	v46 =	vld [tilespmem:s8+$0x4020];
	[tilespmem:s15+$0x11000] =	vst v61  }
0x203: {  	v47 =	vld [tilespmem:s8+$0x4030];
	[tilespmem:s10+$0x11000] =	vst v31  }
0x204: {  	v52 =	vld [tilespmem:s8+$0x4040];
	s31 =	sor.u32 $0x1060, s13;
	[tilespmem:s0+$0x60] =	vst v58  }
0x205: {  	v53 =	vld [tilespmem:s8+$0x4050];
	[tilespmem:s31+$0x11000] =	vst v62  }
0x206: {  	v54 =	vld [tilespmem:s8+$0x4060];
	s10 =	sor.u32 $0x1070, s13;
	[tilespmem:s0+$0x70] =	vst v59  }
0x207: {  	v55 =	vld [tilespmem:s8+$0x4070];
	s1 =	sadd.s32 $0x180, s30;
	[tilespmem:s10+$0x11000] =	vst v63  }
0x208: {  	[tilespmem:s29+$0x180] =	vst v40;
	s12 =	sor.u32 $0x1000, s1;
	v56 =	vld [tilespmem:s14+$0x440]  }
0x209: {  	[tilespmem:s12+$0x11000] =	vst v44;
	v57 =	vld [tilespmem:s14+$0x450]  }
0x20a: {  	s15 =	sor.u32 $0x1010, s1;
	[tilespmem:s29+$0x190] =	vst v41;
	v58 =	vld [tilespmem:s14+$0x460]  }
0x20b: {  	[tilespmem:s15+$0x11000] =	vst v45;
	v59 =	vld [tilespmem:s14+$0x470]  }
0x20c: {  	s30 =	sor.u32 $0x1020, s1;
	[tilespmem:s29+$0x1A0] =	vst v42;
	v60 =	vld [tilespmem:s9+$0x4440]  }
0x20d: {  	v61 =	vld [tilespmem:s9+$0x4450];
	[tilespmem:s30+$0x11000] =	vst v46  }
0x20e: {  	s31 =	sor.u32 $0x1030, s1;
	v62 =	vld [tilespmem:s9+$0x4460];
	[tilespmem:s29+$0x1B0] =	vst v43  }
0x20f: {  	v63 =	vld [tilespmem:s9+$0x4470];
	[tilespmem:s31+$0x11000] =	vst v47  }
0x210: {  	s12 =	sor.u32 $0x1400, s13;
	[tilespmem:s0+$0x400] =	vst v32;
	v24 =	vld [tilespmem:s5+$0x400]  }
0x211: {  	[tilespmem:s12+$0x11000] =	vst v36;
	v25 =	vld [tilespmem:s5+$0x410]  }
0x212: {  	s15 =	sor.u32 $0x1410, s13;
	[tilespmem:s0+$0x410] =	vst v33;
	v26 =	vld [tilespmem:s5+$0x420]  }
0x213: {  	[tilespmem:s15+$0x11000] =	vst v37;
	v27 =	vld [tilespmem:s5+$0x430]  }
0x214: {  	s30 =	sor.u32 $0x1420, s13;
	[tilespmem:s0+$0x420] =	vst v34;
	v28 =	vld [tilespmem:s8+$0x4400]  }
0x215: {  	v29 =	vld [tilespmem:s8+$0x4410];
	[tilespmem:s30+$0x11000] =	vst v38  }
0x216: {  	s31 =	sor.u32 $0x1430, s13;
	v30 =	vld [tilespmem:s8+$0x4420];
	[tilespmem:s0+$0x430] =	vst v35  }
0x217: {  	v31 =	vld [tilespmem:s8+$0x4430];
	[tilespmem:s31+$0x11000] =	vst v39  }
0x218: {  	s12 =	sor.u32 $0x1040, s1;
	[tilespmem:s29+$0x1C0] =	vst v48;
	v32 =	vld [tilespmem:s14+$0x800]  }
0x219: {  	[tilespmem:s12+$0x11000] =	vst v52;
	v33 =	vld [tilespmem:s14+$0x810]  }
0x21a: {  	s15 =	sor.u32 $0x1050, s1;
	[tilespmem:s29+$0x1D0] =	vst v49;
	v34 =	vld [tilespmem:s14+$0x820]  }
0x21b: {  	[tilespmem:s15+$0x11000] =	vst v53;
	v35 =	vld [tilespmem:s14+$0x830]  }
0x21c: {  	s30 =	sor.u32 $0x1060, s1;
	[tilespmem:s29+$0x1E0] =	vst v50;
	v36 =	vld [tilespmem:s9+$0x4800]  }
0x21d: {  	v37 =	vld [tilespmem:s9+$0x4810];
	[tilespmem:s30+$0x11000] =	vst v54  }
0x21e: {  	s31 =	sor.u32 $0x1070, s1;
	v38 =	vld [tilespmem:s9+$0x4820];
	[tilespmem:s29+$0x1F0] =	vst v51  }
0x21f: {  	v39 =	vld [tilespmem:s9+$0x4830];
	[tilespmem:s31+$0x11000] =	vst v55  }
0x220: {  	s12 =	sor.u32 $0x1440, s13;
	[tilespmem:s0+$0x440] =	vst v56;
	v40 =	vld [tilespmem:s5+$0x440]  }
0x221: {  	[tilespmem:s12+$0x11000] =	vst v60;
	v41 =	vld [tilespmem:s5+$0x450]  }
0x222: {  	s15 =	sor.u32 $0x1450, s13;
	[tilespmem:s0+$0x450] =	vst v57;
	v42 =	vld [tilespmem:s5+$0x460]  }
0x223: {  	[tilespmem:s15+$0x11000] =	vst v61;
	v43 =	vld [tilespmem:s5+$0x470]  }
0x224: {  	s30 =	sor.u32 $0x1460, s13;
	[tilespmem:s0+$0x460] =	vst v58;
	v44 =	vld [tilespmem:s8+$0x4440]  }
0x225: {  	v45 =	vld [tilespmem:s8+$0x4450];
	[tilespmem:s30+$0x11000] =	vst v62  }
0x226: {  	s31 =	sor.u32 $0x1470, s13;
	v46 =	vld [tilespmem:s8+$0x4460];
	[tilespmem:s0+$0x470] =	vst v59  }
0x227: {  	v47 =	vld [tilespmem:s8+$0x4470];
	[tilespmem:s31+$0x11000] =	vst v63  }
0x228: {  	s12 =	sor.u32 $0x1400, s1;
	[tilespmem:s29+$0x580] =	vst v24;
	v48 =	vld [tilespmem:s14+$0x840]  }
0x229: {  	[tilespmem:s12+$0x11000] =	vst v28;
	v49 =	vld [tilespmem:s14+$0x850]  }
0x22a: {  	s15 =	sor.u32 $0x1410, s1;
	[tilespmem:s29+$0x590] =	vst v25;
	v50 =	vld [tilespmem:s14+$0x860]  }
0x22b: {  	[tilespmem:s15+$0x11000] =	vst v29;
	v51 =	vld [tilespmem:s14+$0x870]  }
0x22c: {  	s30 =	sor.u32 $0x1420, s1;
	[tilespmem:s29+$0x5A0] =	vst v26;
	v52 =	vld [tilespmem:s9+$0x4840]  }
0x22d: {  	v53 =	vld [tilespmem:s9+$0x4850];
	[tilespmem:s30+$0x11000] =	vst v30  }
0x22e: {  	s31 =	sor.u32 $0x1430, s1;
	v54 =	vld [tilespmem:s9+$0x4860];
	[tilespmem:s29+$0x5B0] =	vst v27  }
0x22f: {  	v55 =	vld [tilespmem:s9+$0x4870];
	[tilespmem:s31+$0x11000] =	vst v31  }
0x230: {  	s12 =	sor.u32 $0x1800, s13;
	[tilespmem:s0+$0x800] =	vst v32;
	v56 =	vld [tilespmem:s5+$0x800]  }
0x231: {  	[tilespmem:s12+$0x11000] =	vst v36;
	v57 =	vld [tilespmem:s5+$0x810]  }
0x232: {  	s15 =	sor.u32 $0x1810, s13;
	[tilespmem:s0+$0x810] =	vst v33;
	v58 =	vld [tilespmem:s5+$0x820]  }
0x233: {  	[tilespmem:s15+$0x11000] =	vst v37;
	v59 =	vld [tilespmem:s5+$0x830]  }
0x234: {  	s30 =	sor.u32 $0x1820, s13;
	[tilespmem:s0+$0x820] =	vst v34;
	v60 =	vld [tilespmem:s8+$0x4800]  }
0x235: {  	v61 =	vld [tilespmem:s8+$0x4810];
	[tilespmem:s30+$0x11000] =	vst v38  }
0x236: {  	s31 =	sor.u32 $0x1830, s13;
	v62 =	vld [tilespmem:s8+$0x4820];
	[tilespmem:s0+$0x830] =	vst v35  }
0x237: {  	v63 =	vld [tilespmem:s8+$0x4830];
	[tilespmem:s31+$0x11000] =	vst v39  }
0x238: {  	s12 =	sor.u32 $0x1440, s1;
	[tilespmem:s29+$0x5C0] =	vst v40;
	v24 =	vld [tilespmem:s14+$0xC00]  }
0x239: {  	[tilespmem:s12+$0x11000] =	vst v44;
	v25 =	vld [tilespmem:s14+$0xC10]  }
0x23a: {  	s15 =	sor.u32 $0x1450, s1;
	[tilespmem:s29+$0x5D0] =	vst v41;
	v26 =	vld [tilespmem:s14+$0xC20]  }
0x23b: {  	[tilespmem:s15+$0x11000] =	vst v45;
	v27 =	vld [tilespmem:s14+$0xC30]  }
0x23c: {  	s30 =	sor.u32 $0x1460, s1;
	[tilespmem:s29+$0x5E0] =	vst v42;
	v28 =	vld [tilespmem:s9+$0x4C00]  }
0x23d: {  	v29 =	vld [tilespmem:s9+$0x4C10];
	[tilespmem:s30+$0x11000] =	vst v46  }
0x23e: {  	s31 =	sor.u32 $0x1470, s1;
	v30 =	vld [tilespmem:s9+$0x4C20];
	[tilespmem:s29+$0x5F0] =	vst v43  }
0x23f: {  	v31 =	vld [tilespmem:s9+$0x4C30];
	[tilespmem:s31+$0x11000] =	vst v47  }
0x240: {  	s12 =	sor.u32 $0x1840, s13;
	[tilespmem:s0+$0x840] =	vst v48;
	v32 =	vld [tilespmem:s5+$0x840]  }
0x241: {  	[tilespmem:s12+$0x11000] =	vst v52;
	v33 =	vld [tilespmem:s5+$0x850]  }
0x242: {  	s15 =	sor.u32 $0x1850, s13;
	[tilespmem:s0+$0x850] =	vst v49;
	v34 =	vld [tilespmem:s5+$0x860]  }
0x243: {  	[tilespmem:s15+$0x11000] =	vst v53;
	v35 =	vld [tilespmem:s5+$0x870]  }
0x244: {  	s30 =	sor.u32 $0x1860, s13;
	[tilespmem:s0+$0x860] =	vst v50;
	v36 =	vld [tilespmem:s8+$0x4840]  }
0x245: {  	v37 =	vld [tilespmem:s8+$0x4850];
	[tilespmem:s30+$0x11000] =	vst v54  }
0x246: {  	s31 =	sor.u32 $0x1870, s13;
	v38 =	vld [tilespmem:s8+$0x4860];
	[tilespmem:s0+$0x870] =	vst v51  }
0x247: {  	v39 =	vld [tilespmem:s8+$0x4870];
	[tilespmem:s31+$0x11000] =	vst v55  }
0x248: {  	s12 =	sor.u32 $0x1800, s1;
	[tilespmem:s29+$0x980] =	vst v56;
	v40 =	vld [tilespmem:s14+$0xC40]  }
0x249: {  	[tilespmem:s12+$0x11000] =	vst v60;
	v41 =	vld [tilespmem:s14+$0xC50]  }
0x24a: {  	s15 =	sor.u32 $0x1810, s1;
	[tilespmem:s29+$0x990] =	vst v57;
	v42 =	vld [tilespmem:s14+$0xC60]  }
0x24b: {  	[tilespmem:s15+$0x11000] =	vst v61;
	v43 =	vld [tilespmem:s14+$0xC70]  }
0x24c: {  	s30 =	sor.u32 $0x1820, s1;
	[tilespmem:s29+$0x9A0] =	vst v58;
	v44 =	vld [tilespmem:s9+$0x4C40]  }
0x24d: {  	v45 =	vld [tilespmem:s9+$0x4C50];
	[tilespmem:s30+$0x11000] =	vst v62  }
0x24e: {  	s31 =	sor.u32 $0x1830, s1;
	v46 =	vld [tilespmem:s9+$0x4C60];
	[tilespmem:s29+$0x9B0] =	vst v59  }
0x24f: {  	v47 =	vld [tilespmem:s9+$0x4C70];
	[tilespmem:s31+$0x11000] =	vst v63  }
0x250: {  	v48 =	vld [tilespmem:s5+$0xC00]  }
0x251: {  	v49 =	vld [tilespmem:s5+$0xC10]  }
0x252: {  	s12 =	sor.u32 $0x1C00, s13;
	[tilespmem:s0+$0xC00] =	vst v24;
	v50 =	vld [tilespmem:s5+$0xC20]  }
0x253: {  	[tilespmem:s12+$0x11000] =	vst v28;
	v51 =	vld [tilespmem:s5+$0xC30]  }
0x254: {  	s14 =	sor.u32 $0x1C10, s13;
	[tilespmem:s0+$0xC10] =	vst v25;
	v52 =	vld [tilespmem:s8+$0x4C00]  }
0x255: {  	[tilespmem:s14+$0x11000] =	vst v29;
	v53 =	vld [tilespmem:s8+$0x4C10]  }
0x256: {  	[tilespmem:s0+$0xC20] =	vst v26;
	v54 =	vld [tilespmem:s8+$0x4C20]  }
0x257: {  	s15 =	sor.u32 $0x1C20, s13;
	v55 =	vld [tilespmem:s8+$0x4C30];
	[tilespmem:s29+$0x9C0] =	vst v32  }
0x258: {  	s31 =	sor.u32 $0x1840, s1;
	[tilespmem:s15+$0x11000] =	vst v30  }
0x259: {  	[tilespmem:s31+$0x11000] =	vst v36  }
0x25a: {  	s10 =	sor.u32 $0x1850, s1;
	[tilespmem:s29+$0x9D0] =	vst v33  }
0x25b: {  	[tilespmem:s10+$0x11000] =	vst v37  }
0x25c: {  	s12 =	sor.u32 $0x1860, s1;
	[tilespmem:s29+$0x9E0] =	vst v34  }
0x25d: {  	[tilespmem:s12+$0x11000] =	vst v38  }
0x25e: {  	s14 =	sor.u32 $0x1870, s1;
	[tilespmem:s29+$0x9F0] =	vst v35  }
0x25f: {  	[tilespmem:s14+$0x11000] =	vst v39  }
0x260: {  	s30 =	sor.u32 $0x1C30, s13;
	[tilespmem:s0+$0xC30] =	vst v27;
	v56 =	vld [tilespmem:s5+$0xC40]  }
0x261: {  	[tilespmem:s30+$0x11000] =	vst v31;
	v57 =	vld [tilespmem:s5+$0xC50]  }
0x262: {  	s15 =	sor.u32 $0x1C40, s13;
	[tilespmem:s0+$0xC40] =	vst v40;
	v58 =	vld [tilespmem:s5+$0xC60]  }
0x263: {  	[tilespmem:s15+$0x11000] =	vst v44;
	v59 =	vld [tilespmem:s5+$0xC70]  }
0x264: {  	s30 =	sor.u32 $0x1C50, s13;
	[tilespmem:s0+$0xC50] =	vst v41;
	v60 =	vld [tilespmem:s8+$0x4C40]  }
0x265: {  	[tilespmem:s30+$0x11000] =	vst v45;
	v61 =	vld [tilespmem:s8+$0x4C50]  }
0x266: {  	[tilespmem:s0+$0xC60] =	vst v42;
	v62 =	vld [tilespmem:s8+$0x4C60]  }
0x267: {  	s31 =	sor.u32 $0x1C60, s13;
	v63 =	vld [tilespmem:s8+$0x4C70];
	[tilespmem:s29+$0xD80] =	vst v48  }
0x268: {  	s9 =	sor.u32 $0x1C00, s1;
	[tilespmem:s31+$0x11000] =	vst v46  }
0x269: {  	[tilespmem:s9+$0x11000] =	vst v52  }
0x26a: {  	[tilespmem:s0+$0xC70] =	vst v43  }
0x26b: {  	s5 =	sor.u32 $0x1C70, s13;
	[tilespmem:s29+$0xD90] =	vst v49  }
0x26c: {  	s10 =	sor.u32 $0x1C10, s1;
	[tilespmem:s5+$0x11000] =	vst v47  }
0x26d: {  	[tilespmem:s10+$0x11000] =	vst v53  }
0x26e: {  	s12 =	sor.u32 $0x1C20, s1;
	[tilespmem:s29+$0xDA0] =	vst v50  }
0x26f: {  	[tilespmem:s12+$0x11000] =	vst v54  }
0x270: {  	s13 =	sor.u32 $0x1C30, s1;
	[tilespmem:s29+$0xDB0] =	vst v51  }
0x271: {  	[tilespmem:s13+$0x11000] =	vst v55  }
0x272: {  	s14 =	sor.u32 $0x1C40, s1;
	[tilespmem:s29+$0xDC0] =	vst v56  }
0x273: {  	s23 =	sadd.s32 $0x4, s23;
	[tilespmem:s14+$0x11000] =	vst v60  }
0x274: {  	p1 =	slt.u32 s23, $0x1C;
	s15 =	sor.u32 $0x1C50, s1;
	[tilespmem:s29+$0xDD0] =	vst v57  }
.Ltmp1:
0x275: {  	[tilespmem:s15+$0x11000] =	vst v61;
	(pc) =	sbr.rel @p1 .LBB2_5-.Ltmp1, $4  }
0x276: {  	s30 =	sor.u32 $0x1C60, s1;
	[tilespmem:s29+$0xDE0] =	vst v58  }
0x277: {  	p0 =	por !p0, !p0;
	[tilespmem:s30+$0x11000] =	vst v62  }
0x278: {  	s22 =	sadd.s32 $0x4, s22;
	s26 =	sadd.s32 $0x2, s26;
	s31 =	sor.u32 $0x1C70, s1;
	[tilespmem:s29+$0xDF0] =	vst v59  }
0x279: {  	s24 =	sadd.s32 $0x200, s24;
	s28 =	sadd.s32 $0x1000, s28;
	s25 =	sadd.s32 $0x4, s25;
	[tilespmem:s31+$0x11000] =	vst v63  }
0x27a: {  	s20 =	sadd.s32 $0x1, s20  }
0x27b: {  	p0 =	sne.s32 s20, $0x20  }
.Ltmp2:
0x27c: {  	_ = 	snop;
	(pc) =	sbr.rel @p0 .LBB2_2-.Ltmp2, $4  }
0x27d: {  	s0 =	sadd.s32 s3, s21  }
0x27e: {  	s0 =	sshll.u32 s0, $0x7  }
0x27f: {  	s0 =	sadd.s32 s2, s0  }
0x280: {  	[hbm4b:s0+s4] =	stream.linear.scatter [tilespmem:s17], [sflag:$0x2], $0x8000, $0x38;
	[tilespmem:$0x19000] =	vst v63  }
0x281: {  	s0 =	simm.s32 $0x1  }
0x282: {  	_ =	swait.ge [sflag:s0], $0x8000  }
0x283: {  	[sflag:s0] =	ssyncset.done $0x0  }
0x284: {  	[sflag:s0] =	ssyncadd.s32 $0xFFFF8000  }
0x285: {  	_ =	swait.ge [sflag:s18], $0x8000  }
0x286: {  	s19 =	sadd.s32 $0x1, s19;
	s31 =	rddreg [dreg:$0x7]  }
0x287: {  	p0 =	sne.s32 s19, s31  }
.Ltmp3:
0x288: {  	_ = 	snop;
	(pc) =	sbr.rel @p0 .LBB2_1-.Ltmp3, $3  }
0x289: {  	_ =	sdelay $0x1  }
0x28a: {  	[sflag:s18] =	ssyncset.done $0x0  }
0x28b: {  	[sflag:s18] =	ssyncadd.s32 $0xFFFF8000  }
0x28c: {  	_ =	sfence.sel $0x180000  }
0x28d: {  	[bflag:$0x0] =	sbarrier.arrive $0xFFFF  }
0x28e: {  	_ =	strace $0x90000047  }
0x28f: {  	s0 =	stileid.u32;
	[bflag:$0x2] =	sbarrier.arrive $0xFFFF  }
0x290: {  	p0 =	sne.s32 s0, $0x0;
	s0 =	rddreg [dreg:$0x3]  }
0x291: {  	s0 =	sadd.s32 @!p0 $0x100000, s0  }
0x292: {  	[sflag:s0] =	ssyncadd.tile.s32 @!p0 $0x1;
	_ =	shalt  }
.Lfunc_end2:
_tile_overlayer_lowered:
.L_overlay_start_2:
0x293: {  	(tag) =	ssettag $0x2  }
0x294: {  	s0 =	rddreg [dreg:$0x0];
	s2 =	stileid.u32  }
0x295: {  	s1 =	rddreg [dreg:$0x1];
	p0 =	sne.s32 s2, $0x0  }
0x296: {  	s3 =	rddreg [dreg:$0x2];
	[bflag:$0x3] =	sbarrier.arrive $0xFFFF;
	s2 =	simm.s32 @!p0 $0x1C03  }
0x297: {  	[timem:s3], [sflag:s2] =	dma.local @!p0 [hbm:s0], s1  }
0x298: {  	s0 =	simm.s32 @!p0 $0x3  }
0x299: {  	_ =	swait.ge @!p0 [sflag:s0], s1  }
0x29a: {  	s1 =	ssub.s32 @!p0 $0x0, s1;
	[sflag:s0] =	ssyncset.done @!p0 $0x0  }
0x29b: {  	[sflag:s0] =	ssyncadd.s32 @!p0 s1  }
0x29c: {  	[bflag:$0x3] =	sbarrier.arrive $0xFFFF  }
0x29d: {  	_ =	shalt  }

</sc_bundles>
